<compile_context>
chip_gen: v7x
topology: tpu7x:2x2x1
jax: 0.10.2.dev20260603
libtpu: 0.0.44.dev20260713+nightly
codegen_flags: <defaults>
</compile_context>

<pallas_src>
import functools

import jax
import jax.numpy as jnp
from jax import lax
from jax.experimental import pallas as pl
from jax.experimental.pallas import tpu as pltpu
from jax.experimental.pallas import tpu_sc as plsc

N = 10000
E = 320000
D = 128
G = 64
T = 10
NC, NS, L = 2, 16, 16
NW = NC * NS
CH = 128
CPW = -(-E // (NW * CH))
EPAD = NW * CPW * CH
NPAD = N + 112
RPT = NPAD // NS
R = 2528
GRID = NPAD // R
F32 = jnp.float32
HIGH = lax.Precision.HIGHEST


def _mesh():
    return plsc.VectorSubcoreMesh(
        core_axis_name="c", subcore_axis_name="s",
        num_cores=NC, num_subcores=NS)


def _zero_rows(rows_v, nrows, ncols):
    z16 = jnp.zeros((L,), F32)

    def zrow(r, _):
        for j in range(ncols // L):
            rows_v[r, pl.ds(j * L, L)] = z16
        return 0

    lax.fori_loop(0, nrows, zrow, 0)


def _zero_acc_share(zsrc, acc, s):
    base = s * RPT
    off = 0
    while off < RPT:
        sz = min(CH, RPT - off)
        pltpu.sync_copy(zsrc.at[pl.ds(0, sz)], acc.at[pl.ds(base + off, sz)])
        off += sz


def _make_propagate(F):

    @functools.partial(
        pl.kernel,
        out_type=jax.ShapeDtypeStruct((NC, NPAD, F), F32),
        mesh=_mesh(),
        scratch_types=[
            pltpu.VMEM((CPW, CH), jnp.int32),
            pltpu.VMEM((CPW, CH), jnp.int32),
            pltpu.VMEM((CH, F), F32),
            pltpu.VMEM_SHARED((NPAD, F), F32),
            pltpu.SemaphoreType.DMA,
        ],
        compiler_params=pltpu.CompilerParams(use_tc_tiling_on_sc=False),
    )
    def prop(src_hbm, dst_hbm, h_hbm, out_hbm, src_v, dst_v, rows_v, acc, sem):
        c = lax.axis_index("c")
        s = lax.axis_index("s")
        wid = c * NS + s
        _zero_rows(rows_v, CH, F)
        _zero_acc_share(rows_v, acc, s)
        pltpu.sync_copy(src_hbm.at[wid], src_v)
        pltpu.sync_copy(dst_hbm.at[wid], dst_v)
        plsc.subcore_barrier()

        def body(i, _):
            pltpu.async_copy(h_hbm.at[src_v.at[i]], rows_v, sem).wait()
            pltpu.sync_copy(rows_v, acc.at[dst_v.at[i]], add=True)
            return 0

        lax.fori_loop(0, CPW, body, 0)
        plsc.subcore_barrier()
        base = s * RPT
        pltpu.sync_copy(acc.at[pl.ds(base, RPT)],
                        out_hbm.at[c, pl.ds(base, RPT)])

    return prop


def _make_degree():
    F = 16

    @functools.partial(
        pl.kernel,
        out_type=jax.ShapeDtypeStruct((NC, NPAD, F), F32),
        mesh=_mesh(),
        scratch_types=[
            pltpu.VMEM((CPW, CH), jnp.int32),
            pltpu.VMEM((CH, F), F32),
            pltpu.VMEM((CH, F), F32),
            pltpu.VMEM_SHARED((NPAD, F), F32),
        ],
        compiler_params=pltpu.CompilerParams(use_tc_tiling_on_sc=False),
    )
    def deg(dst_hbm, out_hbm, dst_v, ones_v, zeros_v, deg_acc):
        c = lax.axis_index("c")
        s = lax.axis_index("s")
        wid = c * NS + s
        one_row = jnp.where(lax.iota(jnp.int32, L) == 0, 1.0, 0.0)
        z16 = jnp.zeros((L,), F32)

        def init(r, _):
            ones_v[r, pl.ds(0, L)] = one_row
            zeros_v[r, pl.ds(0, L)] = z16
            return 0

        lax.fori_loop(0, CH, init, 0)
        _zero_acc_share(zeros_v, deg_acc, s)
        pltpu.sync_copy(dst_hbm.at[wid], dst_v)
        plsc.subcore_barrier()

        def body(i, _):
            pltpu.sync_copy(ones_v, deg_acc.at[dst_v.at[i]], add=True)
            return 0

        lax.fori_loop(0, CPW, body, 0)
        plsc.subcore_barrier()
        base = s * RPT
        pltpu.sync_copy(deg_acc.at[pl.ds(base, RPT)],
                        out_hbm.at[c, pl.ds(base, RPT)])

    return deg




def _tc1_body(d_ref, x_ref, w1_ref, dinv_ref, s1_ref):
    degsum = d_ref[0][:, 0:1] + d_ref[1][:, 0:1] + 1.0
    dinv = lax.rsqrt(degsum)
    dinv_ref[...] = dinv
    h = jnp.dot(x_ref[...], w1_ref[...],
                preferred_element_type=F32, precision=HIGH)
    s1_ref[...] = h * dinv


def _tc2_body(a_ref, s1_ref, dinv_ref, b1_ref, s2_ref):
    dv = dinv_ref[...]
    y1 = jnp.maximum(
        (a_ref[0] + a_ref[1] + s1_ref[...]) * dv + b1_ref[0:1, :], 0.0)
    s2_ref[...] = y1 * dv


def _tc3_body(a_ref, s2_ref, dinv_ref, w2_ref, b2_ref, s3_ref):
    dv = dinv_ref[...]
    q = (a_ref[0] + a_ref[1] + s2_ref[...]) * dv
    y2 = jnp.maximum(
        jnp.dot(q, w2_ref[...], preferred_element_type=F32, precision=HIGH)
        + b2_ref[0:1, :], 0.0)
    s3_ref[...] = y2 * dv


def _tc4_body(a_ref, s3_ref, dinv_ref, w3_ref, b3_ref, bat_ref,
              fw1_ref, fb1_ref, fw2_ref, fb2_ref, out_ref, pooled, cnt):
    i = pl.program_id(0)
    dv = dinv_ref[...]
    q = (a_ref[0] + a_ref[1] + s3_ref[...]) * dv
    y3 = jnp.dot(q, w3_ref[...],
                 preferred_element_type=F32, precision=HIGH) + b3_ref[0:1, :]
    gid = lax.broadcasted_iota(jnp.int32, (R, G), 1)
    m = (bat_ref[...] == gid).astype(F32)
    pm = lax.dot_general(m, y3, (((0,), (0,)), ((), ())),
                         preferred_element_type=F32, precision=HIGH)
    ones_col = jnp.ones((R, 1), F32)
    pc = lax.dot_general(m, ones_col, (((0,), (0,)), ((), ())),
                         preferred_element_type=F32, precision=HIGH)

    @pl.when(i == 0)
    def _():
        pooled[...] = pm
        cnt[...] = pc

    @pl.when(i != 0)
    def _():
        pooled[...] = pooled[...] + pm
        cnt[...] = cnt[...] + pc

    @pl.when(i == GRID - 1)
    def _():
        pmean = pooled[...] / jnp.maximum(cnt[...], 1.0)
        z = jnp.maximum(
            jnp.dot(pmean, fw1_ref[...],
                    preferred_element_type=F32, precision=HIGH)
            + fb1_ref[0:1, :], 0.0)
        out_ref[...] = jnp.dot(z, fw2_ref[...],
                               preferred_element_type=F32, precision=HIGH
                               ) + fb2_ref[0:1, :]


def _row_spec(f):
    return pl.BlockSpec((R, f), lambda i: (i, 0))


def _pair_spec(f):
    return pl.BlockSpec((NC, R, f), lambda i: (0, i, 0))


def _full_spec(r, f):
    return pl.BlockSpec((r, f), lambda i: (0, 0))


_DEG = _make_degree()
_PROP32 = _make_propagate(32)
_PROP64 = _make_propagate(64)


def kernel(x, edge_index, batch, W1, b1, W2, b2, W3, b3, fW1, fb1, fW2, fb2):
    src = edge_index[0]
    dst = edge_index[1]
    pad = EPAD - E
    src_p = jnp.concatenate(
        [src, jnp.zeros((pad,), jnp.int32)]).reshape(NW, CPW, CH)
    dst_p = jnp.concatenate(
        [dst, jnp.full((pad,), N, jnp.int32)]).reshape(NW, CPW, CH)
    xp = jnp.pad(x, ((0, NPAD - N), (0, 0)))
    bat = jnp.pad(batch, (0, NPAD - N), constant_values=G).reshape(NPAD, 1)
    b1e = jnp.broadcast_to(b1, (8, 32))
    b2e = jnp.broadcast_to(b2, (8, 64))
    b3e = jnp.broadcast_to(b3, (8, 128))
    fb1e = jnp.broadcast_to(fb1, (8, 64))
    fb2e = jnp.broadcast_to(fb2, (8, T))

    degp = _DEG(dst_p)

    dinv, s1 = pl.pallas_call(
        _tc1_body,
        grid=(GRID,),
        in_specs=[_pair_spec(16), _row_spec(D), _full_spec(D, 32)],
        out_specs=[_row_spec(1), _row_spec(32)],
        out_shape=[jax.ShapeDtypeStruct((NPAD, 1), F32),
                   jax.ShapeDtypeStruct((NPAD, 32), F32)],
    )(degp, xp, W1)

    acc1 = _PROP32(src_p, dst_p, s1)

    s2 = pl.pallas_call(
        _tc2_body,
        grid=(GRID,),
        in_specs=[_pair_spec(32), _row_spec(32), _row_spec(1),
                  _full_spec(8, 32)],
        out_specs=_row_spec(32),
        out_shape=jax.ShapeDtypeStruct((NPAD, 32), F32),
    )(acc1, s1, dinv, b1e)

    acc2 = _PROP32(src_p, dst_p, s2)

    s3 = pl.pallas_call(
        _tc3_body,
        grid=(GRID,),
        in_specs=[_pair_spec(32), _row_spec(32), _row_spec(1),
                  _full_spec(32, 64), _full_spec(8, 64)],
        out_specs=_row_spec(64),
        out_shape=jax.ShapeDtypeStruct((NPAD, 64), F32),
    )(acc2, s2, dinv, W2, b2e)

    acc3 = _PROP64(src_p, dst_p, s3)

    out = pl.pallas_call(
        _tc4_body,
        grid=(GRID,),
        in_specs=[_pair_spec(64), _row_spec(64), _row_spec(1),
                  _full_spec(64, D), _full_spec(8, D),
                  pl.BlockSpec((R, 1), lambda i: (i, 0)),
                  _full_spec(D, 64), _full_spec(8, 64),
                  _full_spec(64, T), _full_spec(8, T)],
        out_specs=pl.BlockSpec((G, T), lambda i: (0, 0)),
        out_shape=jax.ShapeDtypeStruct((G, T), F32),
        scratch_shapes=[pltpu.VMEM((G, D), F32), pltpu.VMEM((G, 1), F32)],
    )(acc3, s3, dinv, W3, b3e, bat, fW1, fb1e, fW2, fb2e)

    return out

# --- scband reference (transcript-rebuilt; emitter-appended) ---
"""Pipeline reference for scband-gcn-90589450207858 (READ-ONLY COPY).

The authoritative reference and input builder live on the scoring server;
editing this copy changes nothing except your own understanding.
"""

import jax, jax.numpy as jnp
import numpy as np

N = 10000
E = 320000
D = 128
G = 64
T = 10


def _glorot(key, shape):
    fan_in, fan_out = shape[0], shape[1]
    lim = np.sqrt(6.0 / (fan_in + fan_out))
    return jax.random.uniform(key, shape, dtype=jnp.float32, minval=-lim, maxval=lim)


def setup_inputs(seed: int = 0) -> dict:
    key = jax.random.key(seed)
    ks = jax.random.split(key, 16)
    inp = {}
    inp["x"] = jax.random.normal(ks[0], (N, D), dtype=jnp.float32)
    inp["edge_index"] = jax.random.randint(ks[1], (2, E), 0, N, dtype=jnp.int32)
    inp["batch"] = jnp.sort(jax.random.randint(ks[2], (N,), 0, G, dtype=jnp.int32))
    # GCNConv layers: in->32->64->128
    inp["W1"] = _glorot(ks[3], (D, 32))
    inp["b1"] = jnp.zeros((32,), dtype=jnp.float32)
    inp["W2"] = _glorot(ks[4], (32, 64))
    inp["b2"] = jnp.zeros((64,), dtype=jnp.float32)
    inp["W3"] = _glorot(ks[5], (64, 128))
    inp["b3"] = jnp.zeros((128,), dtype=jnp.float32)
    # fc layers: 128->64->T
    inp["fW1"] = _glorot(ks[6], (128, 64))
    inp["fb1"] = jnp.zeros((64,), dtype=jnp.float32)
    inp["fW2"] = _glorot(ks[7], (64, T))
    inp["fb2"] = jnp.zeros((T,), dtype=jnp.float32)
    return inp


def _gcn_conv(x, W, b, src, dst):
    # GCNConv with self-loops and symmetric normalization D^-1/2 A D^-1/2
    n = x.shape[0]
    h = x @ W
    loop = jnp.arange(n, dtype=src.dtype)
    s = jnp.concatenate([src, loop])
    d = jnp.concatenate([dst, loop])
    deg = jnp.zeros((n,), x.dtype).at[d].add(1.0)
    dinv = jax.lax.rsqrt(deg)  # deg >= 1 because of self-loops
    norm = dinv[s] * dinv[d]
    msg = h[s] * norm[:, None]
    out = jnp.zeros((n, W.shape[1]), x.dtype).at[d].add(msg)
    return out + b


def reference(x, edge_index, batch, W1, b1, W2, b2, W3, b3, fW1, fb1, fW2, fb2):
    src, dst = edge_index[0], edge_index[1]
    h = jax.nn.relu(_gcn_conv(x, W1, b1, src, dst))
    h = jax.nn.relu(_gcn_conv(h, W2, b2, src, dst))
    h = _gcn_conv(h, W3, b3, src, dst)
    # global_mean_pool over graph ids
    sums = jax.ops.segment_sum(h, batch, num_segments=G)
    cnt = jax.ops.segment_sum(jnp.ones((h.shape[0],), h.dtype), batch, num_segments=G)
    pooled = sums / jnp.maximum(cnt, 1.0)[:, None]
    z = jax.nn.relu(pooled @ fW1 + fb1)
    return z @ fW2 + fb2

if __name__ == "__main__":
    import jax
    _d = setup_inputs()
    print(jax.jit(kernel)(*tuple(_d.values())))

</pallas_src>

<mosaic_0001>
#map = affine_map<(d0, d1) -> (0, 0, 0)>
module attributes {stable_mosaic.version = 14 : i64} {
  func.func @deg(%arg0: i32, %arg1: i32, %arg2: memref<32x79x128xi32, #tpu.memory_space<hbm>>, %arg3: memref<2x10112x16xf32, #tpu.memory_space<hbm>>, %arg4: memref<79x128xi32, #tpu.memory_space<vmem>>, %arg5: memref<128x16xf32, #tpu.memory_space<vmem>>, %arg6: memref<128x16xf32, #tpu.memory_space<vmem>>, %arg7: memref<10112x16xf32, #tpu.memory_space<vmem_shared>>) attributes {dimension_semantics = [#tpu.dimension_semantics<core_parallel>, #tpu.dimension_semantics<subcore_parallel>], iteration_bounds = array<i64: 2, 16>, scalar_prefetch = 0 : i64, scratch_operands = 4 : i64, tpu.core_type = #tpu.core_type<sc_vector_subcore>, window_params = [{transform_indices = #map}, {transform_indices = #map}]} {
    %mul3A = arith.constant 16 : i32
    %mul3A_0 = arith.muli %arg0, %mul3A : i32
    %add3A = arith.addi %mul3A_0, %arg1 : i32
    %iota3A = tpu.iota {dimensions = array<i32: 0>} : vector<16xi32>
    %eq3A = arith.constant 0 : i32
    %eq3A_1 = vector.broadcast %eq3A : i32 to vector<16xi32>
    %eq3A_2 = arith.cmpi eq, %iota3A, %eq3A_1 : vector<16xi32>
    %jit3A = arith.constant 1.000000e+00 : f32
    %jit3A_3 = arith.constant 0.000000e+00 : f32
    %broadcast_in_dim3A = vector.broadcast %jit3A : f32 to vector<16xf32>
    %broadcast_in_dim3A_4 = vector.broadcast %jit3A_3 : f32 to vector<16xf32>
    %select_n3A = arith.select %eq3A_2, %broadcast_in_dim3A, %broadcast_in_dim3A_4 : vector<16xi1>, vector<16xf32>
    %broadcast_in_dim3A_5 = arith.constant 0.000000e+00 : f32
    %broadcast_in_dim3A_6 = vector.broadcast %broadcast_in_dim3A_5 : f32 to vector<16xf32>
    %scan3A = arith.constant 0 : i32
    %scan3A_7 = arith.constant 0 : i32
    %scan3A_8 = arith.constant 128 : i32
    %scan3A_9 = arith.addi %scan3A_7, %scan3A_8 : i32
    %scan3A_10 = arith.constant 1 : i32
    %scan3A_11 = scf.for %scan3A_35 = %scan3A_7 to %scan3A_9 step %scan3A_10 iter_args(%scan3A_36 = %scan3A) -> (i32)  : i32 {
      %swap3A = arith.index_cast %scan3A_35 : i32 to index
      %swap3A_37 = arith.constant 0 : index
      %swap3A_38 = tpu.vector_load %arg5[%swap3A, %swap3A_37] {strides = array<i32>} : memref<128x16xf32, #tpu.memory_space<vmem>>, vector<1x16xf32>,
      %swap3A_39 = vector.shape_cast %swap3A_38 : vector<1x16xf32> to vector<16xf32>
      %swap3A_40 = vector.shape_cast %select_n3A : vector<16xf32> to vector<1x16xf32>
      tpu.vector_store %arg5[%swap3A, %swap3A_37], %swap3A_40 {strides = array<i32>} : memref<128x16xf32, #tpu.memory_space<vmem>>, vector<1x16xf32>,
      %swap3A_41 = arith.index_cast %scan3A_35 : i32 to index
      %swap3A_42 = arith.constant 0 : index
      %swap3A_43 = tpu.vector_load %arg6[%swap3A_41, %swap3A_42] {strides = array<i32>} : memref<128x16xf32, #tpu.memory_space<vmem>>, vector<1x16xf32>,
      %swap3A_44 = vector.shape_cast %swap3A_43 : vector<1x16xf32> to vector<16xf32>
      %swap3A_45 = vector.shape_cast %broadcast_in_dim3A_6 : vector<16xf32> to vector<1x16xf32>
      tpu.vector_store %arg6[%swap3A_41, %swap3A_42], %swap3A_45 {strides = array<i32>} : memref<128x16xf32, #tpu.memory_space<vmem>>, vector<1x16xf32>,
      %scan3A_46 = arith.constant 0 : i32
      scf.yield %scan3A_46 : i32
    }
    %scan3A_12 = arith.constant 128 : i32
    %mul3A_13 = arith.constant 632 : i32
    %mul3A_14 = arith.muli %arg1, %mul3A_13 : i32
    %add3A_15 = arith.constant 0 : i32
    %add3A_16 = arith.addi %mul3A_14, %add3A_15 : i32
    "tpu.region"() ({
      %run_scoped3A = tpu.sem_alloc : memref<!tpu.dma_semaphore, #tpu.memory_space<semaphore_mem>>
      %dma_start3A = arith.constant 0 : i32
      %dma_start3A_35 = arith.constant 0 : i32
      %dma_start3A_36 = tpu.memref_slice %arg6[%dma_start3A, %dma_start3A_35] : memref<128x16xf32, #tpu.memory_space<vmem>> -> memref<128x16xf32, #tpu.memory_space<vmem>>
      %dma_start3A_37 = arith.constant 0 : i32
      %dma_start3A_38 = tpu.memref_slice %arg7[%add3A_16, %dma_start3A_37] : memref<10112x16xf32, #tpu.memory_space<vmem_shared>> -> memref<128x16xf32, #tpu.memory_space<vmem_shared>>
      %dma_start3A_39 = arith.constant 0 : i32
      %dma_start3A_40 = tpu.memref_slice %arg7[%add3A_16, %dma_start3A_39] : memref<10112x16xf32, #tpu.memory_space<vmem_shared>> -> memref<128x16xf32, #tpu.memory_space<vmem_shared>>
      %dma_start3A_41 = arith.constant 0 : i32
      %dma_start3A_42 = arith.constant 0 : i32
      %dma_start3A_43 = tpu.memref_slice %arg6[%dma_start3A_41, %dma_start3A_42] : memref<128x16xf32, #tpu.memory_space<vmem>> -> memref<128x16xf32, #tpu.memory_space<vmem>>
      tpu.enqueue_dma source(%dma_start3A_43 : memref<128x16xf32, #tpu.memory_space<vmem>>) target(%dma_start3A_40 : memref<128x16xf32, #tpu.memory_space<vmem_shared>>) target_semaphore(%run_scoped3A : memref<!tpu.dma_semaphore, #tpu.memory_space<semaphore_mem>>)
      %dma_wait3A = arith.constant 0 : i32
      %dma_wait3A_44 = arith.constant 0 : i32
      %dma_wait3A_45 = tpu.memref_slice %arg6[%dma_wait3A, %dma_wait3A_44] : memref<128x16xf32, #tpu.memory_space<vmem>> -> memref<128x16xf32, #tpu.memory_space<vmem>>
      %dma_wait3A_46 = arith.constant 0 : i32
      %dma_wait3A_47 = tpu.memref_slice %arg7[%add3A_16, %dma_wait3A_46] : memref<10112x16xf32, #tpu.memory_space<vmem_shared>> -> memref<128x16xf32, #tpu.memory_space<vmem_shared>>
      %dma_wait3A_48 = arith.constant 0 : i32
      %dma_wait3A_49 = tpu.memref_slice %arg7[%add3A_16, %dma_wait3A_48] : memref<10112x16xf32, #tpu.memory_space<vmem_shared>> -> memref<128x16xf32, #tpu.memory_space<vmem_shared>>
      %dma_wait3A_50 = arith.constant 0 : i32
      %dma_wait3A_51 = arith.constant 0 : i32
      %dma_wait3A_52 = tpu.memref_slice %arg6[%dma_wait3A_50, %dma_wait3A_51] : memref<128x16xf32, #tpu.memory_space<vmem>> -> memref<128x16xf32, #tpu.memory_space<vmem>>
      tpu.wait_dma2 semaphore(%run_scoped3A : memref<!tpu.dma_semaphore, #tpu.memory_space<semaphore_mem>>) src(%dma_wait3A_52 : memref<128x16xf32, #tpu.memory_space<vmem>>) dst(%dma_wait3A_49 : memref<128x16xf32, #tpu.memory_space<vmem_shared>>)
      tpu.yield
    }) : () -> ()
    %add3A_17 = arith.constant 128 : i32
    %add3A_18 = arith.addi %mul3A_14, %add3A_17 : i32
    "tpu.region"() ({
      %run_scoped3A = tpu.sem_alloc : memref<!tpu.dma_semaphore, #tpu.memory_space<semaphore_mem>>
      %dma_start3A = arith.constant 0 : i32
      %dma_start3A_35 = arith.constant 0 : i32
      %dma_start3A_36 = tpu.memref_slice %arg6[%dma_start3A, %dma_start3A_35] : memref<128x16xf32, #tpu.memory_space<vmem>> -> memref<128x16xf32, #tpu.memory_space<vmem>>
      %dma_start3A_37 = arith.constant 0 : i32
      %dma_start3A_38 = tpu.memref_slice %arg7[%add3A_18, %dma_start3A_37] : memref<10112x16xf32, #tpu.memory_space<vmem_shared>> -> memref<128x16xf32, #tpu.memory_space<vmem_shared>>
      %dma_start3A_39 = arith.constant 0 : i32
      %dma_start3A_40 = tpu.memref_slice %arg7[%add3A_18, %dma_start3A_39] : memref<10112x16xf32, #tpu.memory_space<vmem_shared>> -> memref<128x16xf32, #tpu.memory_space<vmem_shared>>
      %dma_start3A_41 = arith.constant 0 : i32
      %dma_start3A_42 = arith.constant 0 : i32
      %dma_start3A_43 = tpu.memref_slice %arg6[%dma_start3A_41, %dma_start3A_42] : memref<128x16xf32, #tpu.memory_space<vmem>> -> memref<128x16xf32, #tpu.memory_space<vmem>>
      tpu.enqueue_dma source(%dma_start3A_43 : memref<128x16xf32, #tpu.memory_space<vmem>>) target(%dma_start3A_40 : memref<128x16xf32, #tpu.memory_space<vmem_shared>>) target_semaphore(%run_scoped3A : memref<!tpu.dma_semaphore, #tpu.memory_space<semaphore_mem>>)
      %dma_wait3A = arith.constant 0 : i32
      %dma_wait3A_44 = arith.constant 0 : i32
      %dma_wait3A_45 = tpu.memref_slice %arg6[%dma_wait3A, %dma_wait3A_44] : memref<128x16xf32, #tpu.memory_space<vmem>> -> memref<128x16xf32, #tpu.memory_space<vmem>>
      %dma_wait3A_46 = arith.constant 0 : i32
      %dma_wait3A_47 = tpu.memref_slice %arg7[%add3A_18, %dma_wait3A_46] : memref<10112x16xf32, #tpu.memory_space<vmem_shared>> -> memref<128x16xf32, #tpu.memory_space<vmem_shared>>
      %dma_wait3A_48 = arith.constant 0 : i32
      %dma_wait3A_49 = tpu.memref_slice %arg7[%add3A_18, %dma_wait3A_48] : memref<10112x16xf32, #tpu.memory_space<vmem_shared>> -> memref<128x16xf32, #tpu.memory_space<vmem_shared>>
      %dma_wait3A_50 = arith.constant 0 : i32
      %dma_wait3A_51 = arith.constant 0 : i32
      %dma_wait3A_52 = tpu.memref_slice %arg6[%dma_wait3A_50, %dma_wait3A_51] : memref<128x16xf32, #tpu.memory_space<vmem>> -> memref<128x16xf32, #tpu.memory_space<vmem>>
      tpu.wait_dma2 semaphore(%run_scoped3A : memref<!tpu.dma_semaphore, #tpu.memory_space<semaphore_mem>>) src(%dma_wait3A_52 : memref<128x16xf32, #tpu.memory_space<vmem>>) dst(%dma_wait3A_49 : memref<128x16xf32, #tpu.memory_space<vmem_shared>>)
      tpu.yield
    }) : () -> ()
    %add3A_19 = arith.constant 256 : i32
    %add3A_20 = arith.addi %mul3A_14, %add3A_19 : i32
    "tpu.region"() ({
      %run_scoped3A = tpu.sem_alloc : memref<!tpu.dma_semaphore, #tpu.memory_space<semaphore_mem>>
      %dma_start3A = arith.constant 0 : i32
      %dma_start3A_35 = arith.constant 0 : i32
      %dma_start3A_36 = tpu.memref_slice %arg6[%dma_start3A, %dma_start3A_35] : memref<128x16xf32, #tpu.memory_space<vmem>> -> memref<128x16xf32, #tpu.memory_space<vmem>>
      %dma_start3A_37 = arith.constant 0 : i32
      %dma_start3A_38 = tpu.memref_slice %arg7[%add3A_20, %dma_start3A_37] : memref<10112x16xf32, #tpu.memory_space<vmem_shared>> -> memref<128x16xf32, #tpu.memory_space<vmem_shared>>
      %dma_start3A_39 = arith.constant 0 : i32
      %dma_start3A_40 = tpu.memref_slice %arg7[%add3A_20, %dma_start3A_39] : memref<10112x16xf32, #tpu.memory_space<vmem_shared>> -> memref<128x16xf32, #tpu.memory_space<vmem_shared>>
      %dma_start3A_41 = arith.constant 0 : i32
      %dma_start3A_42 = arith.constant 0 : i32
      %dma_start3A_43 = tpu.memref_slice %arg6[%dma_start3A_41, %dma_start3A_42] : memref<128x16xf32, #tpu.memory_space<vmem>> -> memref<128x16xf32, #tpu.memory_space<vmem>>
      tpu.enqueue_dma source(%dma_start3A_43 : memref<128x16xf32, #tpu.memory_space<vmem>>) target(%dma_start3A_40 : memref<128x16xf32, #tpu.memory_space<vmem_shared>>) target_semaphore(%run_scoped3A : memref<!tpu.dma_semaphore, #tpu.memory_space<semaphore_mem>>)
      %dma_wait3A = arith.constant 0 : i32
      %dma_wait3A_44 = arith.constant 0 : i32
      %dma_wait3A_45 = tpu.memref_slice %arg6[%dma_wait3A, %dma_wait3A_44] : memref<128x16xf32, #tpu.memory_space<vmem>> -> memref<128x16xf32, #tpu.memory_space<vmem>>
      %dma_wait3A_46 = arith.constant 0 : i32
      %dma_wait3A_47 = tpu.memref_slice %arg7[%add3A_20, %dma_wait3A_46] : memref<10112x16xf32, #tpu.memory_space<vmem_shared>> -> memref<128x16xf32, #tpu.memory_space<vmem_shared>>
      %dma_wait3A_48 = arith.constant 0 : i32
      %dma_wait3A_49 = tpu.memref_slice %arg7[%add3A_20, %dma_wait3A_48] : memref<10112x16xf32, #tpu.memory_space<vmem_shared>> -> memref<128x16xf32, #tpu.memory_space<vmem_shared>>
      %dma_wait3A_50 = arith.constant 0 : i32
      %dma_wait3A_51 = arith.constant 0 : i32
      %dma_wait3A_52 = tpu.memref_slice %arg6[%dma_wait3A_50, %dma_wait3A_51] : memref<128x16xf32, #tpu.memory_space<vmem>> -> memref<128x16xf32, #tpu.memory_space<vmem>>
      tpu.wait_dma2 semaphore(%run_scoped3A : memref<!tpu.dma_semaphore, #tpu.memory_space<semaphore_mem>>) src(%dma_wait3A_52 : memref<128x16xf32, #tpu.memory_space<vmem>>) dst(%dma_wait3A_49 : memref<128x16xf32, #tpu.memory_space<vmem_shared>>)
      tpu.yield
    }) : () -> ()
    %add3A_21 = arith.constant 384 : i32
    %add3A_22 = arith.addi %mul3A_14, %add3A_21 : i32
    "tpu.region"() ({
      %run_scoped3A = tpu.sem_alloc : memref<!tpu.dma_semaphore, #tpu.memory_space<semaphore_mem>>
      %dma_start3A = arith.constant 0 : i32
      %dma_start3A_35 = arith.constant 0 : i32
      %dma_start3A_36 = tpu.memref_slice %arg6[%dma_start3A, %dma_start3A_35] : memref<128x16xf32, #tpu.memory_space<vmem>> -> memref<128x16xf32, #tpu.memory_space<vmem>>
      %dma_start3A_37 = arith.constant 0 : i32
      %dma_start3A_38 = tpu.memref_slice %arg7[%add3A_22, %dma_start3A_37] : memref<10112x16xf32, #tpu.memory_space<vmem_shared>> -> memref<128x16xf32, #tpu.memory_space<vmem_shared>>
      %dma_start3A_39 = arith.constant 0 : i32
      %dma_start3A_40 = tpu.memref_slice %arg7[%add3A_22, %dma_start3A_39] : memref<10112x16xf32, #tpu.memory_space<vmem_shared>> -> memref<128x16xf32, #tpu.memory_space<vmem_shared>>
      %dma_start3A_41 = arith.constant 0 : i32
      %dma_start3A_42 = arith.constant 0 : i32
      %dma_start3A_43 = tpu.memref_slice %arg6[%dma_start3A_41, %dma_start3A_42] : memref<128x16xf32, #tpu.memory_space<vmem>> -> memref<128x16xf32, #tpu.memory_space<vmem>>
      tpu.enqueue_dma source(%dma_start3A_43 : memref<128x16xf32, #tpu.memory_space<vmem>>) target(%dma_start3A_40 : memref<128x16xf32, #tpu.memory_space<vmem_shared>>) target_semaphore(%run_scoped3A : memref<!tpu.dma_semaphore, #tpu.memory_space<semaphore_mem>>)
      %dma_wait3A = arith.constant 0 : i32
      %dma_wait3A_44 = arith.constant 0 : i32
      %dma_wait3A_45 = tpu.memref_slice %arg6[%dma_wait3A, %dma_wait3A_44] : memref<128x16xf32, #tpu.memory_space<vmem>> -> memref<128x16xf32, #tpu.memory_space<vmem>>
      %dma_wait3A_46 = arith.constant 0 : i32
      %dma_wait3A_47 = tpu.memref_slice %arg7[%add3A_22, %dma_wait3A_46] : memref<10112x16xf32, #tpu.memory_space<vmem_shared>> -> memref<128x16xf32, #tpu.memory_space<vmem_shared>>
      %dma_wait3A_48 = arith.constant 0 : i32
      %dma_wait3A_49 = tpu.memref_slice %arg7[%add3A_22, %dma_wait3A_48] : memref<10112x16xf32, #tpu.memory_space<vmem_shared>> -> memref<128x16xf32, #tpu.memory_space<vmem_shared>>
      %dma_wait3A_50 = arith.constant 0 : i32
      %dma_wait3A_51 = arith.constant 0 : i32
      %dma_wait3A_52 = tpu.memref_slice %arg6[%dma_wait3A_50, %dma_wait3A_51] : memref<128x16xf32, #tpu.memory_space<vmem>> -> memref<128x16xf32, #tpu.memory_space<vmem>>
      tpu.wait_dma2 semaphore(%run_scoped3A : memref<!tpu.dma_semaphore, #tpu.memory_space<semaphore_mem>>) src(%dma_wait3A_52 : memref<128x16xf32, #tpu.memory_space<vmem>>) dst(%dma_wait3A_49 : memref<128x16xf32, #tpu.memory_space<vmem_shared>>)
      tpu.yield
    }) : () -> ()
    %add3A_23 = arith.constant 512 : i32
    %add3A_24 = arith.addi %mul3A_14, %add3A_23 : i32
    "tpu.region"() ({
      %run_scoped3A = tpu.sem_alloc : memref<!tpu.dma_semaphore, #tpu.memory_space<semaphore_mem>>
      %dma_start3A = arith.constant 0 : i32
      %dma_start3A_35 = arith.constant 0 : i32
      %dma_start3A_36 = tpu.memref_slice %arg6[%dma_start3A, %dma_start3A_35] : memref<128x16xf32, #tpu.memory_space<vmem>> -> memref<120x16xf32, #tpu.memory_space<vmem>>
      %dma_start3A_37 = arith.constant 0 : i32
      %dma_start3A_38 = tpu.memref_slice %arg7[%add3A_24, %dma_start3A_37] : memref<10112x16xf32, #tpu.memory_space<vmem_shared>> -> memref<120x16xf32, #tpu.memory_space<vmem_shared>>
      %dma_start3A_39 = arith.constant 0 : i32
      %dma_start3A_40 = tpu.memref_slice %arg7[%add3A_24, %dma_start3A_39] : memref<10112x16xf32, #tpu.memory_space<vmem_shared>> -> memref<120x16xf32, #tpu.memory_space<vmem_shared>>
      %dma_start3A_41 = arith.constant 0 : i32
      %dma_start3A_42 = arith.constant 0 : i32
      %dma_start3A_43 = tpu.memref_slice %arg6[%dma_start3A_41, %dma_start3A_42] : memref<128x16xf32, #tpu.memory_space<vmem>> -> memref<120x16xf32, #tpu.memory_space<vmem>>
      tpu.enqueue_dma source(%dma_start3A_43 : memref<120x16xf32, #tpu.memory_space<vmem>>) target(%dma_start3A_40 : memref<120x16xf32, #tpu.memory_space<vmem_shared>>) target_semaphore(%run_scoped3A : memref<!tpu.dma_semaphore, #tpu.memory_space<semaphore_mem>>)
      %dma_wait3A = arith.constant 0 : i32
      %dma_wait3A_44 = arith.constant 0 : i32
      %dma_wait3A_45 = tpu.memref_slice %arg6[%dma_wait3A, %dma_wait3A_44] : memref<128x16xf32, #tpu.memory_space<vmem>> -> memref<120x16xf32, #tpu.memory_space<vmem>>
      %dma_wait3A_46 = arith.constant 0 : i32
      %dma_wait3A_47 = tpu.memref_slice %arg7[%add3A_24, %dma_wait3A_46] : memref<10112x16xf32, #tpu.memory_space<vmem_shared>> -> memref<120x16xf32, #tpu.memory_space<vmem_shared>>
      %dma_wait3A_48 = arith.constant 0 : i32
      %dma_wait3A_49 = tpu.memref_slice %arg7[%add3A_24, %dma_wait3A_48] : memref<10112x16xf32, #tpu.memory_space<vmem_shared>> -> memref<120x16xf32, #tpu.memory_space<vmem_shared>>
      %dma_wait3A_50 = arith.constant 0 : i32
      %dma_wait3A_51 = arith.constant 0 : i32
      %dma_wait3A_52 = tpu.memref_slice %arg6[%dma_wait3A_50, %dma_wait3A_51] : memref<128x16xf32, #tpu.memory_space<vmem>> -> memref<120x16xf32, #tpu.memory_space<vmem>>
      tpu.wait_dma2 semaphore(%run_scoped3A : memref<!tpu.dma_semaphore, #tpu.memory_space<semaphore_mem>>) src(%dma_wait3A_52 : memref<120x16xf32, #tpu.memory_space<vmem>>) dst(%dma_wait3A_49 : memref<120x16xf32, #tpu.memory_space<vmem_shared>>)
      tpu.yield
    }) : () -> ()
    "tpu.region"() ({
      %run_scoped3A = tpu.sem_alloc : memref<!tpu.dma_semaphore, #tpu.memory_space<semaphore_mem>>
      %dma_start3A = arith.constant 0 : i32
      %dma_start3A_35 = arith.constant 0 : i32
      %dma_start3A_36 = tpu.memref_slice %arg2[%add3A, %dma_start3A, %dma_start3A_35] : memref<32x79x128xi32, #tpu.memory_space<hbm>> -> memref<1x79x128xi32, #tpu.memory_space<hbm>>
      %dma_start3A_37 = tpu.memref_squeeze %dma_start3A_36 : memref<1x79x128xi32, #tpu.memory_space<hbm>> -> memref<79x128xi32, #tpu.memory_space<hbm>>
      %dma_start3A_38 = arith.constant 0 : i32
      %dma_start3A_39 = arith.constant 0 : i32
      %dma_start3A_40 = tpu.memref_slice %arg2[%add3A, %dma_start3A_38, %dma_start3A_39] : memref<32x79x128xi32, #tpu.memory_space<hbm>> -> memref<1x79x128xi32, #tpu.memory_space<hbm>>
      %dma_start3A_41 = tpu.memref_squeeze %dma_start3A_40 : memref<1x79x128xi32, #tpu.memory_space<hbm>> -> memref<79x128xi32, #tpu.memory_space<hbm>>
      tpu.enqueue_dma source(%dma_start3A_41 : memref<79x128xi32, #tpu.memory_space<hbm>>) target(%arg4 : memref<79x128xi32, #tpu.memory_space<vmem>>) target_semaphore(%run_scoped3A : memref<!tpu.dma_semaphore, #tpu.memory_space<semaphore_mem>>)
      %dma_wait3A = arith.constant 0 : i32
      %dma_wait3A_42 = arith.constant 0 : i32
      %dma_wait3A_43 = tpu.memref_slice %arg2[%add3A, %dma_wait3A, %dma_wait3A_42] : memref<32x79x128xi32, #tpu.memory_space<hbm>> -> memref<1x79x128xi32, #tpu.memory_space<hbm>>
      %dma_wait3A_44 = tpu.memref_squeeze %dma_wait3A_43 : memref<1x79x128xi32, #tpu.memory_space<hbm>> -> memref<79x128xi32, #tpu.memory_space<hbm>>
      %dma_wait3A_45 = arith.constant 0 : i32
      %dma_wait3A_46 = arith.constant 0 : i32
      %dma_wait3A_47 = tpu.memref_slice %arg2[%add3A, %dma_wait3A_45, %dma_wait3A_46] : memref<32x79x128xi32, #tpu.memory_space<hbm>> -> memref<1x79x128xi32, #tpu.memory_space<hbm>>
      %dma_wait3A_48 = tpu.memref_squeeze %dma_wait3A_47 : memref<1x79x128xi32, #tpu.memory_space<hbm>> -> memref<79x128xi32, #tpu.memory_space<hbm>>
      tpu.wait_dma2 semaphore(%run_scoped3A : memref<!tpu.dma_semaphore, #tpu.memory_space<semaphore_mem>>) src(%dma_wait3A_48 : memref<79x128xi32, #tpu.memory_space<hbm>>) dst(%arg4 : memref<79x128xi32, #tpu.memory_space<vmem>>)
      tpu.yield
    }) : () -> ()
    %barrier3A = arith.constant 0 : index
    tpu.barrier barrier_id(%barrier3A)
    %scan3A_25 = arith.constant 0 : i32
    %scan3A_26 = arith.constant 0 : i32
    %scan3A_27 = arith.constant 79 : i32
    %scan3A_28 = arith.addi %scan3A_26, %scan3A_27 : i32
    %scan3A_29 = arith.constant 1 : i32
    %scan3A_30 = scf.for %scan3A_35 = %scan3A_26 to %scan3A_28 step %scan3A_29 iter_args(%scan3A_36 = %scan3A_25) -> (i32)  : i32 {
      "tpu.region"() ({
        %run_scoped3A = tpu.sem_alloc : memref<!tpu.dma_semaphore, #tpu.memory_space<semaphore_mem>>
        %dma_start3A = arith.constant 0 : i32
        %dma_start3A_38 = tpu.memref_slice %arg4[%scan3A_35, %dma_start3A] : memref<79x128xi32, #tpu.memory_space<vmem>> -> memref<1x128xi32, #tpu.memory_space<vmem>>
        %dma_start3A_39 = tpu.memref_squeeze %dma_start3A_38 : memref<1x128xi32, #tpu.memory_space<vmem>> -> memref<128xi32, #tpu.memory_space<vmem>>
        %dma_start3A_40 = arith.constant 0 : i32
        %dma_start3A_41 = arith.constant 0 : i32
        %dma_start3A_42 = tpu.memref_slice %arg7[%dma_start3A_40, %dma_start3A_41] : memref<10112x16xf32, #tpu.memory_space<vmem_shared>> -> memref<10112x16xf32, #tpu.memory_space<vmem_shared>>
        tpu.enqueue_indirect_dma source(%arg5 : memref<128x16xf32, #tpu.memory_space<vmem>>) target(%dma_start3A_42 : memref<10112x16xf32, #tpu.memory_space<vmem_shared>>) offsets(%dma_start3A_39 : memref<128xi32, #tpu.memory_space<vmem>>) semaphore(%run_scoped3A : memref<!tpu.dma_semaphore, #tpu.memory_space<semaphore_mem>>) {add = true}
        %dma_wait3A = arith.constant 0 : i32
        %dma_wait3A_43 = tpu.memref_slice %arg4[%scan3A_35, %dma_wait3A] : memref<79x128xi32, #tpu.memory_space<vmem>> -> memref<1x128xi32, #tpu.memory_space<vmem>>
        %dma_wait3A_44 = tpu.memref_squeeze %dma_wait3A_43 : memref<1x128xi32, #tpu.memory_space<vmem>> -> memref<128xi32, #tpu.memory_space<vmem>>
        %dma_wait3A_45 = arith.constant 0 : i32
        %dma_wait3A_46 = arith.constant 0 : i32
        %dma_wait3A_47 = tpu.memref_slice %arg7[%dma_wait3A_45, %dma_wait3A_46] : memref<10112x16xf32, #tpu.memory_space<vmem_shared>> -> memref<10112x16xf32, #tpu.memory_space<vmem_shared>>
        tpu.wait_indirect_dma semaphore(%run_scoped3A : memref<!tpu.dma_semaphore, #tpu.memory_space<semaphore_mem>>) src(%arg5 : memref<128x16xf32, #tpu.memory_space<vmem>>) dst(%dma_wait3A_47 : memref<10112x16xf32, #tpu.memory_space<vmem_shared>>)
        tpu.yield
      }) : () -> ()
      %scan3A_37 = arith.constant 0 : i32
      scf.yield %scan3A_37 : i32
    }
    %scan3A_31 = arith.constant 79 : i32
    %barrier3A_32 = arith.constant 0 : index
    tpu.barrier barrier_id(%barrier3A_32)
    %mul3A_33 = arith.constant 632 : i32
    %mul3A_34 = arith.muli %arg1, %mul3A_33 : i32
    "tpu.region"() ({
      %run_scoped3A = tpu.sem_alloc : memref<!tpu.dma_semaphore, #tpu.memory_space<semaphore_mem>>
      %dma_start3A = arith.constant 0 : i32
      %dma_start3A_35 = tpu.memref_slice %arg3[%arg0, %mul3A_34, %dma_start3A] : memref<2x10112x16xf32, #tpu.memory_space<hbm>> -> memref<1x632x16xf32, #tpu.memory_space<hbm>>
      %dma_start3A_36 = tpu.memref_squeeze %dma_start3A_35 : memref<1x632x16xf32, #tpu.memory_space<hbm>> -> memref<632x16xf32, #tpu.memory_space<hbm>>
      %dma_start3A_37 = arith.constant 0 : i32
      %dma_start3A_38 = tpu.memref_slice %arg7[%mul3A_34, %dma_start3A_37] : memref<10112x16xf32, #tpu.memory_space<vmem_shared>> -> memref<632x16xf32, #tpu.memory_space<vmem_shared>>
      tpu.enqueue_dma source(%dma_start3A_38 : memref<632x16xf32, #tpu.memory_space<vmem_shared>>) target(%dma_start3A_36 : memref<632x16xf32, #tpu.memory_space<hbm>>) target_semaphore(%run_scoped3A : memref<!tpu.dma_semaphore, #tpu.memory_space<semaphore_mem>>)
      %dma_wait3A = arith.constant 0 : i32
      %dma_wait3A_39 = tpu.memref_slice %arg3[%arg0, %mul3A_34, %dma_wait3A] : memref<2x10112x16xf32, #tpu.memory_space<hbm>> -> memref<1x632x16xf32, #tpu.memory_space<hbm>>
      %dma_wait3A_40 = tpu.memref_squeeze %dma_wait3A_39 : memref<1x632x16xf32, #tpu.memory_space<hbm>> -> memref<632x16xf32, #tpu.memory_space<hbm>>
      %dma_wait3A_41 = arith.constant 0 : i32
      %dma_wait3A_42 = tpu.memref_slice %arg7[%mul3A_34, %dma_wait3A_41] : memref<10112x16xf32, #tpu.memory_space<vmem_shared>> -> memref<632x16xf32, #tpu.memory_space<vmem_shared>>
      tpu.wait_dma2 semaphore(%run_scoped3A : memref<!tpu.dma_semaphore, #tpu.memory_space<semaphore_mem>>) src(%dma_wait3A_42 : memref<632x16xf32, #tpu.memory_space<vmem_shared>>) dst(%dma_wait3A_40 : memref<632x16xf32, #tpu.memory_space<hbm>>)
      tpu.yield
    }) : () -> ()
    return
  }
}

#map = affine_map<(d0, d1) -> (0, 0, 0)>
#map1 = affine_map<(d0, d1) -> (0, 0)>
module attributes {stable_mosaic.version = 14 : i64} {
  func.func @prop(%arg0: i32, %arg1: i32, %arg2: memref<32x79x128xi32, #tpu.memory_space<hbm>>, %arg3: memref<32x79x128xi32, #tpu.memory_space<hbm>>, %arg4: memref<10112x64xf32, #tpu.memory_space<hbm>>, %arg5: memref<2x10112x64xf32, #tpu.memory_space<hbm>>, %arg6: memref<79x128xi32, #tpu.memory_space<vmem>>, %arg7: memref<79x128xi32, #tpu.memory_space<vmem>>, %arg8: memref<128x64xf32, #tpu.memory_space<vmem>>, %arg9: memref<10112x64xf32, #tpu.memory_space<vmem_shared>>, %arg10: memref<!tpu.dma_semaphore, #tpu.memory_space<semaphore_mem>>) attributes {dimension_semantics = [#tpu.dimension_semantics<core_parallel>, #tpu.dimension_semantics<subcore_parallel>], iteration_bounds = array<i64: 2, 16>, scalar_prefetch = 0 : i64, scratch_operands = 5 : i64, tpu.core_type = #tpu.core_type<sc_vector_subcore>, window_params = [{transform_indices = #map}, {transform_indices = #map}, {transform_indices = #map1}, {transform_indices = #map}]} {
    %mul3A = arith.constant 16 : i32
    %mul3A_0 = arith.muli %arg0, %mul3A : i32
    %add3A = arith.addi %mul3A_0, %arg1 : i32
    %broadcast_in_dim3A = arith.constant 0.000000e+00 : f32
    %broadcast_in_dim3A_1 = vector.broadcast %broadcast_in_dim3A : f32 to vector<16xf32>
    %scan3A = arith.constant 0 : i32
    %scan3A_2 = arith.constant 0 : i32
    %scan3A_3 = arith.constant 128 : i32
    %scan3A_4 = arith.addi %scan3A_2, %scan3A_3 : i32
    %scan3A_5 = arith.constant 1 : i32
    %scan3A_6 = scf.for %scan3A_30 = %scan3A_2 to %scan3A_4 step %scan3A_5 iter_args(%scan3A_31 = %scan3A) -> (i32)  : i32 {
      %swap3A = arith.index_cast %scan3A_30 : i32 to index
      %swap3A_32 = arith.constant 0 : index
      %swap3A_33 = tpu.vector_load %arg8[%swap3A, %swap3A_32] {strides = array<i32>} : memref<128x64xf32, #tpu.memory_space<vmem>>, vector<1x16xf32>,
      %swap3A_34 = vector.shape_cast %swap3A_33 : vector<1x16xf32> to vector<16xf32>
      %swap3A_35 = vector.shape_cast %broadcast_in_dim3A_1 : vector<16xf32> to vector<1x16xf32>
      tpu.vector_store %arg8[%swap3A, %swap3A_32], %swap3A_35 {strides = array<i32>} : memref<128x64xf32, #tpu.memory_space<vmem>>, vector<1x16xf32>,
      %swap3A_36 = arith.index_cast %scan3A_30 : i32 to index
      %swap3A_37 = arith.constant 16 : index
      %swap3A_38 = tpu.vector_load %arg8[%swap3A_36, %swap3A_37] {strides = array<i32>} : memref<128x64xf32, #tpu.memory_space<vmem>>, vector<1x16xf32>,
      %swap3A_39 = vector.shape_cast %swap3A_38 : vector<1x16xf32> to vector<16xf32>
      %swap3A_40 = vector.shape_cast %broadcast_in_dim3A_1 : vector<16xf32> to vector<1x16xf32>
      tpu.vector_store %arg8[%swap3A_36, %swap3A_37], %swap3A_40 {strides = array<i32>} : memref<128x64xf32, #tpu.memory_space<vmem>>, vector<1x16xf32>,
      %swap3A_41 = arith.index_cast %scan3A_30 : i32 to index
      %swap3A_42 = arith.constant 32 : index
      %swap3A_43 = tpu.vector_load %arg8[%swap3A_41, %swap3A_42] {strides = array<i32>} : memref<128x64xf32, #tpu.memory_space<vmem>>, vector<1x16xf32>,
      %swap3A_44 = vector.shape_cast %swap3A_43 : vector<1x16xf32> to vector<16xf32>
      %swap3A_45 = vector.shape_cast %broadcast_in_dim3A_1 : vector<16xf32> to vector<1x16xf32>
      tpu.vector_store %arg8[%swap3A_41, %swap3A_42], %swap3A_45 {strides = array<i32>} : memref<128x64xf32, #tpu.memory_space<vmem>>, vector<1x16xf32>,
      %swap3A_46 = arith.index_cast %scan3A_30 : i32 to index
      %swap3A_47 = arith.constant 48 : index
      %swap3A_48 = tpu.vector_load %arg8[%swap3A_46, %swap3A_47] {strides = array<i32>} : memref<128x64xf32, #tpu.memory_space<vmem>>, vector<1x16xf32>,
      %swap3A_49 = vector.shape_cast %swap3A_48 : vector<1x16xf32> to vector<16xf32>
      %swap3A_50 = vector.shape_cast %broadcast_in_dim3A_1 : vector<16xf32> to vector<1x16xf32>
      tpu.vector_store %arg8[%swap3A_46, %swap3A_47], %swap3A_50 {strides = array<i32>} : memref<128x64xf32, #tpu.memory_space<vmem>>, vector<1x16xf32>,
      %scan3A_51 = arith.constant 0 : i32
      scf.yield %scan3A_51 : i32
    }
    %scan3A_7 = arith.constant 128 : i32
    %mul3A_8 = arith.constant 632 : i32
    %mul3A_9 = arith.muli %arg1, %mul3A_8 : i32
    %add3A_10 = arith.constant 0 : i32
    %add3A_11 = arith.addi %mul3A_9, %add3A_10 : i32
    "tpu.region"() ({
      %run_scoped3A = tpu.sem_alloc : memref<!tpu.dma_semaphore, #tpu.memory_space<semaphore_mem>>
      %dma_start3A = arith.constant 0 : i32
      %dma_start3A_30 = arith.constant 0 : i32
      %dma_start3A_31 = tpu.memref_slice %arg8[%dma_start3A, %dma_start3A_30] : memref<128x64xf32, #tpu.memory_space<vmem>> -> memref<128x64xf32, #tpu.memory_space<vmem>>
      %dma_start3A_32 = arith.constant 0 : i32
      %dma_start3A_33 = tpu.memref_slice %arg9[%add3A_11, %dma_start3A_32] : memref<10112x64xf32, #tpu.memory_space<vmem_shared>> -> memref<128x64xf32, #tpu.memory_space<vmem_shared>>
      %dma_start3A_34 = arith.constant 0 : i32
      %dma_start3A_35 = tpu.memref_slice %arg9[%add3A_11, %dma_start3A_34] : memref<10112x64xf32, #tpu.memory_space<vmem_shared>> -> memref<128x64xf32, #tpu.memory_space<vmem_shared>>
      %dma_start3A_36 = arith.constant 0 : i32
      %dma_start3A_37 = arith.constant 0 : i32
      %dma_start3A_38 = tpu.memref_slice %arg8[%dma_start3A_36, %dma_start3A_37] : memref<128x64xf32, #tpu.memory_space<vmem>> -> memref<128x64xf32, #tpu.memory_space<vmem>>
      tpu.enqueue_dma source(%dma_start3A_38 : memref<128x64xf32, #tpu.memory_space<vmem>>) target(%dma_start3A_35 : memref<128x64xf32, #tpu.memory_space<vmem_shared>>) target_semaphore(%run_scoped3A : memref<!tpu.dma_semaphore, #tpu.memory_space<semaphore_mem>>)
      %dma_wait3A = arith.constant 0 : i32
      %dma_wait3A_39 = arith.constant 0 : i32
      %dma_wait3A_40 = tpu.memref_slice %arg8[%dma_wait3A, %dma_wait3A_39] : memref<128x64xf32, #tpu.memory_space<vmem>> -> memref<128x64xf32, #tpu.memory_space<vmem>>
      %dma_wait3A_41 = arith.constant 0 : i32
      %dma_wait3A_42 = tpu.memref_slice %arg9[%add3A_11, %dma_wait3A_41] : memref<10112x64xf32, #tpu.memory_space<vmem_shared>> -> memref<128x64xf32, #tpu.memory_space<vmem_shared>>
      %dma_wait3A_43 = arith.constant 0 : i32
      %dma_wait3A_44 = tpu.memref_slice %arg9[%add3A_11, %dma_wait3A_43] : memref<10112x64xf32, #tpu.memory_space<vmem_shared>> -> memref<128x64xf32, #tpu.memory_space<vmem_shared>>
      %dma_wait3A_45 = arith.constant 0 : i32
      %dma_wait3A_46 = arith.constant 0 : i32
      %dma_wait3A_47 = tpu.memref_slice %arg8[%dma_wait3A_45, %dma_wait3A_46] : memref<128x64xf32, #tpu.memory_space<vmem>> -> memref<128x64xf32, #tpu.memory_space<vmem>>
      tpu.wait_dma2 semaphore(%run_scoped3A : memref<!tpu.dma_semaphore, #tpu.memory_space<semaphore_mem>>) src(%dma_wait3A_47 : memref<128x64xf32, #tpu.memory_space<vmem>>) dst(%dma_wait3A_44 : memref<128x64xf32, #tpu.memory_space<vmem_shared>>)
      tpu.yield
    }) : () -> ()
    %add3A_12 = arith.constant 128 : i32
    %add3A_13 = arith.addi %mul3A_9, %add3A_12 : i32
    "tpu.region"() ({
      %run_scoped3A = tpu.sem_alloc : memref<!tpu.dma_semaphore, #tpu.memory_space<semaphore_mem>>
      %dma_start3A = arith.constant 0 : i32
      %dma_start3A_30 = arith.constant 0 : i32
      %dma_start3A_31 = tpu.memref_slice %arg8[%dma_start3A, %dma_start3A_30] : memref<128x64xf32, #tpu.memory_space<vmem>> -> memref<128x64xf32, #tpu.memory_space<vmem>>
      %dma_start3A_32 = arith.constant 0 : i32
      %dma_start3A_33 = tpu.memref_slice %arg9[%add3A_13, %dma_start3A_32] : memref<10112x64xf32, #tpu.memory_space<vmem_shared>> -> memref<128x64xf32, #tpu.memory_space<vmem_shared>>
      %dma_start3A_34 = arith.constant 0 : i32
      %dma_start3A_35 = tpu.memref_slice %arg9[%add3A_13, %dma_start3A_34] : memref<10112x64xf32, #tpu.memory_space<vmem_shared>> -> memref<128x64xf32, #tpu.memory_space<vmem_shared>>
      %dma_start3A_36 = arith.constant 0 : i32
      %dma_start3A_37 = arith.constant 0 : i32
      %dma_start3A_38 = tpu.memref_slice %arg8[%dma_start3A_36, %dma_start3A_37] : memref<128x64xf32, #tpu.memory_space<vmem>> -> memref<128x64xf32, #tpu.memory_space<vmem>>
      tpu.enqueue_dma source(%dma_start3A_38 : memref<128x64xf32, #tpu.memory_space<vmem>>) target(%dma_start3A_35 : memref<128x64xf32, #tpu.memory_space<vmem_shared>>) target_semaphore(%run_scoped3A : memref<!tpu.dma_semaphore, #tpu.memory_space<semaphore_mem>>)
      %dma_wait3A = arith.constant 0 : i32
      %dma_wait3A_39 = arith.constant 0 : i32
      %dma_wait3A_40 = tpu.memref_slice %arg8[%dma_wait3A, %dma_wait3A_39] : memref<128x64xf32, #tpu.memory_space<vmem>> -> memref<128x64xf32, #tpu.memory_space<vmem>>
      %dma_wait3A_41 = arith.constant 0 : i32
      %dma_wait3A_42 = tpu.memref_slice %arg9[%add3A_13, %dma_wait3A_41] : memref<10112x64xf32, #tpu.memory_space<vmem_shared>> -> memref<128x64xf32, #tpu.memory_space<vmem_shared>>
      %dma_wait3A_43 = arith.constant 0 : i32
      %dma_wait3A_44 = tpu.memref_slice %arg9[%add3A_13, %dma_wait3A_43] : memref<10112x64xf32, #tpu.memory_space<vmem_shared>> -> memref<128x64xf32, #tpu.memory_space<vmem_shared>>
      %dma_wait3A_45 = arith.constant 0 : i32
      %dma_wait3A_46 = arith.constant 0 : i32
      %dma_wait3A_47 = tpu.memref_slice %arg8[%dma_wait3A_45, %dma_wait3A_46] : memref<128x64xf32, #tpu.memory_space<vmem>> -> memref<128x64xf32, #tpu.memory_space<vmem>>
      tpu.wait_dma2 semaphore(%run_scoped3A : memref<!tpu.dma_semaphore, #tpu.memory_space<semaphore_mem>>) src(%dma_wait3A_47 : memref<128x64xf32, #tpu.memory_space<vmem>>) dst(%dma_wait3A_44 : memref<128x64xf32, #tpu.memory_space<vmem_shared>>)
      tpu.yield
    }) : () -> ()
    %add3A_14 = arith.constant 256 : i32
    %add3A_15 = arith.addi %mul3A_9, %add3A_14 : i32
    "tpu.region"() ({
      %run_scoped3A = tpu.sem_alloc : memref<!tpu.dma_semaphore, #tpu.memory_space<semaphore_mem>>
      %dma_start3A = arith.constant 0 : i32
      %dma_start3A_30 = arith.constant 0 : i32
      %dma_start3A_31 = tpu.memref_slice %arg8[%dma_start3A, %dma_start3A_30] : memref<128x64xf32, #tpu.memory_space<vmem>> -> memref<128x64xf32, #tpu.memory_space<vmem>>
      %dma_start3A_32 = arith.constant 0 : i32
      %dma_start3A_33 = tpu.memref_slice %arg9[%add3A_15, %dma_start3A_32] : memref<10112x64xf32, #tpu.memory_space<vmem_shared>> -> memref<128x64xf32, #tpu.memory_space<vmem_shared>>
      %dma_start3A_34 = arith.constant 0 : i32
      %dma_start3A_35 = tpu.memref_slice %arg9[%add3A_15, %dma_start3A_34] : memref<10112x64xf32, #tpu.memory_space<vmem_shared>> -> memref<128x64xf32, #tpu.memory_space<vmem_shared>>
      %dma_start3A_36 = arith.constant 0 : i32
      %dma_start3A_37 = arith.constant 0 : i32
      %dma_start3A_38 = tpu.memref_slice %arg8[%dma_start3A_36, %dma_start3A_37] : memref<128x64xf32, #tpu.memory_space<vmem>> -> memref<128x64xf32, #tpu.memory_space<vmem>>
      tpu.enqueue_dma source(%dma_start3A_38 : memref<128x64xf32, #tpu.memory_space<vmem>>) target(%dma_start3A_35 : memref<128x64xf32, #tpu.memory_space<vmem_shared>>) target_semaphore(%run_scoped3A : memref<!tpu.dma_semaphore, #tpu.memory_space<semaphore_mem>>)
      %dma_wait3A = arith.constant 0 : i32
      %dma_wait3A_39 = arith.constant 0 : i32
      %dma_wait3A_40 = tpu.memref_slice %arg8[%dma_wait3A, %dma_wait3A_39] : memref<128x64xf32, #tpu.memory_space<vmem>> -> memref<128x64xf32, #tpu.memory_space<vmem>>
      %dma_wait3A_41 = arith.constant 0 : i32
      %dma_wait3A_42 = tpu.memref_slice %arg9[%add3A_15, %dma_wait3A_41] : memref<10112x64xf32, #tpu.memory_space<vmem_shared>> -> memref<128x64xf32, #tpu.memory_space<vmem_shared>>
      %dma_wait3A_43 = arith.constant 0 : i32
      %dma_wait3A_44 = tpu.memref_slice %arg9[%add3A_15, %dma_wait3A_43] : memref<10112x64xf32, #tpu.memory_space<vmem_shared>> -> memref<128x64xf32, #tpu.memory_space<vmem_shared>>
      %dma_wait3A_45 = arith.constant 0 : i32
      %dma_wait3A_46 = arith.constant 0 : i32
      %dma_wait3A_47 = tpu.memref_slice %arg8[%dma_wait3A_45, %dma_wait3A_46] : memref<128x64xf32, #tpu.memory_space<vmem>> -> memref<128x64xf32, #tpu.memory_space<vmem>>
      tpu.wait_dma2 semaphore(%run_scoped3A : memref<!tpu.dma_semaphore, #tpu.memory_space<semaphore_mem>>) src(%dma_wait3A_47 : memref<128x64xf32, #tpu.memory_space<vmem>>) dst(%dma_wait3A_44 : memref<128x64xf32, #tpu.memory_space<vmem_shared>>)
      tpu.yield
    }) : () -> ()
    %add3A_16 = arith.constant 384 : i32
    %add3A_17 = arith.addi %mul3A_9, %add3A_16 : i32
    "tpu.region"() ({
      %run_scoped3A = tpu.sem_alloc : memref<!tpu.dma_semaphore, #tpu.memory_space<semaphore_mem>>
      %dma_start3A = arith.constant 0 : i32
      %dma_start3A_30 = arith.constant 0 : i32
      %dma_start3A_31 = tpu.memref_slice %arg8[%dma_start3A, %dma_start3A_30] : memref<128x64xf32, #tpu.memory_space<vmem>> -> memref<128x64xf32, #tpu.memory_space<vmem>>
      %dma_start3A_32 = arith.constant 0 : i32
      %dma_start3A_33 = tpu.memref_slice %arg9[%add3A_17, %dma_start3A_32] : memref<10112x64xf32, #tpu.memory_space<vmem_shared>> -> memref<128x64xf32, #tpu.memory_space<vmem_shared>>
      %dma_start3A_34 = arith.constant 0 : i32
      %dma_start3A_35 = tpu.memref_slice %arg9[%add3A_17, %dma_start3A_34] : memref<10112x64xf32, #tpu.memory_space<vmem_shared>> -> memref<128x64xf32, #tpu.memory_space<vmem_shared>>
      %dma_start3A_36 = arith.constant 0 : i32
      %dma_start3A_37 = arith.constant 0 : i32
      %dma_start3A_38 = tpu.memref_slice %arg8[%dma_start3A_36, %dma_start3A_37] : memref<128x64xf32, #tpu.memory_space<vmem>> -> memref<128x64xf32, #tpu.memory_space<vmem>>
      tpu.enqueue_dma source(%dma_start3A_38 : memref<128x64xf32, #tpu.memory_space<vmem>>) target(%dma_start3A_35 : memref<128x64xf32, #tpu.memory_space<vmem_shared>>) target_semaphore(%run_scoped3A : memref<!tpu.dma_semaphore, #tpu.memory_space<semaphore_mem>>)
      %dma_wait3A = arith.constant 0 : i32
      %dma_wait3A_39 = arith.constant 0 : i32
      %dma_wait3A_40 = tpu.memref_slice %arg8[%dma_wait3A, %dma_wait3A_39] : memref<128x64xf32, #tpu.memory_space<vmem>> -> memref<128x64xf32, #tpu.memory_space<vmem>>
      %dma_wait3A_41 = arith.constant 0 : i32
      %dma_wait3A_42 = tpu.memref_slice %arg9[%add3A_17, %dma_wait3A_41] : memref<10112x64xf32, #tpu.memory_space<vmem_shared>> -> memref<128x64xf32, #tpu.memory_space<vmem_shared>>
      %dma_wait3A_43 = arith.constant 0 : i32
      %dma_wait3A_44 = tpu.memref_slice %arg9[%add3A_17, %dma_wait3A_43] : memref<10112x64xf32, #tpu.memory_space<vmem_shared>> -> memref<128x64xf32, #tpu.memory_space<vmem_shared>>
      %dma_wait3A_45 = arith.constant 0 : i32
      %dma_wait3A_46 = arith.constant 0 : i32
      %dma_wait3A_47 = tpu.memref_slice %arg8[%dma_wait3A_45, %dma_wait3A_46] : memref<128x64xf32, #tpu.memory_space<vmem>> -> memref<128x64xf32, #tpu.memory_space<vmem>>
      tpu.wait_dma2 semaphore(%run_scoped3A : memref<!tpu.dma_semaphore, #tpu.memory_space<semaphore_mem>>) src(%dma_wait3A_47 : memref<128x64xf32, #tpu.memory_space<vmem>>) dst(%dma_wait3A_44 : memref<128x64xf32, #tpu.memory_space<vmem_shared>>)
      tpu.yield
    }) : () -> ()
    %add3A_18 = arith.constant 512 : i32
    %add3A_19 = arith.addi %mul3A_9, %add3A_18 : i32
    "tpu.region"() ({
      %run_scoped3A = tpu.sem_alloc : memref<!tpu.dma_semaphore, #tpu.memory_space<semaphore_mem>>
      %dma_start3A = arith.constant 0 : i32
      %dma_start3A_30 = arith.constant 0 : i32
      %dma_start3A_31 = tpu.memref_slice %arg8[%dma_start3A, %dma_start3A_30] : memref<128x64xf32, #tpu.memory_space<vmem>> -> memref<120x64xf32, #tpu.memory_space<vmem>>
      %dma_start3A_32 = arith.constant 0 : i32
      %dma_start3A_33 = tpu.memref_slice %arg9[%add3A_19, %dma_start3A_32] : memref<10112x64xf32, #tpu.memory_space<vmem_shared>> -> memref<120x64xf32, #tpu.memory_space<vmem_shared>>
      %dma_start3A_34 = arith.constant 0 : i32
      %dma_start3A_35 = tpu.memref_slice %arg9[%add3A_19, %dma_start3A_34] : memref<10112x64xf32, #tpu.memory_space<vmem_shared>> -> memref<120x64xf32, #tpu.memory_space<vmem_shared>>
      %dma_start3A_36 = arith.constant 0 : i32
      %dma_start3A_37 = arith.constant 0 : i32
      %dma_start3A_38 = tpu.memref_slice %arg8[%dma_start3A_36, %dma_start3A_37] : memref<128x64xf32, #tpu.memory_space<vmem>> -> memref<120x64xf32, #tpu.memory_space<vmem>>
      tpu.enqueue_dma source(%dma_start3A_38 : memref<120x64xf32, #tpu.memory_space<vmem>>) target(%dma_start3A_35 : memref<120x64xf32, #tpu.memory_space<vmem_shared>>) target_semaphore(%run_scoped3A : memref<!tpu.dma_semaphore, #tpu.memory_space<semaphore_mem>>)
      %dma_wait3A = arith.constant 0 : i32
      %dma_wait3A_39 = arith.constant 0 : i32
      %dma_wait3A_40 = tpu.memref_slice %arg8[%dma_wait3A, %dma_wait3A_39] : memref<128x64xf32, #tpu.memory_space<vmem>> -> memref<120x64xf32, #tpu.memory_space<vmem>>
      %dma_wait3A_41 = arith.constant 0 : i32
      %dma_wait3A_42 = tpu.memref_slice %arg9[%add3A_19, %dma_wait3A_41] : memref<10112x64xf32, #tpu.memory_space<vmem_shared>> -> memref<120x64xf32, #tpu.memory_space<vmem_shared>>
      %dma_wait3A_43 = arith.constant 0 : i32
      %dma_wait3A_44 = tpu.memref_slice %arg9[%add3A_19, %dma_wait3A_43] : memref<10112x64xf32, #tpu.memory_space<vmem_shared>> -> memref<120x64xf32, #tpu.memory_space<vmem_shared>>
      %dma_wait3A_45 = arith.constant 0 : i32
      %dma_wait3A_46 = arith.constant 0 : i32
      %dma_wait3A_47 = tpu.memref_slice %arg8[%dma_wait3A_45, %dma_wait3A_46] : memref<128x64xf32, #tpu.memory_space<vmem>> -> memref<120x64xf32, #tpu.memory_space<vmem>>
      tpu.wait_dma2 semaphore(%run_scoped3A : memref<!tpu.dma_semaphore, #tpu.memory_space<semaphore_mem>>) src(%dma_wait3A_47 : memref<120x64xf32, #tpu.memory_space<vmem>>) dst(%dma_wait3A_44 : memref<120x64xf32, #tpu.memory_space<vmem_shared>>)
      tpu.yield
    }) : () -> ()
    "tpu.region"() ({
      %run_scoped3A = tpu.sem_alloc : memref<!tpu.dma_semaphore, #tpu.memory_space<semaphore_mem>>
      %dma_start3A = arith.constant 0 : i32
      %dma_start3A_30 = arith.constant 0 : i32
      %dma_start3A_31 = tpu.memref_slice %arg2[%add3A, %dma_start3A, %dma_start3A_30] : memref<32x79x128xi32, #tpu.memory_space<hbm>> -> memref<1x79x128xi32, #tpu.memory_space<hbm>>
      %dma_start3A_32 = tpu.memref_squeeze %dma_start3A_31 : memref<1x79x128xi32, #tpu.memory_space<hbm>> -> memref<79x128xi32, #tpu.memory_space<hbm>>
      %dma_start3A_33 = arith.constant 0 : i32
      %dma_start3A_34 = arith.constant 0 : i32
      %dma_start3A_35 = tpu.memref_slice %arg2[%add3A, %dma_start3A_33, %dma_start3A_34] : memref<32x79x128xi32, #tpu.memory_space<hbm>> -> memref<1x79x128xi32, #tpu.memory_space<hbm>>
      %dma_start3A_36 = tpu.memref_squeeze %dma_start3A_35 : memref<1x79x128xi32, #tpu.memory_space<hbm>> -> memref<79x128xi32, #tpu.memory_space<hbm>>
      tpu.enqueue_dma source(%dma_start3A_36 : memref<79x128xi32, #tpu.memory_space<hbm>>) target(%arg6 : memref<79x128xi32, #tpu.memory_space<vmem>>) target_semaphore(%run_scoped3A : memref<!tpu.dma_semaphore, #tpu.memory_space<semaphore_mem>>)
      %dma_wait3A = arith.constant 0 : i32
      %dma_wait3A_37 = arith.constant 0 : i32
      %dma_wait3A_38 = tpu.memref_slice %arg2[%add3A, %dma_wait3A, %dma_wait3A_37] : memref<32x79x128xi32, #tpu.memory_space<hbm>> -> memref<1x79x128xi32, #tpu.memory_space<hbm>>
      %dma_wait3A_39 = tpu.memref_squeeze %dma_wait3A_38 : memref<1x79x128xi32, #tpu.memory_space<hbm>> -> memref<79x128xi32, #tpu.memory_space<hbm>>
      %dma_wait3A_40 = arith.constant 0 : i32
      %dma_wait3A_41 = arith.constant 0 : i32
      %dma_wait3A_42 = tpu.memref_slice %arg2[%add3A, %dma_wait3A_40, %dma_wait3A_41] : memref<32x79x128xi32, #tpu.memory_space<hbm>> -> memref<1x79x128xi32, #tpu.memory_space<hbm>>
      %dma_wait3A_43 = tpu.memref_squeeze %dma_wait3A_42 : memref<1x79x128xi32, #tpu.memory_space<hbm>> -> memref<79x128xi32, #tpu.memory_space<hbm>>
      tpu.wait_dma2 semaphore(%run_scoped3A : memref<!tpu.dma_semaphore, #tpu.memory_space<semaphore_mem>>) src(%dma_wait3A_43 : memref<79x128xi32, #tpu.memory_space<hbm>>) dst(%arg6 : memref<79x128xi32, #tpu.memory_space<vmem>>)
      tpu.yield
    }) : () -> ()
    "tpu.region"() ({
      %run_scoped3A = tpu.sem_alloc : memref<!tpu.dma_semaphore, #tpu.memory_space<semaphore_mem>>
      %dma_start3A = arith.constant 0 : i32
      %dma_start3A_30 = arith.constant 0 : i32
      %dma_start3A_31 = tpu.memref_slice %arg3[%add3A, %dma_start3A, %dma_start3A_30] : memref<32x79x128xi32, #tpu.memory_space<hbm>> -> memref<1x79x128xi32, #tpu.memory_space<hbm>>
      %dma_start3A_32 = tpu.memref_squeeze %dma_start3A_31 : memref<1x79x128xi32, #tpu.memory_space<hbm>> -> memref<79x128xi32, #tpu.memory_space<hbm>>
      %dma_start3A_33 = arith.constant 0 : i32
      %dma_start3A_34 = arith.constant 0 : i32
      %dma_start3A_35 = tpu.memref_slice %arg3[%add3A, %dma_start3A_33, %dma_start3A_34] : memref<32x79x128xi32, #tpu.memory_space<hbm>> -> memref<1x79x128xi32, #tpu.memory_space<hbm>>
      %dma_start3A_36 = tpu.memref_squeeze %dma_start3A_35 : memref<1x79x128xi32, #tpu.memory_space<hbm>> -> memref<79x128xi32, #tpu.memory_space<hbm>>
      tpu.enqueue_dma source(%dma_start3A_36 : memref<79x128xi32, #tpu.memory_space<hbm>>) target(%arg7 : memref<79x128xi32, #tpu.memory_space<vmem>>) target_semaphore(%run_scoped3A : memref<!tpu.dma_semaphore, #tpu.memory_space<semaphore_mem>>)
      %dma_wait3A = arith.constant 0 : i32
      %dma_wait3A_37 = arith.constant 0 : i32
      %dma_wait3A_38 = tpu.memref_slice %arg3[%add3A, %dma_wait3A, %dma_wait3A_37] : memref<32x79x128xi32, #tpu.memory_space<hbm>> -> memref<1x79x128xi32, #tpu.memory_space<hbm>>
      %dma_wait3A_39 = tpu.memref_squeeze %dma_wait3A_38 : memref<1x79x128xi32, #tpu.memory_space<hbm>> -> memref<79x128xi32, #tpu.memory_space<hbm>>
      %dma_wait3A_40 = arith.constant 0 : i32
      %dma_wait3A_41 = arith.constant 0 : i32
      %dma_wait3A_42 = tpu.memref_slice %arg3[%add3A, %dma_wait3A_40, %dma_wait3A_41] : memref<32x79x128xi32, #tpu.memory_space<hbm>> -> memref<1x79x128xi32, #tpu.memory_space<hbm>>
      %dma_wait3A_43 = tpu.memref_squeeze %dma_wait3A_42 : memref<1x79x128xi32, #tpu.memory_space<hbm>> -> memref<79x128xi32, #tpu.memory_space<hbm>>
      tpu.wait_dma2 semaphore(%run_scoped3A : memref<!tpu.dma_semaphore, #tpu.memory_space<semaphore_mem>>) src(%dma_wait3A_43 : memref<79x128xi32, #tpu.memory_space<hbm>>) dst(%arg7 : memref<79x128xi32, #tpu.memory_space<vmem>>)
      tpu.yield
    }) : () -> ()
    %barrier3A = arith.constant 0 : index
    tpu.barrier barrier_id(%barrier3A)
    %scan3A_20 = arith.constant 0 : i32
    %scan3A_21 = arith.constant 0 : i32
    %scan3A_22 = arith.constant 79 : i32
    %scan3A_23 = arith.addi %scan3A_21, %scan3A_22 : i32
    %scan3A_24 = arith.constant 1 : i32
    %scan3A_25 = scf.for %scan3A_30 = %scan3A_21 to %scan3A_23 step %scan3A_24 iter_args(%scan3A_31 = %scan3A_20) -> (i32)  : i32 {
      %dma_start3A = arith.constant 0 : i32
      %dma_start3A_32 = tpu.memref_slice %arg6[%scan3A_30, %dma_start3A] : memref<79x128xi32, #tpu.memory_space<vmem>> -> memref<1x128xi32, #tpu.memory_space<vmem>>
      %dma_start3A_33 = tpu.memref_squeeze %dma_start3A_32 : memref<1x128xi32, #tpu.memory_space<vmem>> -> memref<128xi32, #tpu.memory_space<vmem>>
      %dma_start3A_34 = arith.constant 0 : i32
      %dma_start3A_35 = arith.constant 0 : i32
      %dma_start3A_36 = tpu.memref_slice %arg4[%dma_start3A_34, %dma_start3A_35] : memref<10112x64xf32, #tpu.memory_space<hbm>> -> memref<10112x64xf32, #tpu.memory_space<hbm>>
      tpu.enqueue_indirect_dma source(%dma_start3A_36 : memref<10112x64xf32, #tpu.memory_space<hbm>>) target(%arg8 : memref<128x64xf32, #tpu.memory_space<vmem>>) offsets(%dma_start3A_33 : memref<128xi32, #tpu.memory_space<vmem>>) semaphore(%arg10 : memref<!tpu.dma_semaphore, #tpu.memory_space<semaphore_mem>>)
      %dma_wait3A = arith.constant 0 : i32
      %dma_wait3A_37 = tpu.memref_slice %arg6[%scan3A_30, %dma_wait3A] : memref<79x128xi32, #tpu.memory_space<vmem>> -> memref<1x128xi32, #tpu.memory_space<vmem>>
      %dma_wait3A_38 = tpu.memref_squeeze %dma_wait3A_37 : memref<1x128xi32, #tpu.memory_space<vmem>> -> memref<128xi32, #tpu.memory_space<vmem>>
      %dma_wait3A_39 = arith.constant 0 : i32
      %dma_wait3A_40 = arith.constant 0 : i32
      %dma_wait3A_41 = tpu.memref_slice %arg4[%dma_wait3A_39, %dma_wait3A_40] : memref<10112x64xf32, #tpu.memory_space<hbm>> -> memref<10112x64xf32, #tpu.memory_space<hbm>>
      tpu.wait_indirect_dma semaphore(%arg10 : memref<!tpu.dma_semaphore, #tpu.memory_space<semaphore_mem>>) src(%dma_wait3A_41 : memref<10112x64xf32, #tpu.memory_space<hbm>>) dst(%arg8 : memref<128x64xf32, #tpu.memory_space<vmem>>)
      "tpu.region"() ({
        %run_scoped3A = tpu.sem_alloc : memref<!tpu.dma_semaphore, #tpu.memory_space<semaphore_mem>>
        %dma_start3A_43 = arith.constant 0 : i32
        %dma_start3A_44 = tpu.memref_slice %arg7[%scan3A_30, %dma_start3A_43] : memref<79x128xi32, #tpu.memory_space<vmem>> -> memref<1x128xi32, #tpu.memory_space<vmem>>
        %dma_start3A_45 = tpu.memref_squeeze %dma_start3A_44 : memref<1x128xi32, #tpu.memory_space<vmem>> -> memref<128xi32, #tpu.memory_space<vmem>>
        %dma_start3A_46 = arith.constant 0 : i32
        %dma_start3A_47 = arith.constant 0 : i32
        %dma_start3A_48 = tpu.memref_slice %arg9[%dma_start3A_46, %dma_start3A_47] : memref<10112x64xf32, #tpu.memory_space<vmem_shared>> -> memref<10112x64xf32, #tpu.memory_space<vmem_shared>>
        tpu.enqueue_indirect_dma source(%arg8 : memref<128x64xf32, #tpu.memory_space<vmem>>) target(%dma_start3A_48 : memref<10112x64xf32, #tpu.memory_space<vmem_shared>>) offsets(%dma_start3A_45 : memref<128xi32, #tpu.memory_space<vmem>>) semaphore(%run_scoped3A : memref<!tpu.dma_semaphore, #tpu.memory_space<semaphore_mem>>) {add = true}
        %dma_wait3A_49 = arith.constant 0 : i32
        %dma_wait3A_50 = tpu.memref_slice %arg7[%scan3A_30, %dma_wait3A_49] : memref<79x128xi32, #tpu.memory_space<vmem>> -> memref<1x128xi32, #tpu.memory_space<vmem>>
        %dma_wait3A_51 = tpu.memref_squeeze %dma_wait3A_50 : memref<1x128xi32, #tpu.memory_space<vmem>> -> memref<128xi32, #tpu.memory_space<vmem>>
        %dma_wait3A_52 = arith.constant 0 : i32
        %dma_wait3A_53 = arith.constant 0 : i32
        %dma_wait3A_54 = tpu.memref_slice %arg9[%dma_wait3A_52, %dma_wait3A_53] : memref<10112x64xf32, #tpu.memory_space<vmem_shared>> -> memref<10112x64xf32, #tpu.memory_space<vmem_shared>>
        tpu.wait_indirect_dma semaphore(%run_scoped3A : memref<!tpu.dma_semaphore, #tpu.memory_space<semaphore_mem>>) src(%arg8 : memref<128x64xf32, #tpu.memory_space<vmem>>) dst(%dma_wait3A_54 : memref<10112x64xf32, #tpu.memory_space<vmem_shared>>)
        tpu.yield
      }) : () -> ()
      %scan3A_42 = arith.constant 0 : i32
      scf.yield %scan3A_42 : i32
    }
    %scan3A_26 = arith.constant 79 : i32
    %barrier3A_27 = arith.constant 0 : index
    tpu.barrier barrier_id(%barrier3A_27)
    %mul3A_28 = arith.constant 632 : i32
    %mul3A_29 = arith.muli %arg1, %mul3A_28 : i32
    "tpu.region"() ({
      %run_scoped3A = tpu.sem_alloc : memref<!tpu.dma_semaphore, #tpu.memory_space<semaphore_mem>>
      %dma_start3A = arith.constant 0 : i32
      %dma_start3A_30 = tpu.memref_slice %arg5[%arg0, %mul3A_29, %dma_start3A] : memref<2x10112x64xf32, #tpu.memory_space<hbm>> -> memref<1x632x64xf32, #tpu.memory_space<hbm>>
      %dma_start3A_31 = tpu.memref_squeeze %dma_start3A_30 : memref<1x632x64xf32, #tpu.memory_space<hbm>> -> memref<632x64xf32, #tpu.memory_space<hbm>>
      %dma_start3A_32 = arith.constant 0 : i32
      %dma_start3A_33 = tpu.memref_slice %arg9[%mul3A_29, %dma_start3A_32] : memref<10112x64xf32, #tpu.memory_space<vmem_shared>> -> memref<632x64xf32, #tpu.memory_space<vmem_shared>>
      tpu.enqueue_dma source(%dma_start3A_33 : memref<632x64xf32, #tpu.memory_space<vmem_shared>>) target(%dma_start3A_31 : memref<632x64xf32, #tpu.memory_space<hbm>>) target_semaphore(%run_scoped3A : memref<!tpu.dma_semaphore, #tpu.memory_space<semaphore_mem>>)
      %dma_wait3A = arith.constant 0 : i32
      %dma_wait3A_34 = tpu.memref_slice %arg5[%arg0, %mul3A_29, %dma_wait3A] : memref<2x10112x64xf32, #tpu.memory_space<hbm>> -> memref<1x632x64xf32, #tpu.memory_space<hbm>>
      %dma_wait3A_35 = tpu.memref_squeeze %dma_wait3A_34 : memref<1x632x64xf32, #tpu.memory_space<hbm>> -> memref<632x64xf32, #tpu.memory_space<hbm>>
      %dma_wait3A_36 = arith.constant 0 : i32
      %dma_wait3A_37 = tpu.memref_slice %arg9[%mul3A_29, %dma_wait3A_36] : memref<10112x64xf32, #tpu.memory_space<vmem_shared>> -> memref<632x64xf32, #tpu.memory_space<vmem_shared>>
      tpu.wait_dma2 semaphore(%run_scoped3A : memref<!tpu.dma_semaphore, #tpu.memory_space<semaphore_mem>>) src(%dma_wait3A_37 : memref<632x64xf32, #tpu.memory_space<vmem_shared>>) dst(%dma_wait3A_35 : memref<632x64xf32, #tpu.memory_space<hbm>>)
      tpu.yield
    }) : () -> ()
    return
  }
}

#map = affine_map<(d0, d1) -> (0, 0, 0)>
#map1 = affine_map<(d0, d1) -> (0, 0)>
module attributes {stable_mosaic.version = 14 : i64} {
  func.func @prop(%arg0: i32, %arg1: i32, %arg2: memref<32x79x128xi32, #tpu.memory_space<hbm>>, %arg3: memref<32x79x128xi32, #tpu.memory_space<hbm>>, %arg4: memref<10112x32xf32, #tpu.memory_space<hbm>>, %arg5: memref<2x10112x32xf32, #tpu.memory_space<hbm>>, %arg6: memref<79x128xi32, #tpu.memory_space<vmem>>, %arg7: memref<79x128xi32, #tpu.memory_space<vmem>>, %arg8: memref<128x32xf32, #tpu.memory_space<vmem>>, %arg9: memref<10112x32xf32, #tpu.memory_space<vmem_shared>>, %arg10: memref<!tpu.dma_semaphore, #tpu.memory_space<semaphore_mem>>) attributes {dimension_semantics = [#tpu.dimension_semantics<core_parallel>, #tpu.dimension_semantics<subcore_parallel>], iteration_bounds = array<i64: 2, 16>, scalar_prefetch = 0 : i64, scratch_operands = 5 : i64, tpu.core_type = #tpu.core_type<sc_vector_subcore>, window_params = [{transform_indices = #map}, {transform_indices = #map}, {transform_indices = #map1}, {transform_indices = #map}]} {
    %mul3A = arith.constant 16 : i32
    %mul3A_0 = arith.muli %arg0, %mul3A : i32
    %add3A = arith.addi %mul3A_0, %arg1 : i32
    %broadcast_in_dim3A = arith.constant 0.000000e+00 : f32
    %broadcast_in_dim3A_1 = vector.broadcast %broadcast_in_dim3A : f32 to vector<16xf32>
    %scan3A = arith.constant 0 : i32
    %scan3A_2 = arith.constant 0 : i32
    %scan3A_3 = arith.constant 128 : i32
    %scan3A_4 = arith.addi %scan3A_2, %scan3A_3 : i32
    %scan3A_5 = arith.constant 1 : i32
    %scan3A_6 = scf.for %scan3A_30 = %scan3A_2 to %scan3A_4 step %scan3A_5 iter_args(%scan3A_31 = %scan3A) -> (i32)  : i32 {
      %swap3A = arith.index_cast %scan3A_30 : i32 to index
      %swap3A_32 = arith.constant 0 : index
      %swap3A_33 = tpu.vector_load %arg8[%swap3A, %swap3A_32] {strides = array<i32>} : memref<128x32xf32, #tpu.memory_space<vmem>>, vector<1x16xf32>,
      %swap3A_34 = vector.shape_cast %swap3A_33 : vector<1x16xf32> to vector<16xf32>
      %swap3A_35 = vector.shape_cast %broadcast_in_dim3A_1 : vector<16xf32> to vector<1x16xf32>
      tpu.vector_store %arg8[%swap3A, %swap3A_32], %swap3A_35 {strides = array<i32>} : memref<128x32xf32, #tpu.memory_space<vmem>>, vector<1x16xf32>,
      %swap3A_36 = arith.index_cast %scan3A_30 : i32 to index
      %swap3A_37 = arith.constant 16 : index
      %swap3A_38 = tpu.vector_load %arg8[%swap3A_36, %swap3A_37] {strides = array<i32>} : memref<128x32xf32, #tpu.memory_space<vmem>>, vector<1x16xf32>,
      %swap3A_39 = vector.shape_cast %swap3A_38 : vector<1x16xf32> to vector<16xf32>
      %swap3A_40 = vector.shape_cast %broadcast_in_dim3A_1 : vector<16xf32> to vector<1x16xf32>
      tpu.vector_store %arg8[%swap3A_36, %swap3A_37], %swap3A_40 {strides = array<i32>} : memref<128x32xf32, #tpu.memory_space<vmem>>, vector<1x16xf32>,
      %scan3A_41 = arith.constant 0 : i32
      scf.yield %scan3A_41 : i32
    }
    %scan3A_7 = arith.constant 128 : i32
    %mul3A_8 = arith.constant 632 : i32
    %mul3A_9 = arith.muli %arg1, %mul3A_8 : i32
    %add3A_10 = arith.constant 0 : i32
    %add3A_11 = arith.addi %mul3A_9, %add3A_10 : i32
    "tpu.region"() ({
      %run_scoped3A = tpu.sem_alloc : memref<!tpu.dma_semaphore, #tpu.memory_space<semaphore_mem>>
      %dma_start3A = arith.constant 0 : i32
      %dma_start3A_30 = arith.constant 0 : i32
      %dma_start3A_31 = tpu.memref_slice %arg8[%dma_start3A, %dma_start3A_30] : memref<128x32xf32, #tpu.memory_space<vmem>> -> memref<128x32xf32, #tpu.memory_space<vmem>>
      %dma_start3A_32 = arith.constant 0 : i32
      %dma_start3A_33 = tpu.memref_slice %arg9[%add3A_11, %dma_start3A_32] : memref<10112x32xf32, #tpu.memory_space<vmem_shared>> -> memref<128x32xf32, #tpu.memory_space<vmem_shared>>
      %dma_start3A_34 = arith.constant 0 : i32
      %dma_start3A_35 = tpu.memref_slice %arg9[%add3A_11, %dma_start3A_34] : memref<10112x32xf32, #tpu.memory_space<vmem_shared>> -> memref<128x32xf32, #tpu.memory_space<vmem_shared>>
      %dma_start3A_36 = arith.constant 0 : i32
      %dma_start3A_37 = arith.constant 0 : i32
      %dma_start3A_38 = tpu.memref_slice %arg8[%dma_start3A_36, %dma_start3A_37] : memref<128x32xf32, #tpu.memory_space<vmem>> -> memref<128x32xf32, #tpu.memory_space<vmem>>
      tpu.enqueue_dma source(%dma_start3A_38 : memref<128x32xf32, #tpu.memory_space<vmem>>) target(%dma_start3A_35 : memref<128x32xf32, #tpu.memory_space<vmem_shared>>) target_semaphore(%run_scoped3A : memref<!tpu.dma_semaphore, #tpu.memory_space<semaphore_mem>>)
      %dma_wait3A = arith.constant 0 : i32
      %dma_wait3A_39 = arith.constant 0 : i32
      %dma_wait3A_40 = tpu.memref_slice %arg8[%dma_wait3A, %dma_wait3A_39] : memref<128x32xf32, #tpu.memory_space<vmem>> -> memref<128x32xf32, #tpu.memory_space<vmem>>
      %dma_wait3A_41 = arith.constant 0 : i32
      %dma_wait3A_42 = tpu.memref_slice %arg9[%add3A_11, %dma_wait3A_41] : memref<10112x32xf32, #tpu.memory_space<vmem_shared>> -> memref<128x32xf32, #tpu.memory_space<vmem_shared>>
      %dma_wait3A_43 = arith.constant 0 : i32
      %dma_wait3A_44 = tpu.memref_slice %arg9[%add3A_11, %dma_wait3A_43] : memref<10112x32xf32, #tpu.memory_space<vmem_shared>> -> memref<128x32xf32, #tpu.memory_space<vmem_shared>>
      %dma_wait3A_45 = arith.constant 0 : i32
      %dma_wait3A_46 = arith.constant 0 : i32
      %dma_wait3A_47 = tpu.memref_slice %arg8[%dma_wait3A_45, %dma_wait3A_46] : memref<128x32xf32, #tpu.memory_space<vmem>> -> memref<128x32xf32, #tpu.memory_space<vmem>>
      tpu.wait_dma2 semaphore(%run_scoped3A : memref<!tpu.dma_semaphore, #tpu.memory_space<semaphore_mem>>) src(%dma_wait3A_47 : memref<128x32xf32, #tpu.memory_space<vmem>>) dst(%dma_wait3A_44 : memref<128x32xf32, #tpu.memory_space<vmem_shared>>)
      tpu.yield
    }) : () -> ()
    %add3A_12 = arith.constant 128 : i32
    %add3A_13 = arith.addi %mul3A_9, %add3A_12 : i32
    "tpu.region"() ({
      %run_scoped3A = tpu.sem_alloc : memref<!tpu.dma_semaphore, #tpu.memory_space<semaphore_mem>>
      %dma_start3A = arith.constant 0 : i32
      %dma_start3A_30 = arith.constant 0 : i32
      %dma_start3A_31 = tpu.memref_slice %arg8[%dma_start3A, %dma_start3A_30] : memref<128x32xf32, #tpu.memory_space<vmem>> -> memref<128x32xf32, #tpu.memory_space<vmem>>
      %dma_start3A_32 = arith.constant 0 : i32
      %dma_start3A_33 = tpu.memref_slice %arg9[%add3A_13, %dma_start3A_32] : memref<10112x32xf32, #tpu.memory_space<vmem_shared>> -> memref<128x32xf32, #tpu.memory_space<vmem_shared>>
      %dma_start3A_34 = arith.constant 0 : i32
      %dma_start3A_35 = tpu.memref_slice %arg9[%add3A_13, %dma_start3A_34] : memref<10112x32xf32, #tpu.memory_space<vmem_shared>> -> memref<128x32xf32, #tpu.memory_space<vmem_shared>>
      %dma_start3A_36 = arith.constant 0 : i32
      %dma_start3A_37 = arith.constant 0 : i32
      %dma_start3A_38 = tpu.memref_slice %arg8[%dma_start3A_36, %dma_start3A_37] : memref<128x32xf32, #tpu.memory_space<vmem>> -> memref<128x32xf32, #tpu.memory_space<vmem>>
      tpu.enqueue_dma source(%dma_start3A_38 : memref<128x32xf32, #tpu.memory_space<vmem>>) target(%dma_start3A_35 : memref<128x32xf32, #tpu.memory_space<vmem_shared>>) target_semaphore(%run_scoped3A : memref<!tpu.dma_semaphore, #tpu.memory_space<semaphore_mem>>)
      %dma_wait3A = arith.constant 0 : i32
      %dma_wait3A_39 = arith.constant 0 : i32
      %dma_wait3A_40 = tpu.memref_slice %arg8[%dma_wait3A, %dma_wait3A_39] : memref<128x32xf32, #tpu.memory_space<vmem>> -> memref<128x32xf32, #tpu.memory_space<vmem>>
      %dma_wait3A_41 = arith.constant 0 : i32
      %dma_wait3A_42 = tpu.memref_slice %arg9[%add3A_13, %dma_wait3A_41] : memref<10112x32xf32, #tpu.memory_space<vmem_shared>> -> memref<128x32xf32, #tpu.memory_space<vmem_shared>>
      %dma_wait3A_43 = arith.constant 0 : i32
      %dma_wait3A_44 = tpu.memref_slice %arg9[%add3A_13, %dma_wait3A_43] : memref<10112x32xf32, #tpu.memory_space<vmem_shared>> -> memref<128x32xf32, #tpu.memory_space<vmem_shared>>
      %dma_wait3A_45 = arith.constant 0 : i32
      %dma_wait3A_46 = arith.constant 0 : i32
      %dma_wait3A_47 = tpu.memref_slice %arg8[%dma_wait3A_45, %dma_wait3A_46] : memref<128x32xf32, #tpu.memory_space<vmem>> -> memref<128x32xf32, #tpu.memory_space<vmem>>
      tpu.wait_dma2 semaphore(%run_scoped3A : memref<!tpu.dma_semaphore, #tpu.memory_space<semaphore_mem>>) src(%dma_wait3A_47 : memref<128x32xf32, #tpu.memory_space<vmem>>) dst(%dma_wait3A_44 : memref<128x32xf32, #tpu.memory_space<vmem_shared>>)
      tpu.yield
    }) : () -> ()
    %add3A_14 = arith.constant 256 : i32
    %add3A_15 = arith.addi %mul3A_9, %add3A_14 : i32
    "tpu.region"() ({
      %run_scoped3A = tpu.sem_alloc : memref<!tpu.dma_semaphore, #tpu.memory_space<semaphore_mem>>
      %dma_start3A = arith.constant 0 : i32
      %dma_start3A_30 = arith.constant 0 : i32
      %dma_start3A_31 = tpu.memref_slice %arg8[%dma_start3A, %dma_start3A_30] : memref<128x32xf32, #tpu.memory_space<vmem>> -> memref<128x32xf32, #tpu.memory_space<vmem>>
      %dma_start3A_32 = arith.constant 0 : i32
      %dma_start3A_33 = tpu.memref_slice %arg9[%add3A_15, %dma_start3A_32] : memref<10112x32xf32, #tpu.memory_space<vmem_shared>> -> memref<128x32xf32, #tpu.memory_space<vmem_shared>>
      %dma_start3A_34 = arith.constant 0 : i32
      %dma_start3A_35 = tpu.memref_slice %arg9[%add3A_15, %dma_start3A_34] : memref<10112x32xf32, #tpu.memory_space<vmem_shared>> -> memref<128x32xf32, #tpu.memory_space<vmem_shared>>
      %dma_start3A_36 = arith.constant 0 : i32
      %dma_start3A_37 = arith.constant 0 : i32
      %dma_start3A_38 = tpu.memref_slice %arg8[%dma_start3A_36, %dma_start3A_37] : memref<128x32xf32, #tpu.memory_space<vmem>> -> memref<128x32xf32, #tpu.memory_space<vmem>>
      tpu.enqueue_dma source(%dma_start3A_38 : memref<128x32xf32, #tpu.memory_space<vmem>>) target(%dma_start3A_35 : memref<128x32xf32, #tpu.memory_space<vmem_shared>>) target_semaphore(%run_scoped3A : memref<!tpu.dma_semaphore, #tpu.memory_space<semaphore_mem>>)
      %dma_wait3A = arith.constant 0 : i32
      %dma_wait3A_39 = arith.constant 0 : i32
      %dma_wait3A_40 = tpu.memref_slice %arg8[%dma_wait3A, %dma_wait3A_39] : memref<128x32xf32, #tpu.memory_space<vmem>> -> memref<128x32xf32, #tpu.memory_space<vmem>>
      %dma_wait3A_41 = arith.constant 0 : i32
      %dma_wait3A_42 = tpu.memref_slice %arg9[%add3A_15, %dma_wait3A_41] : memref<10112x32xf32, #tpu.memory_space<vmem_shared>> -> memref<128x32xf32, #tpu.memory_space<vmem_shared>>
      %dma_wait3A_43 = arith.constant 0 : i32
      %dma_wait3A_44 = tpu.memref_slice %arg9[%add3A_15, %dma_wait3A_43] : memref<10112x32xf32, #tpu.memory_space<vmem_shared>> -> memref<128x32xf32, #tpu.memory_space<vmem_shared>>
      %dma_wait3A_45 = arith.constant 0 : i32
      %dma_wait3A_46 = arith.constant 0 : i32
      %dma_wait3A_47 = tpu.memref_slice %arg8[%dma_wait3A_45, %dma_wait3A_46] : memref<128x32xf32, #tpu.memory_space<vmem>> -> memref<128x32xf32, #tpu.memory_space<vmem>>
      tpu.wait_dma2 semaphore(%run_scoped3A : memref<!tpu.dma_semaphore, #tpu.memory_space<semaphore_mem>>) src(%dma_wait3A_47 : memref<128x32xf32, #tpu.memory_space<vmem>>) dst(%dma_wait3A_44 : memref<128x32xf32, #tpu.memory_space<vmem_shared>>)
      tpu.yield
    }) : () -> ()
    %add3A_16 = arith.constant 384 : i32
    %add3A_17 = arith.addi %mul3A_9, %add3A_16 : i32
    "tpu.region"() ({
      %run_scoped3A = tpu.sem_alloc : memref<!tpu.dma_semaphore, #tpu.memory_space<semaphore_mem>>
      %dma_start3A = arith.constant 0 : i32
      %dma_start3A_30 = arith.constant 0 : i32
      %dma_start3A_31 = tpu.memref_slice %arg8[%dma_start3A, %dma_start3A_30] : memref<128x32xf32, #tpu.memory_space<vmem>> -> memref<128x32xf32, #tpu.memory_space<vmem>>
      %dma_start3A_32 = arith.constant 0 : i32
      %dma_start3A_33 = tpu.memref_slice %arg9[%add3A_17, %dma_start3A_32] : memref<10112x32xf32, #tpu.memory_space<vmem_shared>> -> memref<128x32xf32, #tpu.memory_space<vmem_shared>>
      %dma_start3A_34 = arith.constant 0 : i32
      %dma_start3A_35 = tpu.memref_slice %arg9[%add3A_17, %dma_start3A_34] : memref<10112x32xf32, #tpu.memory_space<vmem_shared>> -> memref<128x32xf32, #tpu.memory_space<vmem_shared>>
      %dma_start3A_36 = arith.constant 0 : i32
      %dma_start3A_37 = arith.constant 0 : i32
      %dma_start3A_38 = tpu.memref_slice %arg8[%dma_start3A_36, %dma_start3A_37] : memref<128x32xf32, #tpu.memory_space<vmem>> -> memref<128x32xf32, #tpu.memory_space<vmem>>
      tpu.enqueue_dma source(%dma_start3A_38 : memref<128x32xf32, #tpu.memory_space<vmem>>) target(%dma_start3A_35 : memref<128x32xf32, #tpu.memory_space<vmem_shared>>) target_semaphore(%run_scoped3A : memref<!tpu.dma_semaphore, #tpu.memory_space<semaphore_mem>>)
      %dma_wait3A = arith.constant 0 : i32
      %dma_wait3A_39 = arith.constant 0 : i32
      %dma_wait3A_40 = tpu.memref_slice %arg8[%dma_wait3A, %dma_wait3A_39] : memref<128x32xf32, #tpu.memory_space<vmem>> -> memref<128x32xf32, #tpu.memory_space<vmem>>
      %dma_wait3A_41 = arith.constant 0 : i32
      %dma_wait3A_42 = tpu.memref_slice %arg9[%add3A_17, %dma_wait3A_41] : memref<10112x32xf32, #tpu.memory_space<vmem_shared>> -> memref<128x32xf32, #tpu.memory_space<vmem_shared>>
      %dma_wait3A_43 = arith.constant 0 : i32
      %dma_wait3A_44 = tpu.memref_slice %arg9[%add3A_17, %dma_wait3A_43] : memref<10112x32xf32, #tpu.memory_space<vmem_shared>> -> memref<128x32xf32, #tpu.memory_space<vmem_shared>>
      %dma_wait3A_45 = arith.constant 0 : i32
      %dma_wait3A_46 = arith.constant 0 : i32
      %dma_wait3A_47 = tpu.memref_slice %arg8[%dma_wait3A_45, %dma_wait3A_46] : memref<128x32xf32, #tpu.memory_space<vmem>> -> memref<128x32xf32, #tpu.memory_space<vmem>>
      tpu.wait_dma2 semaphore(%run_scoped3A : memref<!tpu.dma_semaphore, #tpu.memory_space<semaphore_mem>>) src(%dma_wait3A_47 : memref<128x32xf32, #tpu.memory_space<vmem>>) dst(%dma_wait3A_44 : memref<128x32xf32, #tpu.memory_space<vmem_shared>>)
      tpu.yield
    }) : () -> ()
    %add3A_18 = arith.constant 512 : i32
    %add3A_19 = arith.addi %mul3A_9, %add3A_18 : i32
    "tpu.region"() ({
      %run_scoped3A = tpu.sem_alloc : memref<!tpu.dma_semaphore, #tpu.memory_space<semaphore_mem>>
      %dma_start3A = arith.constant 0 : i32
      %dma_start3A_30 = arith.constant 0 : i32
      %dma_start3A_31 = tpu.memref_slice %arg8[%dma_start3A, %dma_start3A_30] : memref<128x32xf32, #tpu.memory_space<vmem>> -> memref<120x32xf32, #tpu.memory_space<vmem>>
      %dma_start3A_32 = arith.constant 0 : i32
      %dma_start3A_33 = tpu.memref_slice %arg9[%add3A_19, %dma_start3A_32] : memref<10112x32xf32, #tpu.memory_space<vmem_shared>> -> memref<120x32xf32, #tpu.memory_space<vmem_shared>>
      %dma_start3A_34 = arith.constant 0 : i32
      %dma_start3A_35 = tpu.memref_slice %arg9[%add3A_19, %dma_start3A_34] : memref<10112x32xf32, #tpu.memory_space<vmem_shared>> -> memref<120x32xf32, #tpu.memory_space<vmem_shared>>
      %dma_start3A_36 = arith.constant 0 : i32
      %dma_start3A_37 = arith.constant 0 : i32
      %dma_start3A_38 = tpu.memref_slice %arg8[%dma_start3A_36, %dma_start3A_37] : memref<128x32xf32, #tpu.memory_space<vmem>> -> memref<120x32xf32, #tpu.memory_space<vmem>>
      tpu.enqueue_dma source(%dma_start3A_38 : memref<120x32xf32, #tpu.memory_space<vmem>>) target(%dma_start3A_35 : memref<120x32xf32, #tpu.memory_space<vmem_shared>>) target_semaphore(%run_scoped3A : memref<!tpu.dma_semaphore, #tpu.memory_space<semaphore_mem>>)
      %dma_wait3A = arith.constant 0 : i32
      %dma_wait3A_39 = arith.constant 0 : i32
      %dma_wait3A_40 = tpu.memref_slice %arg8[%dma_wait3A, %dma_wait3A_39] : memref<128x32xf32, #tpu.memory_space<vmem>> -> memref<120x32xf32, #tpu.memory_space<vmem>>
      %dma_wait3A_41 = arith.constant 0 : i32
      %dma_wait3A_42 = tpu.memref_slice %arg9[%add3A_19, %dma_wait3A_41] : memref<10112x32xf32, #tpu.memory_space<vmem_shared>> -> memref<120x32xf32, #tpu.memory_space<vmem_shared>>
      %dma_wait3A_43 = arith.constant 0 : i32
      %dma_wait3A_44 = tpu.memref_slice %arg9[%add3A_19, %dma_wait3A_43] : memref<10112x32xf32, #tpu.memory_space<vmem_shared>> -> memref<120x32xf32, #tpu.memory_space<vmem_shared>>
      %dma_wait3A_45 = arith.constant 0 : i32
      %dma_wait3A_46 = arith.constant 0 : i32
      %dma_wait3A_47 = tpu.memref_slice %arg8[%dma_wait3A_45, %dma_wait3A_46] : memref<128x32xf32, #tpu.memory_space<vmem>> -> memref<120x32xf32, #tpu.memory_space<vmem>>
      tpu.wait_dma2 semaphore(%run_scoped3A : memref<!tpu.dma_semaphore, #tpu.memory_space<semaphore_mem>>) src(%dma_wait3A_47 : memref<120x32xf32, #tpu.memory_space<vmem>>) dst(%dma_wait3A_44 : memref<120x32xf32, #tpu.memory_space<vmem_shared>>)
      tpu.yield
    }) : () -> ()
    "tpu.region"() ({
      %run_scoped3A = tpu.sem_alloc : memref<!tpu.dma_semaphore, #tpu.memory_space<semaphore_mem>>
      %dma_start3A = arith.constant 0 : i32
      %dma_start3A_30 = arith.constant 0 : i32
      %dma_start3A_31 = tpu.memref_slice %arg2[%add3A, %dma_start3A, %dma_start3A_30] : memref<32x79x128xi32, #tpu.memory_space<hbm>> -> memref<1x79x128xi32, #tpu.memory_space<hbm>>
      %dma_start3A_32 = tpu.memref_squeeze %dma_start3A_31 : memref<1x79x128xi32, #tpu.memory_space<hbm>> -> memref<79x128xi32, #tpu.memory_space<hbm>>
      %dma_start3A_33 = arith.constant 0 : i32
      %dma_start3A_34 = arith.constant 0 : i32
      %dma_start3A_35 = tpu.memref_slice %arg2[%add3A, %dma_start3A_33, %dma_start3A_34] : memref<32x79x128xi32, #tpu.memory_space<hbm>> -> memref<1x79x128xi32, #tpu.memory_space<hbm>>
      %dma_start3A_36 = tpu.memref_squeeze %dma_start3A_35 : memref<1x79x128xi32, #tpu.memory_space<hbm>> -> memref<79x128xi32, #tpu.memory_space<hbm>>
      tpu.enqueue_dma source(%dma_start3A_36 : memref<79x128xi32, #tpu.memory_space<hbm>>) target(%arg6 : memref<79x128xi32, #tpu.memory_space<vmem>>) target_semaphore(%run_scoped3A : memref<!tpu.dma_semaphore, #tpu.memory_space<semaphore_mem>>)
      %dma_wait3A = arith.constant 0 : i32
      %dma_wait3A_37 = arith.constant 0 : i32
      %dma_wait3A_38 = tpu.memref_slice %arg2[%add3A, %dma_wait3A, %dma_wait3A_37] : memref<32x79x128xi32, #tpu.memory_space<hbm>> -> memref<1x79x128xi32, #tpu.memory_space<hbm>>
      %dma_wait3A_39 = tpu.memref_squeeze %dma_wait3A_38 : memref<1x79x128xi32, #tpu.memory_space<hbm>> -> memref<79x128xi32, #tpu.memory_space<hbm>>
      %dma_wait3A_40 = arith.constant 0 : i32
      %dma_wait3A_41 = arith.constant 0 : i32
      %dma_wait3A_42 = tpu.memref_slice %arg2[%add3A, %dma_wait3A_40, %dma_wait3A_41] : memref<32x79x128xi32, #tpu.memory_space<hbm>> -> memref<1x79x128xi32, #tpu.memory_space<hbm>>
      %dma_wait3A_43 = tpu.memref_squeeze %dma_wait3A_42 : memref<1x79x128xi32, #tpu.memory_space<hbm>> -> memref<79x128xi32, #tpu.memory_space<hbm>>
      tpu.wait_dma2 semaphore(%run_scoped3A : memref<!tpu.dma_semaphore, #tpu.memory_space<semaphore_mem>>) src(%dma_wait3A_43 : memref<79x128xi32, #tpu.memory_space<hbm>>) dst(%arg6 : memref<79x128xi32, #tpu.memory_space<vmem>>)
      tpu.yield
    }) : () -> ()
    "tpu.region"() ({
      %run_scoped3A = tpu.sem_alloc : memref<!tpu.dma_semaphore, #tpu.memory_space<semaphore_mem>>
      %dma_start3A = arith.constant 0 : i32
      %dma_start3A_30 = arith.constant 0 : i32
      %dma_start3A_31 = tpu.memref_slice %arg3[%add3A, %dma_start3A, %dma_start3A_30] : memref<32x79x128xi32, #tpu.memory_space<hbm>> -> memref<1x79x128xi32, #tpu.memory_space<hbm>>
      %dma_start3A_32 = tpu.memref_squeeze %dma_start3A_31 : memref<1x79x128xi32, #tpu.memory_space<hbm>> -> memref<79x128xi32, #tpu.memory_space<hbm>>
      %dma_start3A_33 = arith.constant 0 : i32
      %dma_start3A_34 = arith.constant 0 : i32
      %dma_start3A_35 = tpu.memref_slice %arg3[%add3A, %dma_start3A_33, %dma_start3A_34] : memref<32x79x128xi32, #tpu.memory_space<hbm>> -> memref<1x79x128xi32, #tpu.memory_space<hbm>>
      %dma_start3A_36 = tpu.memref_squeeze %dma_start3A_35 : memref<1x79x128xi32, #tpu.memory_space<hbm>> -> memref<79x128xi32, #tpu.memory_space<hbm>>
      tpu.enqueue_dma source(%dma_start3A_36 : memref<79x128xi32, #tpu.memory_space<hbm>>) target(%arg7 : memref<79x128xi32, #tpu.memory_space<vmem>>) target_semaphore(%run_scoped3A : memref<!tpu.dma_semaphore, #tpu.memory_space<semaphore_mem>>)
      %dma_wait3A = arith.constant 0 : i32
      %dma_wait3A_37 = arith.constant 0 : i32
      %dma_wait3A_38 = tpu.memref_slice %arg3[%add3A, %dma_wait3A, %dma_wait3A_37] : memref<32x79x128xi32, #tpu.memory_space<hbm>> -> memref<1x79x128xi32, #tpu.memory_space<hbm>>
      %dma_wait3A_39 = tpu.memref_squeeze %dma_wait3A_38 : memref<1x79x128xi32, #tpu.memory_space<hbm>> -> memref<79x128xi32, #tpu.memory_space<hbm>>
      %dma_wait3A_40 = arith.constant 0 : i32
      %dma_wait3A_41 = arith.constant 0 : i32
      %dma_wait3A_42 = tpu.memref_slice %arg3[%add3A, %dma_wait3A_40, %dma_wait3A_41] : memref<32x79x128xi32, #tpu.memory_space<hbm>> -> memref<1x79x128xi32, #tpu.memory_space<hbm>>
      %dma_wait3A_43 = tpu.memref_squeeze %dma_wait3A_42 : memref<1x79x128xi32, #tpu.memory_space<hbm>> -> memref<79x128xi32, #tpu.memory_space<hbm>>
      tpu.wait_dma2 semaphore(%run_scoped3A : memref<!tpu.dma_semaphore, #tpu.memory_space<semaphore_mem>>) src(%dma_wait3A_43 : memref<79x128xi32, #tpu.memory_space<hbm>>) dst(%arg7 : memref<79x128xi32, #tpu.memory_space<vmem>>)
      tpu.yield
    }) : () -> ()
    %barrier3A = arith.constant 0 : index
    tpu.barrier barrier_id(%barrier3A)
    %scan3A_20 = arith.constant 0 : i32
    %scan3A_21 = arith.constant 0 : i32
    %scan3A_22 = arith.constant 79 : i32
    %scan3A_23 = arith.addi %scan3A_21, %scan3A_22 : i32
    %scan3A_24 = arith.constant 1 : i32
    %scan3A_25 = scf.for %scan3A_30 = %scan3A_21 to %scan3A_23 step %scan3A_24 iter_args(%scan3A_31 = %scan3A_20) -> (i32)  : i32 {
      %dma_start3A = arith.constant 0 : i32
      %dma_start3A_32 = tpu.memref_slice %arg6[%scan3A_30, %dma_start3A] : memref<79x128xi32, #tpu.memory_space<vmem>> -> memref<1x128xi32, #tpu.memory_space<vmem>>
      %dma_start3A_33 = tpu.memref_squeeze %dma_start3A_32 : memref<1x128xi32, #tpu.memory_space<vmem>> -> memref<128xi32, #tpu.memory_space<vmem>>
      %dma_start3A_34 = arith.constant 0 : i32
      %dma_start3A_35 = arith.constant 0 : i32
      %dma_start3A_36 = tpu.memref_slice %arg4[%dma_start3A_34, %dma_start3A_35] : memref<10112x32xf32, #tpu.memory_space<hbm>> -> memref<10112x32xf32, #tpu.memory_space<hbm>>
      tpu.enqueue_indirect_dma source(%dma_start3A_36 : memref<10112x32xf32, #tpu.memory_space<hbm>>) target(%arg8 : memref<128x32xf32, #tpu.memory_space<vmem>>) offsets(%dma_start3A_33 : memref<128xi32, #tpu.memory_space<vmem>>) semaphore(%arg10 : memref<!tpu.dma_semaphore, #tpu.memory_space<semaphore_mem>>)
      %dma_wait3A = arith.constant 0 : i32
      %dma_wait3A_37 = tpu.memref_slice %arg6[%scan3A_30, %dma_wait3A] : memref<79x128xi32, #tpu.memory_space<vmem>> -> memref<1x128xi32, #tpu.memory_space<vmem>>
      %dma_wait3A_38 = tpu.memref_squeeze %dma_wait3A_37 : memref<1x128xi32, #tpu.memory_space<vmem>> -> memref<128xi32, #tpu.memory_space<vmem>>
      %dma_wait3A_39 = arith.constant 0 : i32
      %dma_wait3A_40 = arith.constant 0 : i32
      %dma_wait3A_41 = tpu.memref_slice %arg4[%dma_wait3A_39, %dma_wait3A_40] : memref<10112x32xf32, #tpu.memory_space<hbm>> -> memref<10112x32xf32, #tpu.memory_space<hbm>>
      tpu.wait_indirect_dma semaphore(%arg10 : memref<!tpu.dma_semaphore, #tpu.memory_space<semaphore_mem>>) src(%dma_wait3A_41 : memref<10112x32xf32, #tpu.memory_space<hbm>>) dst(%arg8 : memref<128x32xf32, #tpu.memory_space<vmem>>)
      "tpu.region"() ({
        %run_scoped3A = tpu.sem_alloc : memref<!tpu.dma_semaphore, #tpu.memory_space<semaphore_mem>>
        %dma_start3A_43 = arith.constant 0 : i32
        %dma_start3A_44 = tpu.memref_slice %arg7[%scan3A_30, %dma_start3A_43] : memref<79x128xi32, #tpu.memory_space<vmem>> -> memref<1x128xi32, #tpu.memory_space<vmem>>
        %dma_start3A_45 = tpu.memref_squeeze %dma_start3A_44 : memref<1x128xi32, #tpu.memory_space<vmem>> -> memref<128xi32, #tpu.memory_space<vmem>>
        %dma_start3A_46 = arith.constant 0 : i32
        %dma_start3A_47 = arith.constant 0 : i32
        %dma_start3A_48 = tpu.memref_slice %arg9[%dma_start3A_46, %dma_start3A_47] : memref<10112x32xf32, #tpu.memory_space<vmem_shared>> -> memref<10112x32xf32, #tpu.memory_space<vmem_shared>>
        tpu.enqueue_indirect_dma source(%arg8 : memref<128x32xf32, #tpu.memory_space<vmem>>) target(%dma_start3A_48 : memref<10112x32xf32, #tpu.memory_space<vmem_shared>>) offsets(%dma_start3A_45 : memref<128xi32, #tpu.memory_space<vmem>>) semaphore(%run_scoped3A : memref<!tpu.dma_semaphore, #tpu.memory_space<semaphore_mem>>) {add = true}
        %dma_wait3A_49 = arith.constant 0 : i32
        %dma_wait3A_50 = tpu.memref_slice %arg7[%scan3A_30, %dma_wait3A_49] : memref<79x128xi32, #tpu.memory_space<vmem>> -> memref<1x128xi32, #tpu.memory_space<vmem>>
        %dma_wait3A_51 = tpu.memref_squeeze %dma_wait3A_50 : memref<1x128xi32, #tpu.memory_space<vmem>> -> memref<128xi32, #tpu.memory_space<vmem>>
        %dma_wait3A_52 = arith.constant 0 : i32
        %dma_wait3A_53 = arith.constant 0 : i32
        %dma_wait3A_54 = tpu.memref_slice %arg9[%dma_wait3A_52, %dma_wait3A_53] : memref<10112x32xf32, #tpu.memory_space<vmem_shared>> -> memref<10112x32xf32, #tpu.memory_space<vmem_shared>>
        tpu.wait_indirect_dma semaphore(%run_scoped3A : memref<!tpu.dma_semaphore, #tpu.memory_space<semaphore_mem>>) src(%arg8 : memref<128x32xf32, #tpu.memory_space<vmem>>) dst(%dma_wait3A_54 : memref<10112x32xf32, #tpu.memory_space<vmem_shared>>)
        tpu.yield
      }) : () -> ()
      %scan3A_42 = arith.constant 0 : i32
      scf.yield %scan3A_42 : i32
    }
    %scan3A_26 = arith.constant 79 : i32
    %barrier3A_27 = arith.constant 0 : index
    tpu.barrier barrier_id(%barrier3A_27)
    %mul3A_28 = arith.constant 632 : i32
    %mul3A_29 = arith.muli %arg1, %mul3A_28 : i32
    "tpu.region"() ({
      %run_scoped3A = tpu.sem_alloc : memref<!tpu.dma_semaphore, #tpu.memory_space<semaphore_mem>>
      %dma_start3A = arith.constant 0 : i32
      %dma_start3A_30 = tpu.memref_slice %arg5[%arg0, %mul3A_29, %dma_start3A] : memref<2x10112x32xf32, #tpu.memory_space<hbm>> -> memref<1x632x32xf32, #tpu.memory_space<hbm>>
      %dma_start3A_31 = tpu.memref_squeeze %dma_start3A_30 : memref<1x632x32xf32, #tpu.memory_space<hbm>> -> memref<632x32xf32, #tpu.memory_space<hbm>>
      %dma_start3A_32 = arith.constant 0 : i32
      %dma_start3A_33 = tpu.memref_slice %arg9[%mul3A_29, %dma_start3A_32] : memref<10112x32xf32, #tpu.memory_space<vmem_shared>> -> memref<632x32xf32, #tpu.memory_space<vmem_shared>>
      tpu.enqueue_dma source(%dma_start3A_33 : memref<632x32xf32, #tpu.memory_space<vmem_shared>>) target(%dma_start3A_31 : memref<632x32xf32, #tpu.memory_space<hbm>>) target_semaphore(%run_scoped3A : memref<!tpu.dma_semaphore, #tpu.memory_space<semaphore_mem>>)
      %dma_wait3A = arith.constant 0 : i32
      %dma_wait3A_34 = tpu.memref_slice %arg5[%arg0, %mul3A_29, %dma_wait3A] : memref<2x10112x32xf32, #tpu.memory_space<hbm>> -> memref<1x632x32xf32, #tpu.memory_space<hbm>>
      %dma_wait3A_35 = tpu.memref_squeeze %dma_wait3A_34 : memref<1x632x32xf32, #tpu.memory_space<hbm>> -> memref<632x32xf32, #tpu.memory_space<hbm>>
      %dma_wait3A_36 = arith.constant 0 : i32
      %dma_wait3A_37 = tpu.memref_slice %arg9[%mul3A_29, %dma_wait3A_36] : memref<10112x32xf32, #tpu.memory_space<vmem_shared>> -> memref<632x32xf32, #tpu.memory_space<vmem_shared>>
      tpu.wait_dma2 semaphore(%run_scoped3A : memref<!tpu.dma_semaphore, #tpu.memory_space<semaphore_mem>>) src(%dma_wait3A_37 : memref<632x32xf32, #tpu.memory_space<vmem_shared>>) dst(%dma_wait3A_35 : memref<632x32xf32, #tpu.memory_space<hbm>>)
      tpu.yield
    }) : () -> ()
    return
  }
}

#map = affine_map<(d0, d1) -> (0, 0, 0)>
#map1 = affine_map<(d0, d1) -> (0, 0)>
module attributes {stable_mosaic.version = 14 : i64} {
  func.func @prop(%arg0: i32, %arg1: i32, %arg2: memref<32x79x128xi32, #tpu.memory_space<hbm>>, %arg3: memref<32x79x128xi32, #tpu.memory_space<hbm>>, %arg4: memref<10112x32xf32, #tpu.memory_space<hbm>>, %arg5: memref<2x10112x32xf32, #tpu.memory_space<hbm>>, %arg6: memref<79x128xi32, #tpu.memory_space<vmem>>, %arg7: memref<79x128xi32, #tpu.memory_space<vmem>>, %arg8: memref<128x32xf32, #tpu.memory_space<vmem>>, %arg9: memref<10112x32xf32, #tpu.memory_space<vmem_shared>>, %arg10: memref<!tpu.dma_semaphore, #tpu.memory_space<semaphore_mem>>) attributes {dimension_semantics = [#tpu.dimension_semantics<core_parallel>, #tpu.dimension_semantics<subcore_parallel>], iteration_bounds = array<i64: 2, 16>, scalar_prefetch = 0 : i64, scratch_operands = 5 : i64, tpu.core_type = #tpu.core_type<sc_vector_subcore>, window_params = [{transform_indices = #map}, {transform_indices = #map}, {transform_indices = #map1}, {transform_indices = #map}]} {
    %mul3A = arith.constant 16 : i32
    %mul3A_0 = arith.muli %arg0, %mul3A : i32
    %add3A = arith.addi %mul3A_0, %arg1 : i32
    %broadcast_in_dim3A = arith.constant 0.000000e+00 : f32
    %broadcast_in_dim3A_1 = vector.broadcast %broadcast_in_dim3A : f32 to vector<16xf32>
    %scan3A = arith.constant 0 : i32
    %scan3A_2 = arith.constant 0 : i32
    %scan3A_3 = arith.constant 128 : i32
    %scan3A_4 = arith.addi %scan3A_2, %scan3A_3 : i32
    %scan3A_5 = arith.constant 1 : i32
    %scan3A_6 = scf.for %scan3A_30 = %scan3A_2 to %scan3A_4 step %scan3A_5 iter_args(%scan3A_31 = %scan3A) -> (i32)  : i32 {
      %swap3A = arith.index_cast %scan3A_30 : i32 to index
      %swap3A_32 = arith.constant 0 : index
      %swap3A_33 = tpu.vector_load %arg8[%swap3A, %swap3A_32] {strides = array<i32>} : memref<128x32xf32, #tpu.memory_space<vmem>>, vector<1x16xf32>,
      %swap3A_34 = vector.shape_cast %swap3A_33 : vector<1x16xf32> to vector<16xf32>
      %swap3A_35 = vector.shape_cast %broadcast_in_dim3A_1 : vector<16xf32> to vector<1x16xf32>
      tpu.vector_store %arg8[%swap3A, %swap3A_32], %swap3A_35 {strides = array<i32>} : memref<128x32xf32, #tpu.memory_space<vmem>>, vector<1x16xf32>,
      %swap3A_36 = arith.index_cast %scan3A_30 : i32 to index
      %swap3A_37 = arith.constant 16 : index
      %swap3A_38 = tpu.vector_load %arg8[%swap3A_36, %swap3A_37] {strides = array<i32>} : memref<128x32xf32, #tpu.memory_space<vmem>>, vector<1x16xf32>,
      %swap3A_39 = vector.shape_cast %swap3A_38 : vector<1x16xf32> to vector<16xf32>
      %swap3A_40 = vector.shape_cast %broadcast_in_dim3A_1 : vector<16xf32> to vector<1x16xf32>
      tpu.vector_store %arg8[%swap3A_36, %swap3A_37], %swap3A_40 {strides = array<i32>} : memref<128x32xf32, #tpu.memory_space<vmem>>, vector<1x16xf32>,
      %scan3A_41 = arith.constant 0 : i32
      scf.yield %scan3A_41 : i32
    }
    %scan3A_7 = arith.constant 128 : i32
    %mul3A_8 = arith.constant 632 : i32
    %mul3A_9 = arith.muli %arg1, %mul3A_8 : i32
    %add3A_10 = arith.constant 0 : i32
    %add3A_11 = arith.addi %mul3A_9, %add3A_10 : i32
    "tpu.region"() ({
      %run_scoped3A = tpu.sem_alloc : memref<!tpu.dma_semaphore, #tpu.memory_space<semaphore_mem>>
      %dma_start3A = arith.constant 0 : i32
      %dma_start3A_30 = arith.constant 0 : i32
      %dma_start3A_31 = tpu.memref_slice %arg8[%dma_start3A, %dma_start3A_30] : memref<128x32xf32, #tpu.memory_space<vmem>> -> memref<128x32xf32, #tpu.memory_space<vmem>>
      %dma_start3A_32 = arith.constant 0 : i32
      %dma_start3A_33 = tpu.memref_slice %arg9[%add3A_11, %dma_start3A_32] : memref<10112x32xf32, #tpu.memory_space<vmem_shared>> -> memref<128x32xf32, #tpu.memory_space<vmem_shared>>
      %dma_start3A_34 = arith.constant 0 : i32
      %dma_start3A_35 = tpu.memref_slice %arg9[%add3A_11, %dma_start3A_34] : memref<10112x32xf32, #tpu.memory_space<vmem_shared>> -> memref<128x32xf32, #tpu.memory_space<vmem_shared>>
      %dma_start3A_36 = arith.constant 0 : i32
      %dma_start3A_37 = arith.constant 0 : i32
      %dma_start3A_38 = tpu.memref_slice %arg8[%dma_start3A_36, %dma_start3A_37] : memref<128x32xf32, #tpu.memory_space<vmem>> -> memref<128x32xf32, #tpu.memory_space<vmem>>
      tpu.enqueue_dma source(%dma_start3A_38 : memref<128x32xf32, #tpu.memory_space<vmem>>) target(%dma_start3A_35 : memref<128x32xf32, #tpu.memory_space<vmem_shared>>) target_semaphore(%run_scoped3A : memref<!tpu.dma_semaphore, #tpu.memory_space<semaphore_mem>>)
      %dma_wait3A = arith.constant 0 : i32
      %dma_wait3A_39 = arith.constant 0 : i32
      %dma_wait3A_40 = tpu.memref_slice %arg8[%dma_wait3A, %dma_wait3A_39] : memref<128x32xf32, #tpu.memory_space<vmem>> -> memref<128x32xf32, #tpu.memory_space<vmem>>
      %dma_wait3A_41 = arith.constant 0 : i32
      %dma_wait3A_42 = tpu.memref_slice %arg9[%add3A_11, %dma_wait3A_41] : memref<10112x32xf32, #tpu.memory_space<vmem_shared>> -> memref<128x32xf32, #tpu.memory_space<vmem_shared>>
      %dma_wait3A_43 = arith.constant 0 : i32
      %dma_wait3A_44 = tpu.memref_slice %arg9[%add3A_11, %dma_wait3A_43] : memref<10112x32xf32, #tpu.memory_space<vmem_shared>> -> memref<128x32xf32, #tpu.memory_space<vmem_shared>>
      %dma_wait3A_45 = arith.constant 0 : i32
      %dma_wait3A_46 = arith.constant 0 : i32
      %dma_wait3A_47 = tpu.memref_slice %arg8[%dma_wait3A_45, %dma_wait3A_46] : memref<128x32xf32, #tpu.memory_space<vmem>> -> memref<128x32xf32, #tpu.memory_space<vmem>>
      tpu.wait_dma2 semaphore(%run_scoped3A : memref<!tpu.dma_semaphore, #tpu.memory_space<semaphore_mem>>) src(%dma_wait3A_47 : memref<128x32xf32, #tpu.memory_space<vmem>>) dst(%dma_wait3A_44 : memref<128x32xf32, #tpu.memory_space<vmem_shared>>)
      tpu.yield
    }) : () -> ()
    %add3A_12 = arith.constant 128 : i32
    %add3A_13 = arith.addi %mul3A_9, %add3A_12 : i32
    "tpu.region"() ({
      %run_scoped3A = tpu.sem_alloc : memref<!tpu.dma_semaphore, #tpu.memory_space<semaphore_mem>>
      %dma_start3A = arith.constant 0 : i32
      %dma_start3A_30 = arith.constant 0 : i32
      %dma_start3A_31 = tpu.memref_slice %arg8[%dma_start3A, %dma_start3A_30] : memref<128x32xf32, #tpu.memory_space<vmem>> -> memref<128x32xf32, #tpu.memory_space<vmem>>
      %dma_start3A_32 = arith.constant 0 : i32
      %dma_start3A_33 = tpu.memref_slice %arg9[%add3A_13, %dma_start3A_32] : memref<10112x32xf32, #tpu.memory_space<vmem_shared>> -> memref<128x32xf32, #tpu.memory_space<vmem_shared>>
      %dma_start3A_34 = arith.constant 0 : i32
      %dma_start3A_35 = tpu.memref_slice %arg9[%add3A_13, %dma_start3A_34] : memref<10112x32xf32, #tpu.memory_space<vmem_shared>> -> memref<128x32xf32, #tpu.memory_space<vmem_shared>>
      %dma_start3A_36 = arith.constant 0 : i32
      %dma_start3A_37 = arith.constant 0 : i32
      %dma_start3A_38 = tpu.memref_slice %arg8[%dma_start3A_36, %dma_start3A_37] : memref<128x32xf32, #tpu.memory_space<vmem>> -> memref<128x32xf32, #tpu.memory_space<vmem>>
      tpu.enqueue_dma source(%dma_start3A_38 : memref<128x32xf32, #tpu.memory_space<vmem>>) target(%dma_start3A_35 : memref<128x32xf32, #tpu.memory_space<vmem_shared>>) target_semaphore(%run_scoped3A : memref<!tpu.dma_semaphore, #tpu.memory_space<semaphore_mem>>)
      %dma_wait3A = arith.constant 0 : i32
      %dma_wait3A_39 = arith.constant 0 : i32
      %dma_wait3A_40 = tpu.memref_slice %arg8[%dma_wait3A, %dma_wait3A_39] : memref<128x32xf32, #tpu.memory_space<vmem>> -> memref<128x32xf32, #tpu.memory_space<vmem>>
      %dma_wait3A_41 = arith.constant 0 : i32
      %dma_wait3A_42 = tpu.memref_slice %arg9[%add3A_13, %dma_wait3A_41] : memref<10112x32xf32, #tpu.memory_space<vmem_shared>> -> memref<128x32xf32, #tpu.memory_space<vmem_shared>>
      %dma_wait3A_43 = arith.constant 0 : i32
      %dma_wait3A_44 = tpu.memref_slice %arg9[%add3A_13, %dma_wait3A_43] : memref<10112x32xf32, #tpu.memory_space<vmem_shared>> -> memref<128x32xf32, #tpu.memory_space<vmem_shared>>
      %dma_wait3A_45 = arith.constant 0 : i32
      %dma_wait3A_46 = arith.constant 0 : i32
      %dma_wait3A_47 = tpu.memref_slice %arg8[%dma_wait3A_45, %dma_wait3A_46] : memref<128x32xf32, #tpu.memory_space<vmem>> -> memref<128x32xf32, #tpu.memory_space<vmem>>
      tpu.wait_dma2 semaphore(%run_scoped3A : memref<!tpu.dma_semaphore, #tpu.memory_space<semaphore_mem>>) src(%dma_wait3A_47 : memref<128x32xf32, #tpu.memory_space<vmem>>) dst(%dma_wait3A_44 : memref<128x32xf32, #tpu.memory_space<vmem_shared>>)
      tpu.yield
    }) : () -> ()
    %add3A_14 = arith.constant 256 : i32
    %add3A_15 = arith.addi %mul3A_9, %add3A_14 : i32
    "tpu.region"() ({
      %run_scoped3A = tpu.sem_alloc : memref<!tpu.dma_semaphore, #tpu.memory_space<semaphore_mem>>
      %dma_start3A = arith.constant 0 : i32
      %dma_start3A_30 = arith.constant 0 : i32
      %dma_start3A_31 = tpu.memref_slice %arg8[%dma_start3A, %dma_start3A_30] : memref<128x32xf32, #tpu.memory_space<vmem>> -> memref<128x32xf32, #tpu.memory_space<vmem>>
      %dma_start3A_32 = arith.constant 0 : i32
      %dma_start3A_33 = tpu.memref_slice %arg9[%add3A_15, %dma_start3A_32] : memref<10112x32xf32, #tpu.memory_space<vmem_shared>> -> memref<128x32xf32, #tpu.memory_space<vmem_shared>>
      %dma_start3A_34 = arith.constant 0 : i32
      %dma_start3A_35 = tpu.memref_slice %arg9[%add3A_15, %dma_start3A_34] : memref<10112x32xf32, #tpu.memory_space<vmem_shared>> -> memref<128x32xf32, #tpu.memory_space<vmem_shared>>
      %dma_start3A_36 = arith.constant 0 : i32
      %dma_start3A_37 = arith.constant 0 : i32
      %dma_start3A_38 = tpu.memref_slice %arg8[%dma_start3A_36, %dma_start3A_37] : memref<128x32xf32, #tpu.memory_space<vmem>> -> memref<128x32xf32, #tpu.memory_space<vmem>>
      tpu.enqueue_dma source(%dma_start3A_38 : memref<128x32xf32, #tpu.memory_space<vmem>>) target(%dma_start3A_35 : memref<128x32xf32, #tpu.memory_space<vmem_shared>>) target_semaphore(%run_scoped3A : memref<!tpu.dma_semaphore, #tpu.memory_space<semaphore_mem>>)
      %dma_wait3A = arith.constant 0 : i32
      %dma_wait3A_39 = arith.constant 0 : i32
      %dma_wait3A_40 = tpu.memref_slice %arg8[%dma_wait3A, %dma_wait3A_39] : memref<128x32xf32, #tpu.memory_space<vmem>> -> memref<128x32xf32, #tpu.memory_space<vmem>>
      %dma_wait3A_41 = arith.constant 0 : i32
      %dma_wait3A_42 = tpu.memref_slice %arg9[%add3A_15, %dma_wait3A_41] : memref<10112x32xf32, #tpu.memory_space<vmem_shared>> -> memref<128x32xf32, #tpu.memory_space<vmem_shared>>
      %dma_wait3A_43 = arith.constant 0 : i32
      %dma_wait3A_44 = tpu.memref_slice %arg9[%add3A_15, %dma_wait3A_43] : memref<10112x32xf32, #tpu.memory_space<vmem_shared>> -> memref<128x32xf32, #tpu.memory_space<vmem_shared>>
      %dma_wait3A_45 = arith.constant 0 : i32
      %dma_wait3A_46 = arith.constant 0 : i32
      %dma_wait3A_47 = tpu.memref_slice %arg8[%dma_wait3A_45, %dma_wait3A_46] : memref<128x32xf32, #tpu.memory_space<vmem>> -> memref<128x32xf32, #tpu.memory_space<vmem>>
      tpu.wait_dma2 semaphore(%run_scoped3A : memref<!tpu.dma_semaphore, #tpu.memory_space<semaphore_mem>>) src(%dma_wait3A_47 : memref<128x32xf32, #tpu.memory_space<vmem>>) dst(%dma_wait3A_44 : memref<128x32xf32, #tpu.memory_space<vmem_shared>>)
      tpu.yield
    }) : () -> ()
    %add3A_16 = arith.constant 384 : i32
    %add3A_17 = arith.addi %mul3A_9, %add3A_16 : i32
    "tpu.region"() ({
      %run_scoped3A = tpu.sem_alloc : memref<!tpu.dma_semaphore, #tpu.memory_space<semaphore_mem>>
      %dma_start3A = arith.constant 0 : i32
      %dma_start3A_30 = arith.constant 0 : i32
      %dma_start3A_31 = tpu.memref_slice %arg8[%dma_start3A, %dma_start3A_30] : memref<128x32xf32, #tpu.memory_space<vmem>> -> memref<128x32xf32, #tpu.memory_space<vmem>>
      %dma_start3A_32 = arith.constant 0 : i32
      %dma_start3A_33 = tpu.memref_slice %arg9[%add3A_17, %dma_start3A_32] : memref<10112x32xf32, #tpu.memory_space<vmem_shared>> -> memref<128x32xf32, #tpu.memory_space<vmem_shared>>
      %dma_start3A_34 = arith.constant 0 : i32
      %dma_start3A_35 = tpu.memref_slice %arg9[%add3A_17, %dma_start3A_34] : memref<10112x32xf32, #tpu.memory_space<vmem_shared>> -> memref<128x32xf32, #tpu.memory_space<vmem_shared>>
      %dma_start3A_36 = arith.constant 0 : i32
      %dma_start3A_37 = arith.constant 0 : i32
      %dma_start3A_38 = tpu.memref_slice %arg8[%dma_start3A_36, %dma_start3A_37] : memref<128x32xf32, #tpu.memory_space<vmem>> -> memref<128x32xf32, #tpu.memory_space<vmem>>
      tpu.enqueue_dma source(%dma_start3A_38 : memref<128x32xf32, #tpu.memory_space<vmem>>) target(%dma_start3A_35 : memref<128x32xf32, #tpu.memory_space<vmem_shared>>) target_semaphore(%run_scoped3A : memref<!tpu.dma_semaphore, #tpu.memory_space<semaphore_mem>>)
      %dma_wait3A = arith.constant 0 : i32
      %dma_wait3A_39 = arith.constant 0 : i32
      %dma_wait3A_40 = tpu.memref_slice %arg8[%dma_wait3A, %dma_wait3A_39] : memref<128x32xf32, #tpu.memory_space<vmem>> -> memref<128x32xf32, #tpu.memory_space<vmem>>
      %dma_wait3A_41 = arith.constant 0 : i32
      %dma_wait3A_42 = tpu.memref_slice %arg9[%add3A_17, %dma_wait3A_41] : memref<10112x32xf32, #tpu.memory_space<vmem_shared>> -> memref<128x32xf32, #tpu.memory_space<vmem_shared>>
      %dma_wait3A_43 = arith.constant 0 : i32
      %dma_wait3A_44 = tpu.memref_slice %arg9[%add3A_17, %dma_wait3A_43] : memref<10112x32xf32, #tpu.memory_space<vmem_shared>> -> memref<128x32xf32, #tpu.memory_space<vmem_shared>>
      %dma_wait3A_45 = arith.constant 0 : i32
      %dma_wait3A_46 = arith.constant 0 : i32
      %dma_wait3A_47 = tpu.memref_slice %arg8[%dma_wait3A_45, %dma_wait3A_46] : memref<128x32xf32, #tpu.memory_space<vmem>> -> memref<128x32xf32, #tpu.memory_space<vmem>>
      tpu.wait_dma2 semaphore(%run_scoped3A : memref<!tpu.dma_semaphore, #tpu.memory_space<semaphore_mem>>) src(%dma_wait3A_47 : memref<128x32xf32, #tpu.memory_space<vmem>>) dst(%dma_wait3A_44 : memref<128x32xf32, #tpu.memory_space<vmem_shared>>)
      tpu.yield
    }) : () -> ()
    %add3A_18 = arith.constant 512 : i32
    %add3A_19 = arith.addi %mul3A_9, %add3A_18 : i32
    "tpu.region"() ({
      %run_scoped3A = tpu.sem_alloc : memref<!tpu.dma_semaphore, #tpu.memory_space<semaphore_mem>>
      %dma_start3A = arith.constant 0 : i32
      %dma_start3A_30 = arith.constant 0 : i32
      %dma_start3A_31 = tpu.memref_slice %arg8[%dma_start3A, %dma_start3A_30] : memref<128x32xf32, #tpu.memory_space<vmem>> -> memref<120x32xf32, #tpu.memory_space<vmem>>
      %dma_start3A_32 = arith.constant 0 : i32
      %dma_start3A_33 = tpu.memref_slice %arg9[%add3A_19, %dma_start3A_32] : memref<10112x32xf32, #tpu.memory_space<vmem_shared>> -> memref<120x32xf32, #tpu.memory_space<vmem_shared>>
      %dma_start3A_34 = arith.constant 0 : i32
      %dma_start3A_35 = tpu.memref_slice %arg9[%add3A_19, %dma_start3A_34] : memref<10112x32xf32, #tpu.memory_space<vmem_shared>> -> memref<120x32xf32, #tpu.memory_space<vmem_shared>>
      %dma_start3A_36 = arith.constant 0 : i32
      %dma_start3A_37 = arith.constant 0 : i32
      %dma_start3A_38 = tpu.memref_slice %arg8[%dma_start3A_36, %dma_start3A_37] : memref<128x32xf32, #tpu.memory_space<vmem>> -> memref<120x32xf32, #tpu.memory_space<vmem>>
      tpu.enqueue_dma source(%dma_start3A_38 : memref<120x32xf32, #tpu.memory_space<vmem>>) target(%dma_start3A_35 : memref<120x32xf32, #tpu.memory_space<vmem_shared>>) target_semaphore(%run_scoped3A : memref<!tpu.dma_semaphore, #tpu.memory_space<semaphore_mem>>)
      %dma_wait3A = arith.constant 0 : i32
      %dma_wait3A_39 = arith.constant 0 : i32
      %dma_wait3A_40 = tpu.memref_slice %arg8[%dma_wait3A, %dma_wait3A_39] : memref<128x32xf32, #tpu.memory_space<vmem>> -> memref<120x32xf32, #tpu.memory_space<vmem>>
      %dma_wait3A_41 = arith.constant 0 : i32
      %dma_wait3A_42 = tpu.memref_slice %arg9[%add3A_19, %dma_wait3A_41] : memref<10112x32xf32, #tpu.memory_space<vmem_shared>> -> memref<120x32xf32, #tpu.memory_space<vmem_shared>>
      %dma_wait3A_43 = arith.constant 0 : i32
      %dma_wait3A_44 = tpu.memref_slice %arg9[%add3A_19, %dma_wait3A_43] : memref<10112x32xf32, #tpu.memory_space<vmem_shared>> -> memref<120x32xf32, #tpu.memory_space<vmem_shared>>
      %dma_wait3A_45 = arith.constant 0 : i32
      %dma_wait3A_46 = arith.constant 0 : i32
      %dma_wait3A_47 = tpu.memref_slice %arg8[%dma_wait3A_45, %dma_wait3A_46] : memref<128x32xf32, #tpu.memory_space<vmem>> -> memref<120x32xf32, #tpu.memory_space<vmem>>
      tpu.wait_dma2 semaphore(%run_scoped3A : memref<!tpu.dma_semaphore, #tpu.memory_space<semaphore_mem>>) src(%dma_wait3A_47 : memref<120x32xf32, #tpu.memory_space<vmem>>) dst(%dma_wait3A_44 : memref<120x32xf32, #tpu.memory_space<vmem_shared>>)
      tpu.yield
    }) : () -> ()
    "tpu.region"() ({
      %run_scoped3A = tpu.sem_alloc : memref<!tpu.dma_semaphore, #tpu.memory_space<semaphore_mem>>
      %dma_start3A = arith.constant 0 : i32
      %dma_start3A_30 = arith.constant 0 : i32
      %dma_start3A_31 = tpu.memref_slice %arg2[%add3A, %dma_start3A, %dma_start3A_30] : memref<32x79x128xi32, #tpu.memory_space<hbm>> -> memref<1x79x128xi32, #tpu.memory_space<hbm>>
      %dma_start3A_32 = tpu.memref_squeeze %dma_start3A_31 : memref<1x79x128xi32, #tpu.memory_space<hbm>> -> memref<79x128xi32, #tpu.memory_space<hbm>>
      %dma_start3A_33 = arith.constant 0 : i32
      %dma_start3A_34 = arith.constant 0 : i32
      %dma_start3A_35 = tpu.memref_slice %arg2[%add3A, %dma_start3A_33, %dma_start3A_34] : memref<32x79x128xi32, #tpu.memory_space<hbm>> -> memref<1x79x128xi32, #tpu.memory_space<hbm>>
      %dma_start3A_36 = tpu.memref_squeeze %dma_start3A_35 : memref<1x79x128xi32, #tpu.memory_space<hbm>> -> memref<79x128xi32, #tpu.memory_space<hbm>>
      tpu.enqueue_dma source(%dma_start3A_36 : memref<79x128xi32, #tpu.memory_space<hbm>>) target(%arg6 : memref<79x128xi32, #tpu.memory_space<vmem>>) target_semaphore(%run_scoped3A : memref<!tpu.dma_semaphore, #tpu.memory_space<semaphore_mem>>)
      %dma_wait3A = arith.constant 0 : i32
      %dma_wait3A_37 = arith.constant 0 : i32
      %dma_wait3A_38 = tpu.memref_slice %arg2[%add3A, %dma_wait3A, %dma_wait3A_37] : memref<32x79x128xi32, #tpu.memory_space<hbm>> -> memref<1x79x128xi32, #tpu.memory_space<hbm>>
      %dma_wait3A_39 = tpu.memref_squeeze %dma_wait3A_38 : memref<1x79x128xi32, #tpu.memory_space<hbm>> -> memref<79x128xi32, #tpu.memory_space<hbm>>
      %dma_wait3A_40 = arith.constant 0 : i32
      %dma_wait3A_41 = arith.constant 0 : i32
      %dma_wait3A_42 = tpu.memref_slice %arg2[%add3A, %dma_wait3A_40, %dma_wait3A_41] : memref<32x79x128xi32, #tpu.memory_space<hbm>> -> memref<1x79x128xi32, #tpu.memory_space<hbm>>
      %dma_wait3A_43 = tpu.memref_squeeze %dma_wait3A_42 : memref<1x79x128xi32, #tpu.memory_space<hbm>> -> memref<79x128xi32, #tpu.memory_space<hbm>>
      tpu.wait_dma2 semaphore(%run_scoped3A : memref<!tpu.dma_semaphore, #tpu.memory_space<semaphore_mem>>) src(%dma_wait3A_43 : memref<79x128xi32, #tpu.memory_space<hbm>>) dst(%arg6 : memref<79x128xi32, #tpu.memory_space<vmem>>)
      tpu.yield
    }) : () -> ()
    "tpu.region"() ({
      %run_scoped3A = tpu.sem_alloc : memref<!tpu.dma_semaphore, #tpu.memory_space<semaphore_mem>>
      %dma_start3A = arith.constant 0 : i32
      %dma_start3A_30 = arith.constant 0 : i32
      %dma_start3A_31 = tpu.memref_slice %arg3[%add3A, %dma_start3A, %dma_start3A_30] : memref<32x79x128xi32, #tpu.memory_space<hbm>> -> memref<1x79x128xi32, #tpu.memory_space<hbm>>
      %dma_start3A_32 = tpu.memref_squeeze %dma_start3A_31 : memref<1x79x128xi32, #tpu.memory_space<hbm>> -> memref<79x128xi32, #tpu.memory_space<hbm>>
      %dma_start3A_33 = arith.constant 0 : i32
      %dma_start3A_34 = arith.constant 0 : i32
      %dma_start3A_35 = tpu.memref_slice %arg3[%add3A, %dma_start3A_33, %dma_start3A_34] : memref<32x79x128xi32, #tpu.memory_space<hbm>> -> memref<1x79x128xi32, #tpu.memory_space<hbm>>
      %dma_start3A_36 = tpu.memref_squeeze %dma_start3A_35 : memref<1x79x128xi32, #tpu.memory_space<hbm>> -> memref<79x128xi32, #tpu.memory_space<hbm>>
      tpu.enqueue_dma source(%dma_start3A_36 : memref<79x128xi32, #tpu.memory_space<hbm>>) target(%arg7 : memref<79x128xi32, #tpu.memory_space<vmem>>) target_semaphore(%run_scoped3A : memref<!tpu.dma_semaphore, #tpu.memory_space<semaphore_mem>>)
      %dma_wait3A = arith.constant 0 : i32
      %dma_wait3A_37 = arith.constant 0 : i32
      %dma_wait3A_38 = tpu.memref_slice %arg3[%add3A, %dma_wait3A, %dma_wait3A_37] : memref<32x79x128xi32, #tpu.memory_space<hbm>> -> memref<1x79x128xi32, #tpu.memory_space<hbm>>
      %dma_wait3A_39 = tpu.memref_squeeze %dma_wait3A_38 : memref<1x79x128xi32, #tpu.memory_space<hbm>> -> memref<79x128xi32, #tpu.memory_space<hbm>>
      %dma_wait3A_40 = arith.constant 0 : i32
      %dma_wait3A_41 = arith.constant 0 : i32
      %dma_wait3A_42 = tpu.memref_slice %arg3[%add3A, %dma_wait3A_40, %dma_wait3A_41] : memref<32x79x128xi32, #tpu.memory_space<hbm>> -> memref<1x79x128xi32, #tpu.memory_space<hbm>>
      %dma_wait3A_43 = tpu.memref_squeeze %dma_wait3A_42 : memref<1x79x128xi32, #tpu.memory_space<hbm>> -> memref<79x128xi32, #tpu.memory_space<hbm>>
      tpu.wait_dma2 semaphore(%run_scoped3A : memref<!tpu.dma_semaphore, #tpu.memory_space<semaphore_mem>>) src(%dma_wait3A_43 : memref<79x128xi32, #tpu.memory_space<hbm>>) dst(%arg7 : memref<79x128xi32, #tpu.memory_space<vmem>>)
      tpu.yield
    }) : () -> ()
    %barrier3A = arith.constant 0 : index
    tpu.barrier barrier_id(%barrier3A)
    %scan3A_20 = arith.constant 0 : i32
    %scan3A_21 = arith.constant 0 : i32
    %scan3A_22 = arith.constant 79 : i32
    %scan3A_23 = arith.addi %scan3A_21, %scan3A_22 : i32
    %scan3A_24 = arith.constant 1 : i32
    %scan3A_25 = scf.for %scan3A_30 = %scan3A_21 to %scan3A_23 step %scan3A_24 iter_args(%scan3A_31 = %scan3A_20) -> (i32)  : i32 {
      %dma_start3A = arith.constant 0 : i32
      %dma_start3A_32 = tpu.memref_slice %arg6[%scan3A_30, %dma_start3A] : memref<79x128xi32, #tpu.memory_space<vmem>> -> memref<1x128xi32, #tpu.memory_space<vmem>>
      %dma_start3A_33 = tpu.memref_squeeze %dma_start3A_32 : memref<1x128xi32, #tpu.memory_space<vmem>> -> memref<128xi32, #tpu.memory_space<vmem>>
      %dma_start3A_34 = arith.constant 0 : i32
      %dma_start3A_35 = arith.constant 0 : i32
      %dma_start3A_36 = tpu.memref_slice %arg4[%dma_start3A_34, %dma_start3A_35] : memref<10112x32xf32, #tpu.memory_space<hbm>> -> memref<10112x32xf32, #tpu.memory_space<hbm>>
      tpu.enqueue_indirect_dma source(%dma_start3A_36 : memref<10112x32xf32, #tpu.memory_space<hbm>>) target(%arg8 : memref<128x32xf32, #tpu.memory_space<vmem>>) offsets(%dma_start3A_33 : memref<128xi32, #tpu.memory_space<vmem>>) semaphore(%arg10 : memref<!tpu.dma_semaphore, #tpu.memory_space<semaphore_mem>>)
      %dma_wait3A = arith.constant 0 : i32
      %dma_wait3A_37 = tpu.memref_slice %arg6[%scan3A_30, %dma_wait3A] : memref<79x128xi32, #tpu.memory_space<vmem>> -> memref<1x128xi32, #tpu.memory_space<vmem>>
      %dma_wait3A_38 = tpu.memref_squeeze %dma_wait3A_37 : memref<1x128xi32, #tpu.memory_space<vmem>> -> memref<128xi32, #tpu.memory_space<vmem>>
      %dma_wait3A_39 = arith.constant 0 : i32
      %dma_wait3A_40 = arith.constant 0 : i32
      %dma_wait3A_41 = tpu.memref_slice %arg4[%dma_wait3A_39, %dma_wait3A_40] : memref<10112x32xf32, #tpu.memory_space<hbm>> -> memref<10112x32xf32, #tpu.memory_space<hbm>>
      tpu.wait_indirect_dma semaphore(%arg10 : memref<!tpu.dma_semaphore, #tpu.memory_space<semaphore_mem>>) src(%dma_wait3A_41 : memref<10112x32xf32, #tpu.memory_space<hbm>>) dst(%arg8 : memref<128x32xf32, #tpu.memory_space<vmem>>)
      "tpu.region"() ({
        %run_scoped3A = tpu.sem_alloc : memref<!tpu.dma_semaphore, #tpu.memory_space<semaphore_mem>>
        %dma_start3A_43 = arith.constant 0 : i32
        %dma_start3A_44 = tpu.memref_slice %arg7[%scan3A_30, %dma_start3A_43] : memref<79x128xi32, #tpu.memory_space<vmem>> -> memref<1x128xi32, #tpu.memory_space<vmem>>
        %dma_start3A_45 = tpu.memref_squeeze %dma_start3A_44 : memref<1x128xi32, #tpu.memory_space<vmem>> -> memref<128xi32, #tpu.memory_space<vmem>>
        %dma_start3A_46 = arith.constant 0 : i32
        %dma_start3A_47 = arith.constant 0 : i32
        %dma_start3A_48 = tpu.memref_slice %arg9[%dma_start3A_46, %dma_start3A_47] : memref<10112x32xf32, #tpu.memory_space<vmem_shared>> -> memref<10112x32xf32, #tpu.memory_space<vmem_shared>>
        tpu.enqueue_indirect_dma source(%arg8 : memref<128x32xf32, #tpu.memory_space<vmem>>) target(%dma_start3A_48 : memref<10112x32xf32, #tpu.memory_space<vmem_shared>>) offsets(%dma_start3A_45 : memref<128xi32, #tpu.memory_space<vmem>>) semaphore(%run_scoped3A : memref<!tpu.dma_semaphore, #tpu.memory_space<semaphore_mem>>) {add = true}
        %dma_wait3A_49 = arith.constant 0 : i32
        %dma_wait3A_50 = tpu.memref_slice %arg7[%scan3A_30, %dma_wait3A_49] : memref<79x128xi32, #tpu.memory_space<vmem>> -> memref<1x128xi32, #tpu.memory_space<vmem>>
        %dma_wait3A_51 = tpu.memref_squeeze %dma_wait3A_50 : memref<1x128xi32, #tpu.memory_space<vmem>> -> memref<128xi32, #tpu.memory_space<vmem>>
        %dma_wait3A_52 = arith.constant 0 : i32
        %dma_wait3A_53 = arith.constant 0 : i32
        %dma_wait3A_54 = tpu.memref_slice %arg9[%dma_wait3A_52, %dma_wait3A_53] : memref<10112x32xf32, #tpu.memory_space<vmem_shared>> -> memref<10112x32xf32, #tpu.memory_space<vmem_shared>>
        tpu.wait_indirect_dma semaphore(%run_scoped3A : memref<!tpu.dma_semaphore, #tpu.memory_space<semaphore_mem>>) src(%arg8 : memref<128x32xf32, #tpu.memory_space<vmem>>) dst(%dma_wait3A_54 : memref<10112x32xf32, #tpu.memory_space<vmem_shared>>)
        tpu.yield
      }) : () -> ()
      %scan3A_42 = arith.constant 0 : i32
      scf.yield %scan3A_42 : i32
    }
    %scan3A_26 = arith.constant 79 : i32
    %barrier3A_27 = arith.constant 0 : index
    tpu.barrier barrier_id(%barrier3A_27)
    %mul3A_28 = arith.constant 632 : i32
    %mul3A_29 = arith.muli %arg1, %mul3A_28 : i32
    "tpu.region"() ({
      %run_scoped3A = tpu.sem_alloc : memref<!tpu.dma_semaphore, #tpu.memory_space<semaphore_mem>>
      %dma_start3A = arith.constant 0 : i32
      %dma_start3A_30 = tpu.memref_slice %arg5[%arg0, %mul3A_29, %dma_start3A] : memref<2x10112x32xf32, #tpu.memory_space<hbm>> -> memref<1x632x32xf32, #tpu.memory_space<hbm>>
      %dma_start3A_31 = tpu.memref_squeeze %dma_start3A_30 : memref<1x632x32xf32, #tpu.memory_space<hbm>> -> memref<632x32xf32, #tpu.memory_space<hbm>>
      %dma_start3A_32 = arith.constant 0 : i32
      %dma_start3A_33 = tpu.memref_slice %arg9[%mul3A_29, %dma_start3A_32] : memref<10112x32xf32, #tpu.memory_space<vmem_shared>> -> memref<632x32xf32, #tpu.memory_space<vmem_shared>>
      tpu.enqueue_dma source(%dma_start3A_33 : memref<632x32xf32, #tpu.memory_space<vmem_shared>>) target(%dma_start3A_31 : memref<632x32xf32, #tpu.memory_space<hbm>>) target_semaphore(%run_scoped3A : memref<!tpu.dma_semaphore, #tpu.memory_space<semaphore_mem>>)
      %dma_wait3A = arith.constant 0 : i32
      %dma_wait3A_34 = tpu.memref_slice %arg5[%arg0, %mul3A_29, %dma_wait3A] : memref<2x10112x32xf32, #tpu.memory_space<hbm>> -> memref<1x632x32xf32, #tpu.memory_space<hbm>>
      %dma_wait3A_35 = tpu.memref_squeeze %dma_wait3A_34 : memref<1x632x32xf32, #tpu.memory_space<hbm>> -> memref<632x32xf32, #tpu.memory_space<hbm>>
      %dma_wait3A_36 = arith.constant 0 : i32
      %dma_wait3A_37 = tpu.memref_slice %arg9[%mul3A_29, %dma_wait3A_36] : memref<10112x32xf32, #tpu.memory_space<vmem_shared>> -> memref<632x32xf32, #tpu.memory_space<vmem_shared>>
      tpu.wait_dma2 semaphore(%run_scoped3A : memref<!tpu.dma_semaphore, #tpu.memory_space<semaphore_mem>>) src(%dma_wait3A_37 : memref<632x32xf32, #tpu.memory_space<vmem_shared>>) dst(%dma_wait3A_35 : memref<632x32xf32, #tpu.memory_space<hbm>>)
      tpu.yield
    }) : () -> ()
    return
  }
}

module attributes {stable_mosaic.version = 14 : i64} {
  func.func @_tc1_body(%arg0: i32, %arg1: memref<2x2528x16xf32, #tpu.memory_space<vmem>>, %arg2: memref<2528x128xf32, #tpu.memory_space<vmem>>, %arg3: memref<128x32xf32, #tpu.memory_space<vmem>>, %arg4: memref<2528x1xf32, #tpu.memory_space<vmem>>, %arg5: memref<2528x32xf32, #tpu.memory_space<vmem>>) attributes {dimension_semantics = [#tpu.dimension_semantics<arbitrary>], iteration_bounds = array<i64: 4>, scalar_prefetch = 0 : i64, scratch_operands = 0 : i64, tpu.core_type = #tpu.core_type<tc>, window_params = [{transform_indices = @transform_0, window_bounds = array<i64: 2, 2528, 16>}, {transform_indices = @transform_1, window_bounds = array<i64: 2528, 128>}, {pipeline_mode = #tpu.pipeline_mode<synchronous>, transform_indices = @transform_2, window_bounds = array<i64: 128, 32>}, {transform_indices = @transform_3, window_bounds = array<i64: 2528, 1>}, {transform_indices = @transform_4, window_bounds = array<i64: 2528, 32>}]} {
    %get3A = arith.constant 0 : index
    %get3A_0 = arith.constant 0 : index
    %get3A_1 = arith.constant 0 : index
    %get3A_2 = vector.load %arg1[%get3A, %get3A_0, %get3A_1] : memref<2x2528x16xf32, #tpu.memory_space<vmem>>, vector<1x2528x16xf32>
    %get3A_3 = vector.shape_cast %get3A_2 : vector<1x2528x16xf32> to vector<2528x16xf32>
    %slice3A = vector.extract_strided_slice %get3A_3 {offsets = [0, 0], sizes = [2528, 1], strides = [1, 1]} : vector<2528x16xf32> to vector<2528x1xf32>
    %get3A_4 = arith.constant 1 : index
    %get3A_5 = arith.constant 0 : index
    %get3A_6 = arith.constant 0 : index
    %get3A_7 = vector.load %arg1[%get3A_4, %get3A_5, %get3A_6] : memref<2x2528x16xf32, #tpu.memory_space<vmem>>, vector<1x2528x16xf32>
    %get3A_8 = vector.shape_cast %get3A_7 : vector<1x2528x16xf32> to vector<2528x16xf32>
    %slice3A_9 = vector.extract_strided_slice %get3A_8 {offsets = [0, 0], sizes = [2528, 1], strides = [1, 1]} : vector<2528x16xf32> to vector<2528x1xf32>
    %add3A = arith.addf %slice3A, %slice3A_9 : vector<2528x1xf32>
    %add3A_10 = arith.constant 1.000000e+00 : f32
    %add3A_11 = vector.broadcast %add3A_10 : f32 to vector<2528x1xf32>
    %add3A_12 = arith.addf %add3A, %add3A_11 : vector<2528x1xf32>
    %rsqrt3A = math.rsqrt %add3A_12 : vector<2528x1xf32>
    %swap3A = arith.constant 0 : index
    %swap3A_13 = arith.constant 0 : index
    %swap3A_14 = vector.load %arg4[%swap3A, %swap3A_13] : memref<2528x1xf32, #tpu.memory_space<vmem>>, vector<2528x1xf32>
    tpu.vector_store %arg4[%swap3A, %swap3A_13], %rsqrt3A {strides = array<i32>} : memref<2528x1xf32, #tpu.memory_space<vmem>>, vector<2528x1xf32>,
    %get3A_15 = arith.constant 0 : index
    %get3A_16 = arith.constant 0 : index
    %get3A_17 = vector.load %arg2[%get3A_15, %get3A_16] : memref<2528x128xf32, #tpu.memory_space<vmem>>, vector<2528x128xf32>
    %get3A_18 = arith.constant 0 : index
    %get3A_19 = arith.constant 0 : index
    %get3A_20 = vector.load %arg3[%get3A_18, %get3A_19] : memref<128x32xf32, #tpu.memory_space<vmem>>, vector<128x32xf32>
    %dot_general3A = arith.constant dense<0.000000e+00> : vector<2528x32xf32>
    %dot_general3A_21 = tpu.matmul %get3A_17, %get3A_20, %dot_general3A {dimension_numbers = #tpu.dot_dimension_numbers<[1], [0], [0], [1], [0, 0, 1, 1], [], []>, precision = #tpu.contract_precision<fp32>, transpose_lhs_hint = false} : vector<2528x128xf32>, vector<128x32xf32>, vector<2528x32xf32> -> vector<2528x32xf32>
    %mul3A = vector.broadcast %rsqrt3A : vector<2528x1xf32> to vector<2528x32xf32>
    %mul3A_22 = arith.mulf %dot_general3A_21, %mul3A : vector<2528x32xf32>
    %swap3A_23 = arith.constant 0 : index
    %swap3A_24 = arith.constant 0 : index
    %swap3A_25 = vector.load %arg5[%swap3A_23, %swap3A_24] : memref<2528x32xf32, #tpu.memory_space<vmem>>, vector<2528x32xf32>
    tpu.vector_store %arg5[%swap3A_23, %swap3A_24], %mul3A_22 {strides = array<i32>} : memref<2528x32xf32, #tpu.memory_space<vmem>>, vector<2528x32xf32>,
    return
  }
  func.func @transform_0(%arg0: i32) -> (i32, i32, i32) {
    %c0_i32 = arith.constant 0 : i32
    %c0_i32_0 = arith.constant 0 : i32
    %c0_i32_1 = arith.constant 0 : i32
    return %c0_i32, %arg0, %c0_i32_0 : i32, i32, i32
  }
  func.func @transform_1(%arg0: i32) -> (i32, i32) {
    %c0_i32 = arith.constant 0 : i32
    %c0_i32_0 = arith.constant 0 : i32
    return %arg0, %c0_i32 : i32, i32
  }
  func.func @transform_2(%arg0: i32) -> (i32, i32) {
    %c0_i32 = arith.constant 0 : i32
    %c0_i32_0 = arith.constant 0 : i32
    %c0_i32_1 = arith.constant 0 : i32
    return %c0_i32, %c0_i32_0 : i32, i32
  }
  func.func @transform_3(%arg0: i32) -> (i32, i32) {
    %c0_i32 = arith.constant 0 : i32
    %c0_i32_0 = arith.constant 0 : i32
    return %arg0, %c0_i32 : i32, i32
  }
  func.func @transform_4(%arg0: i32) -> (i32, i32) {
    %c0_i32 = arith.constant 0 : i32
    %c0_i32_0 = arith.constant 0 : i32
    return %arg0, %c0_i32 : i32, i32
  }
}

module attributes {stable_mosaic.version = 14 : i64} {
  func.func @_tc2_body(%arg0: i32, %arg1: memref<2x2528x32xf32, #tpu.memory_space<vmem>>, %arg2: memref<2528x32xf32, #tpu.memory_space<vmem>>, %arg3: memref<2528x1xf32, #tpu.memory_space<vmem>>, %arg4: memref<8x32xf32, #tpu.memory_space<vmem>>, %arg5: memref<2528x32xf32, #tpu.memory_space<vmem>>) attributes {dimension_semantics = [#tpu.dimension_semantics<arbitrary>], iteration_bounds = array<i64: 4>, scalar_prefetch = 0 : i64, scratch_operands = 0 : i64, tpu.core_type = #tpu.core_type<tc>, window_params = [{transform_indices = @transform_0, window_bounds = array<i64: 2, 2528, 32>}, {transform_indices = @transform_1, window_bounds = array<i64: 2528, 32>}, {transform_indices = @transform_2, window_bounds = array<i64: 2528, 1>}, {pipeline_mode = #tpu.pipeline_mode<synchronous>, transform_indices = @transform_3, window_bounds = array<i64: 8, 32>}, {transform_indices = @transform_4, window_bounds = array<i64: 2528, 32>}]} {
    %get3A = arith.constant 0 : index
    %get3A_0 = arith.constant 0 : index
    %get3A_1 = vector.load %arg3[%get3A, %get3A_0] : memref<2528x1xf32, #tpu.memory_space<vmem>>, vector<2528x1xf32>
    %get3A_2 = arith.constant 0 : index
    %get3A_3 = arith.constant 0 : index
    %get3A_4 = arith.constant 0 : index
    %get3A_5 = vector.load %arg1[%get3A_2, %get3A_3, %get3A_4] : memref<2x2528x32xf32, #tpu.memory_space<vmem>>, vector<1x2528x32xf32>
    %get3A_6 = vector.shape_cast %get3A_5 : vector<1x2528x32xf32> to vector<2528x32xf32>
    %get3A_7 = arith.constant 1 : index
    %get3A_8 = arith.constant 0 : index
    %get3A_9 = arith.constant 0 : index
    %get3A_10 = vector.load %arg1[%get3A_7, %get3A_8, %get3A_9] : memref<2x2528x32xf32, #tpu.memory_space<vmem>>, vector<1x2528x32xf32>
    %get3A_11 = vector.shape_cast %get3A_10 : vector<1x2528x32xf32> to vector<2528x32xf32>
    %add3A = arith.addf %get3A_6, %get3A_11 : vector<2528x32xf32>
    %get3A_12 = arith.constant 0 : index
    %get3A_13 = arith.constant 0 : index
    %get3A_14 = vector.load %arg2[%get3A_12, %get3A_13] : memref<2528x32xf32, #tpu.memory_space<vmem>>, vector<2528x32xf32>
    %add3A_15 = arith.addf %add3A, %get3A_14 : vector<2528x32xf32>
    %mul3A = vector.broadcast %get3A_1 : vector<2528x1xf32> to vector<2528x32xf32>
    %mul3A_16 = arith.mulf %add3A_15, %mul3A : vector<2528x32xf32>
    %get3A_17 = arith.constant 0 : index
    %get3A_18 = arith.constant 0 : index
    %get3A_19 = vector.load %arg4[%get3A_17, %get3A_18] : memref<8x32xf32, #tpu.memory_space<vmem>>, vector<1x32xf32>
    %add3A_20 = vector.broadcast %get3A_19 : vector<1x32xf32> to vector<2528x32xf32>
    %add3A_21 = arith.addf %mul3A_16, %add3A_20 : vector<2528x32xf32>
    %max3A = arith.constant 0.000000e+00 : f32
    %max3A_22 = vector.broadcast %max3A : f32 to vector<2528x32xf32>
    %max3A_23 = arith.maximumf %add3A_21, %max3A_22 : vector<2528x32xf32>
    %mul3A_24 = vector.broadcast %get3A_1 : vector<2528x1xf32> to vector<2528x32xf32>
    %mul3A_25 = arith.mulf %max3A_23, %mul3A_24 : vector<2528x32xf32>
    %swap3A = arith.constant 0 : index
    %swap3A_26 = arith.constant 0 : index
    %swap3A_27 = vector.load %arg5[%swap3A, %swap3A_26] : memref<2528x32xf32, #tpu.memory_space<vmem>>, vector<2528x32xf32>
    tpu.vector_store %arg5[%swap3A, %swap3A_26], %mul3A_25 {strides = array<i32>} : memref<2528x32xf32, #tpu.memory_space<vmem>>, vector<2528x32xf32>,
    return
  }
  func.func @transform_0(%arg0: i32) -> (i32, i32, i32) {
    %c0_i32 = arith.constant 0 : i32
    %c0_i32_0 = arith.constant 0 : i32
    %c0_i32_1 = arith.constant 0 : i32
    return %c0_i32, %arg0, %c0_i32_0 : i32, i32, i32
  }
  func.func @transform_1(%arg0: i32) -> (i32, i32) {
    %c0_i32 = arith.constant 0 : i32
    %c0_i32_0 = arith.constant 0 : i32
    return %arg0, %c0_i32 : i32, i32
  }
  func.func @transform_2(%arg0: i32) -> (i32, i32) {
    %c0_i32 = arith.constant 0 : i32
    %c0_i32_0 = arith.constant 0 : i32
    return %arg0, %c0_i32 : i32, i32
  }
  func.func @transform_3(%arg0: i32) -> (i32, i32) {
    %c0_i32 = arith.constant 0 : i32
    %c0_i32_0 = arith.constant 0 : i32
    %c0_i32_1 = arith.constant 0 : i32
    return %c0_i32, %c0_i32_0 : i32, i32
  }
  func.func @transform_4(%arg0: i32) -> (i32, i32) {
    %c0_i32 = arith.constant 0 : i32
    %c0_i32_0 = arith.constant 0 : i32
    return %arg0, %c0_i32 : i32, i32
  }
}

module attributes {stable_mosaic.version = 14 : i64} {
  func.func @_tc3_body(%arg0: i32, %arg1: memref<2x2528x32xf32, #tpu.memory_space<vmem>>, %arg2: memref<2528x32xf32, #tpu.memory_space<vmem>>, %arg3: memref<2528x1xf32, #tpu.memory_space<vmem>>, %arg4: memref<32x64xf32, #tpu.memory_space<vmem>>, %arg5: memref<8x64xf32, #tpu.memory_space<vmem>>, %arg6: memref<2528x64xf32, #tpu.memory_space<vmem>>) attributes {dimension_semantics = [#tpu.dimension_semantics<arbitrary>], iteration_bounds = array<i64: 4>, scalar_prefetch = 0 : i64, scratch_operands = 0 : i64, tpu.core_type = #tpu.core_type<tc>, window_params = [{transform_indices = @transform_0, window_bounds = array<i64: 2, 2528, 32>}, {transform_indices = @transform_1, window_bounds = array<i64: 2528, 32>}, {transform_indices = @transform_2, window_bounds = array<i64: 2528, 1>}, {pipeline_mode = #tpu.pipeline_mode<synchronous>, transform_indices = @transform_3, window_bounds = array<i64: 32, 64>}, {pipeline_mode = #tpu.pipeline_mode<synchronous>, transform_indices = @transform_4, window_bounds = array<i64: 8, 64>}, {transform_indices = @transform_5, window_bounds = array<i64: 2528, 64>}]} {
    %get3A = arith.constant 0 : index
    %get3A_0 = arith.constant 0 : index
    %get3A_1 = vector.load %arg3[%get3A, %get3A_0] : memref<2528x1xf32, #tpu.memory_space<vmem>>, vector<2528x1xf32>
    %get3A_2 = arith.constant 0 : index
    %get3A_3 = arith.constant 0 : index
    %get3A_4 = arith.constant 0 : index
    %get3A_5 = vector.load %arg1[%get3A_2, %get3A_3, %get3A_4] : memref<2x2528x32xf32, #tpu.memory_space<vmem>>, vector<1x2528x32xf32>
    %get3A_6 = vector.shape_cast %get3A_5 : vector<1x2528x32xf32> to vector<2528x32xf32>
    %get3A_7 = arith.constant 1 : index
    %get3A_8 = arith.constant 0 : index
    %get3A_9 = arith.constant 0 : index
    %get3A_10 = vector.load %arg1[%get3A_7, %get3A_8, %get3A_9] : memref<2x2528x32xf32, #tpu.memory_space<vmem>>, vector<1x2528x32xf32>
    %get3A_11 = vector.shape_cast %get3A_10 : vector<1x2528x32xf32> to vector<2528x32xf32>
    %add3A = arith.addf %get3A_6, %get3A_11 : vector<2528x32xf32>
    %get3A_12 = arith.constant 0 : index
    %get3A_13 = arith.constant 0 : index
    %get3A_14 = vector.load %arg2[%get3A_12, %get3A_13] : memref<2528x32xf32, #tpu.memory_space<vmem>>, vector<2528x32xf32>
    %add3A_15 = arith.addf %add3A, %get3A_14 : vector<2528x32xf32>
    %mul3A = vector.broadcast %get3A_1 : vector<2528x1xf32> to vector<2528x32xf32>
    %mul3A_16 = arith.mulf %add3A_15, %mul3A : vector<2528x32xf32>
    %get3A_17 = arith.constant 0 : index
    %get3A_18 = arith.constant 0 : index
    %get3A_19 = vector.load %arg4[%get3A_17, %get3A_18] : memref<32x64xf32, #tpu.memory_space<vmem>>, vector<32x64xf32>
    %dot_general3A = arith.constant dense<0.000000e+00> : vector<2528x64xf32>
    %dot_general3A_20 = tpu.matmul %mul3A_16, %get3A_19, %dot_general3A {dimension_numbers = #tpu.dot_dimension_numbers<[1], [0], [0], [1], [0, 0, 1, 1], [], []>, precision = #tpu.contract_precision<fp32>, transpose_lhs_hint = false} : vector<2528x32xf32>, vector<32x64xf32>, vector<2528x64xf32> -> vector<2528x64xf32>
    %get3A_21 = arith.constant 0 : index
    %get3A_22 = arith.constant 0 : index
    %get3A_23 = vector.load %arg5[%get3A_21, %get3A_22] : memref<8x64xf32, #tpu.memory_space<vmem>>, vector<1x64xf32>
    %add3A_24 = vector.broadcast %get3A_23 : vector<1x64xf32> to vector<2528x64xf32>
    %add3A_25 = arith.addf %dot_general3A_20, %add3A_24 : vector<2528x64xf32>
    %max3A = arith.constant 0.000000e+00 : f32
    %max3A_26 = vector.broadcast %max3A : f32 to vector<2528x64xf32>
    %max3A_27 = arith.maximumf %add3A_25, %max3A_26 : vector<2528x64xf32>
    %mul3A_28 = vector.broadcast %get3A_1 : vector<2528x1xf32> to vector<2528x64xf32>
    %mul3A_29 = arith.mulf %max3A_27, %mul3A_28 : vector<2528x64xf32>
    %swap3A = arith.constant 0 : index
    %swap3A_30 = arith.constant 0 : index
    %swap3A_31 = vector.load %arg6[%swap3A, %swap3A_30] : memref<2528x64xf32, #tpu.memory_space<vmem>>, vector<2528x64xf32>
    tpu.vector_store %arg6[%swap3A, %swap3A_30], %mul3A_29 {strides = array<i32>} : memref<2528x64xf32, #tpu.memory_space<vmem>>, vector<2528x64xf32>,
    return
  }
  func.func @transform_0(%arg0: i32) -> (i32, i32, i32) {
    %c0_i32 = arith.constant 0 : i32
    %c0_i32_0 = arith.constant 0 : i32
    %c0_i32_1 = arith.constant 0 : i32
    return %c0_i32, %arg0, %c0_i32_0 : i32, i32, i32
  }
  func.func @transform_1(%arg0: i32) -> (i32, i32) {
    %c0_i32 = arith.constant 0 : i32
    %c0_i32_0 = arith.constant 0 : i32
    return %arg0, %c0_i32 : i32, i32
  }
  func.func @transform_2(%arg0: i32) -> (i32, i32) {
    %c0_i32 = arith.constant 0 : i32
    %c0_i32_0 = arith.constant 0 : i32
    return %arg0, %c0_i32 : i32, i32
  }
  func.func @transform_3(%arg0: i32) -> (i32, i32) {
    %c0_i32 = arith.constant 0 : i32
    %c0_i32_0 = arith.constant 0 : i32
    %c0_i32_1 = arith.constant 0 : i32
    return %c0_i32, %c0_i32_0 : i32, i32
  }
  func.func @transform_4(%arg0: i32) -> (i32, i32) {
    %c0_i32 = arith.constant 0 : i32
    %c0_i32_0 = arith.constant 0 : i32
    %c0_i32_1 = arith.constant 0 : i32
    return %c0_i32, %c0_i32_0 : i32, i32
  }
  func.func @transform_5(%arg0: i32) -> (i32, i32) {
    %c0_i32 = arith.constant 0 : i32
    %c0_i32_0 = arith.constant 0 : i32
    return %arg0, %c0_i32 : i32, i32
  }
}

module attributes {stable_mosaic.version = 14 : i64} {
  func.func @_tc4_body(%arg0: i32, %arg1: memref<2x2528x64xf32, #tpu.memory_space<vmem>>, %arg2: memref<2528x64xf32, #tpu.memory_space<vmem>>, %arg3: memref<2528x1xf32, #tpu.memory_space<vmem>>, %arg4: memref<64x128xf32, #tpu.memory_space<vmem>>, %arg5: memref<8x128xf32, #tpu.memory_space<vmem>>, %arg6: memref<2528x1xi32, #tpu.memory_space<vmem>>, %arg7: memref<128x64xf32, #tpu.memory_space<vmem>>, %arg8: memref<8x64xf32, #tpu.memory_space<vmem>>, %arg9: memref<64x10xf32, #tpu.memory_space<vmem>>, %arg10: memref<8x10xf32, #tpu.memory_space<vmem>>, %arg11: memref<64x10xf32, #tpu.memory_space<vmem>>, %arg12: memref<64x128xf32, #tpu.memory_space<vmem>>, %arg13: memref<64x1xf32, #tpu.memory_space<vmem>>) attributes {dimension_semantics = [#tpu.dimension_semantics<arbitrary>], iteration_bounds = array<i64: 4>, scalar_prefetch = 0 : i64, scratch_operands = 2 : i64, tpu.core_type = #tpu.core_type<tc>, window_params = [{transform_indices = @transform_0, window_bounds = array<i64: 2, 2528, 64>}, {transform_indices = @transform_1, window_bounds = array<i64: 2528, 64>}, {transform_indices = @transform_2, window_bounds = array<i64: 2528, 1>}, {pipeline_mode = #tpu.pipeline_mode<synchronous>, transform_indices = @transform_3, window_bounds = array<i64: 64, 128>}, {pipeline_mode = #tpu.pipeline_mode<synchronous>, transform_indices = @transform_4, window_bounds = array<i64: 8, 128>}, {transform_indices = @transform_5, window_bounds = array<i64: 2528, 1>}, {pipeline_mode = #tpu.pipeline_mode<synchronous>, transform_indices = @transform_6, window_bounds = array<i64: 128, 64>}, {pipeline_mode = #tpu.pipeline_mode<synchronous>, transform_indices = @transform_7, window_bounds = array<i64: 8, 64>}, {pipeline_mode = #tpu.pipeline_mode<synchronous>, transform_indices = @transform_8, window_bounds = array<i64: 64, 10>}, {pipeline_mode = #tpu.pipeline_mode<synchronous>, transform_indices = @transform_9, window_bounds = array<i64: 8, 10>}, {pipeline_mode = #tpu.pipeline_mode<synchronous>, transform_indices = @transform_10, window_bounds = array<i64: 64, 10>}]} {
    %get3A = arith.constant 0 : index
    %get3A_0 = arith.constant 0 : index
    %get3A_1 = vector.load %arg3[%get3A, %get3A_0] : memref<2528x1xf32, #tpu.memory_space<vmem>>, vector<2528x1xf32>
    %get3A_2 = arith.constant 0 : index
    %get3A_3 = arith.constant 0 : index
    %get3A_4 = arith.constant 0 : index
    %get3A_5 = vector.load %arg1[%get3A_2, %get3A_3, %get3A_4] : memref<2x2528x64xf32, #tpu.memory_space<vmem>>, vector<1x2528x64xf32>
    %get3A_6 = vector.shape_cast %get3A_5 : vector<1x2528x64xf32> to vector<2528x64xf32>
    %get3A_7 = arith.constant 1 : index
    %get3A_8 = arith.constant 0 : index
    %get3A_9 = arith.constant 0 : index
    %get3A_10 = vector.load %arg1[%get3A_7, %get3A_8, %get3A_9] : memref<2x2528x64xf32, #tpu.memory_space<vmem>>, vector<1x2528x64xf32>
    %get3A_11 = vector.shape_cast %get3A_10 : vector<1x2528x64xf32> to vector<2528x64xf32>
    %add3A = arith.addf %get3A_6, %get3A_11 : vector<2528x64xf32>
    %get3A_12 = arith.constant 0 : index
    %get3A_13 = arith.constant 0 : index
    %get3A_14 = vector.load %arg2[%get3A_12, %get3A_13] : memref<2528x64xf32, #tpu.memory_space<vmem>>, vector<2528x64xf32>
    %add3A_15 = arith.addf %add3A, %get3A_14 : vector<2528x64xf32>
    %mul3A = vector.broadcast %get3A_1 : vector<2528x1xf32> to vector<2528x64xf32>
    %mul3A_16 = arith.mulf %add3A_15, %mul3A : vector<2528x64xf32>
    %get3A_17 = arith.constant 0 : index
    %get3A_18 = arith.constant 0 : index
    %get3A_19 = vector.load %arg4[%get3A_17, %get3A_18] : memref<64x128xf32, #tpu.memory_space<vmem>>, vector<64x128xf32>
    %dot_general3A = arith.constant dense<0.000000e+00> : vector<2528x128xf32>
    %dot_general3A_20 = tpu.matmul %mul3A_16, %get3A_19, %dot_general3A {dimension_numbers = #tpu.dot_dimension_numbers<[1], [0], [0], [1], [0, 0, 1, 1], [], []>, precision = #tpu.contract_precision<fp32>, transpose_lhs_hint = false} : vector<2528x64xf32>, vector<64x128xf32>, vector<2528x128xf32> -> vector<2528x128xf32>
    %get3A_21 = arith.constant 0 : index
    %get3A_22 = arith.constant 0 : index
    %get3A_23 = vector.load %arg5[%get3A_21, %get3A_22] : memref<8x128xf32, #tpu.memory_space<vmem>>, vector<1x128xf32>
    %add3A_24 = vector.broadcast %get3A_23 : vector<1x128xf32> to vector<2528x128xf32>
    %add3A_25 = arith.addf %dot_general3A_20, %add3A_24 : vector<2528x128xf32>
    %iota3A = tpu.iota {dimensions = array<i32: 1>} : vector<2528x64xi32>
    %get3A_26 = arith.constant 0 : index
    %get3A_27 = arith.constant 0 : index
    %get3A_28 = vector.load %arg6[%get3A_26, %get3A_27] : memref<2528x1xi32, #tpu.memory_space<vmem>>, vector<2528x1xi32>
    %eq3A = vector.broadcast %get3A_28 : vector<2528x1xi32> to vector<2528x64xi32>
    %eq3A_29 = arith.cmpi eq, %eq3A, %iota3A : vector<2528x64xi32>
    %convert_element_type3A = arith.extui %eq3A_29 : vector<2528x64xi1> to vector<2528x64xi32>
    %convert_element_type3A_30 = arith.sitofp %convert_element_type3A : vector<2528x64xi32> to vector<2528x64xf32>
    %dot_general3A_31 = arith.constant dense<0.000000e+00> : vector<64x128xf32>
    %dot_general3A_32 = tpu.matmul %convert_element_type3A_30, %add3A_25, %dot_general3A_31 {dimension_numbers = #tpu.dot_dimension_numbers<[0], [0], [1], [1], [0, 1, 1, 1], [], []>, precision = #tpu.contract_precision<fp32>, transpose_lhs_hint = false} : vector<2528x64xf32>, vector<2528x128xf32>, vector<64x128xf32> -> vector<64x128xf32>
    %broadcast_in_dim3A = arith.constant 1.000000e+00 : f32
    %broadcast_in_dim3A_33 = vector.broadcast %broadcast_in_dim3A : f32 to vector<2528x1xf32>
    %dot_general3A_34 = arith.constant dense<0.000000e+00> : vector<64x1xf32>
    %dot_general3A_35 = tpu.matmul %convert_element_type3A_30, %broadcast_in_dim3A_33, %dot_general3A_34 {dimension_numbers = #tpu.dot_dimension_numbers<[0], [0], [1], [1], [0, 1, 1, 1], [], []>, precision = #tpu.contract_precision<fp32>, transpose_lhs_hint = false} : vector<2528x64xf32>, vector<2528x1xf32>, vector<64x1xf32> -> vector<64x1xf32>
    %eq3A_36 = arith.constant 0 : i32
    %eq3A_37 = arith.cmpi eq, %arg0, %eq3A_36 : i32
    %convert_element_type3A_38 = arith.extui %eq3A_37 : i1 to i32
    %cond3A = arith.constant 0 : i32
    %cond3A_39 = arith.cmpi ne, %convert_element_type3A_38, %cond3A : i32
    scf.if %cond3A_39 {
      %swap3A = arith.constant 0 : index
      %swap3A_49 = arith.constant 0 : index
      %swap3A_50 = vector.load %arg12[%swap3A, %swap3A_49] : memref<64x128xf32, #tpu.memory_space<vmem>>, vector<64x128xf32>
      tpu.vector_store %arg12[%swap3A, %swap3A_49], %dot_general3A_32 {strides = array<i32>} : memref<64x128xf32, #tpu.memory_space<vmem>>, vector<64x128xf32>,
      %swap3A_51 = arith.constant 0 : index
      %swap3A_52 = arith.constant 0 : index
      %swap3A_53 = vector.load %arg13[%swap3A_51, %swap3A_52] : memref<64x1xf32, #tpu.memory_space<vmem>>, vector<64x1xf32>
      tpu.vector_store %arg13[%swap3A_51, %swap3A_52], %dot_general3A_35 {strides = array<i32>} : memref<64x1xf32, #tpu.memory_space<vmem>>, vector<64x1xf32>,
    } else {
    }
    %ne3A = arith.constant 0 : i32
    %ne3A_40 = arith.cmpi ne, %arg0, %ne3A : i32
    %convert_element_type3A_41 = arith.extui %ne3A_40 : i1 to i32
    %cond3A_42 = arith.constant 0 : i32
    %cond3A_43 = arith.cmpi ne, %convert_element_type3A_41, %cond3A_42 : i32
    scf.if %cond3A_43 {
      %get3A_49 = arith.constant 0 : index
      %get3A_50 = arith.constant 0 : index
      %get3A_51 = vector.load %arg12[%get3A_49, %get3A_50] : memref<64x128xf32, #tpu.memory_space<vmem>>, vector<64x128xf32>
      %add3A_52 = arith.addf %get3A_51, %dot_general3A_32 : vector<64x128xf32>
      %swap3A = arith.constant 0 : index
      %swap3A_53 = arith.constant 0 : index
      %swap3A_54 = vector.load %arg12[%swap3A, %swap3A_53] : memref<64x128xf32, #tpu.memory_space<vmem>>, vector<64x128xf32>
      tpu.vector_store %arg12[%swap3A, %swap3A_53], %add3A_52 {strides = array<i32>} : memref<64x128xf32, #tpu.memory_space<vmem>>, vector<64x128xf32>,
      %get3A_55 = arith.constant 0 : index
      %get3A_56 = arith.constant 0 : index
      %get3A_57 = vector.load %arg13[%get3A_55, %get3A_56] : memref<64x1xf32, #tpu.memory_space<vmem>>, vector<64x1xf32>
      %add3A_58 = arith.addf %get3A_57, %dot_general3A_35 : vector<64x1xf32>
      %swap3A_59 = arith.constant 0 : index
      %swap3A_60 = arith.constant 0 : index
      %swap3A_61 = vector.load %arg13[%swap3A_59, %swap3A_60] : memref<64x1xf32, #tpu.memory_space<vmem>>, vector<64x1xf32>
      tpu.vector_store %arg13[%swap3A_59, %swap3A_60], %add3A_58 {strides = array<i32>} : memref<64x1xf32, #tpu.memory_space<vmem>>, vector<64x1xf32>,
    } else {
    }
    %eq3A_44 = arith.constant 3 : i32
    %eq3A_45 = arith.cmpi eq, %arg0, %eq3A_44 : i32
    %convert_element_type3A_46 = arith.extui %eq3A_45 : i1 to i32
    %cond3A_47 = arith.constant 0 : i32
    %cond3A_48 = arith.cmpi ne, %convert_element_type3A_46, %cond3A_47 : i32
    scf.if %cond3A_48 {
      %get3A_49 = arith.constant 0 : index
      %get3A_50 = arith.constant 0 : index
      %get3A_51 = vector.load %arg12[%get3A_49, %get3A_50] : memref<64x128xf32, #tpu.memory_space<vmem>>, vector<64x128xf32>
      %get3A_52 = arith.constant 0 : index
      %get3A_53 = arith.constant 0 : index
      %get3A_54 = vector.load %arg13[%get3A_52, %get3A_53] : memref<64x1xf32, #tpu.memory_space<vmem>>, vector<64x1xf32>
      %max3A = arith.constant 1.000000e+00 : f32
      %max3A_55 = vector.broadcast %max3A : f32 to vector<64x1xf32>
      %max3A_56 = arith.maximumf %get3A_54, %max3A_55 : vector<64x1xf32>
      %div3A = vector.broadcast %max3A_56 : vector<64x1xf32> to vector<64x128xf32>
      %div3A_57 = arith.divf %get3A_51, %div3A : vector<64x128xf32>
      %get3A_58 = arith.constant 0 : index
      %get3A_59 = arith.constant 0 : index
      %get3A_60 = vector.load %arg7[%get3A_58, %get3A_59] : memref<128x64xf32, #tpu.memory_space<vmem>>, vector<128x64xf32>
      %dot_general3A_61 = arith.constant dense<0.000000e+00> : vector<64x64xf32>
      %dot_general3A_62 = tpu.matmul %div3A_57, %get3A_60, %dot_general3A_61 {dimension_numbers = #tpu.dot_dimension_numbers<[1], [0], [0], [1], [0, 0, 1, 1], [], []>, precision = #tpu.contract_precision<fp32>, transpose_lhs_hint = false} : vector<64x128xf32>, vector<128x64xf32>, vector<64x64xf32> -> vector<64x64xf32>
      %get3A_63 = arith.constant 0 : index
      %get3A_64 = arith.constant 0 : index
      %get3A_65 = vector.load %arg8[%get3A_63, %get3A_64] : memref<8x64xf32, #tpu.memory_space<vmem>>, vector<1x64xf32>
      %add3A_66 = vector.broadcast %get3A_65 : vector<1x64xf32> to vector<64x64xf32>
      %add3A_67 = arith.addf %dot_general3A_62, %add3A_66 : vector<64x64xf32>
      %max3A_68 = arith.constant 0.000000e+00 : f32
      %max3A_69 = vector.broadcast %max3A_68 : f32 to vector<64x64xf32>
      %max3A_70 = arith.maximumf %add3A_67, %max3A_69 : vector<64x64xf32>
      %get3A_71 = arith.constant 0 : index
      %get3A_72 = arith.constant 0 : index
      %get3A_73 = vector.load %arg9[%get3A_71, %get3A_72] : memref<64x10xf32, #tpu.memory_space<vmem>>, vector<64x10xf32>
      %dot_general3A_74 = arith.constant dense<0.000000e+00> : vector<64x10xf32>
      %dot_general3A_75 = tpu.matmul %max3A_70, %get3A_73, %dot_general3A_74 {dimension_numbers = #tpu.dot_dimension_numbers<[1], [0], [0], [1], [0, 0, 1, 1], [], []>, precision = #tpu.contract_precision<fp32>, transpose_lhs_hint = false} : vector<64x64xf32>, vector<64x10xf32>, vector<64x10xf32> -> vector<64x10xf32>
      %get3A_76 = arith.constant 0 : index
      %get3A_77 = arith.constant 0 : index
      %get3A_78 = vector.load %arg10[%get3A_76, %get3A_77] : memref<8x10xf32, #tpu.memory_space<vmem>>, vector<1x10xf32>
      %add3A_79 = vector.broadcast %get3A_78 : vector<1x10xf32> to vector<64x10xf32>
      %add3A_80 = arith.addf %dot_general3A_75, %add3A_79 : vector<64x10xf32>
      %swap3A = arith.constant 0 : index
      %swap3A_81 = arith.constant 0 : index
      %swap3A_82 = vector.load %arg11[%swap3A, %swap3A_81] : memref<64x10xf32, #tpu.memory_space<vmem>>, vector<64x10xf32>
      tpu.vector_store %arg11[%swap3A, %swap3A_81], %add3A_80 {strides = array<i32>} : memref<64x10xf32, #tpu.memory_space<vmem>>, vector<64x10xf32>,
    } else {
    }
    return
  }
  func.func @transform_0(%arg0: i32) -> (i32, i32, i32) {
    %c0_i32 = arith.constant 0 : i32
    %c0_i32_0 = arith.constant 0 : i32
    %c0_i32_1 = arith.constant 0 : i32
    return %c0_i32, %arg0, %c0_i32_0 : i32, i32, i32
  }
  func.func @transform_1(%arg0: i32) -> (i32, i32) {
    %c0_i32 = arith.constant 0 : i32
    %c0_i32_0 = arith.constant 0 : i32
    return %arg0, %c0_i32 : i32, i32
  }
  func.func @transform_2(%arg0: i32) -> (i32, i32) {
    %c0_i32 = arith.constant 0 : i32
    %c0_i32_0 = arith.constant 0 : i32
    return %arg0, %c0_i32 : i32, i32
  }
  func.func @transform_3(%arg0: i32) -> (i32, i32) {
    %c0_i32 = arith.constant 0 : i32
    %c0_i32_0 = arith.constant 0 : i32
    %c0_i32_1 = arith.constant 0 : i32
    return %c0_i32, %c0_i32_0 : i32, i32
  }
  func.func @transform_4(%arg0: i32) -> (i32, i32) {
    %c0_i32 = arith.constant 0 : i32
    %c0_i32_0 = arith.constant 0 : i32
    %c0_i32_1 = arith.constant 0 : i32
    return %c0_i32, %c0_i32_0 : i32, i32
  }
  func.func @transform_5(%arg0: i32) -> (i32, i32) {
    %c0_i32 = arith.constant 0 : i32
    %c0_i32_0 = arith.constant 0 : i32
    return %arg0, %c0_i32 : i32, i32
  }
  func.func @transform_6(%arg0: i32) -> (i32, i32) {
    %c0_i32 = arith.constant 0 : i32
    %c0_i32_0 = arith.constant 0 : i32
    %c0_i32_1 = arith.constant 0 : i32
    return %c0_i32, %c0_i32_0 : i32, i32
  }
  func.func @transform_7(%arg0: i32) -> (i32, i32) {
    %c0_i32 = arith.constant 0 : i32
    %c0_i32_0 = arith.constant 0 : i32
    %c0_i32_1 = arith.constant 0 : i32
    return %c0_i32, %c0_i32_0 : i32, i32
  }
  func.func @transform_8(%arg0: i32) -> (i32, i32) {
    %c0_i32 = arith.constant 0 : i32
    %c0_i32_0 = arith.constant 0 : i32
    %c0_i32_1 = arith.constant 0 : i32
    return %c0_i32, %c0_i32_0 : i32, i32
  }
  func.func @transform_9(%arg0: i32) -> (i32, i32) {
    %c0_i32 = arith.constant 0 : i32
    %c0_i32_0 = arith.constant 0 : i32
    %c0_i32_1 = arith.constant 0 : i32
    return %c0_i32, %c0_i32_0 : i32, i32
  }
  func.func @transform_10(%arg0: i32) -> (i32, i32) {
    %c0_i32 = arith.constant 0 : i32
    %c0_i32_0 = arith.constant 0 : i32
    %c0_i32_1 = arith.constant 0 : i32
    return %c0_i32, %c0_i32_0 : i32, i32
  }
}

</mosaic_0001>

<sc_bundles>
// kernel: kernel.10.cloned.1.call-start
scs
__scs_entry_jumppad:
0x0: {  	(pc) =	sbr.rel $0x88, $3  }
0x1: {  	(tag) =	ssettag $0x0;
	lr =	simm.s32 $0x1  }
0x2: {  	[smem:$0x3F94] =	sst lr;
	_ =	strace $0xD0000000  }
0x3: {  	_ = 	snop  }
0x4: {  	_ = 	snop  }
0x5: {  	_ = 	snop  }
0x6: {  	_ = 	snop  }
0x7: {  	_ = 	snop  }
__scs_overlays_trampoline_lowered:
0x8: {  	[smem:$0x3FA3] =	sst s0  }
0x9: {  	[smem:$0x3FA4] =	sst s1  }
0xa: {  	[smem:$0x3FA5] =	sst s2  }
0xb: {  	[smem:$0x3FA6] =	sst s3  }
0xc: {  	[smem:$0x3FA7] =	sst s4  }
0xd: {  	[smem:$0x3FA8] =	sst s5  }
0xe: {  	[smem:$0x3FA9] =	sst s6  }
0xf: {  	[smem:$0x3FAA] =	sst s7  }
0x10: {  	[smem:$0x3FAB] =	sst s8  }
0x11: {  	[smem:$0x3FAC] =	sst s9;
	s0 =	simm.s32 @!p0 $0x0  }
0x12: {  	s1 =	sld [smem:$0x3F92];
	s0 =	simm.s32 @p0 $0x1  }
0x13: {  	[smem:$0x3FAD] =	sst s0;
	s0 =	simm.s32 @!p1 $0x0  }
0x14: {  	s2 =	sld [smem:$0x3F91];
	s0 =	simm.s32 @p1 $0x1  }
0x15: {  	[smem:$0x3FAE] =	sst s0;
	s0 =	simm.s32 @!p2 $0x0  }
0x16: {  	s3 =	sld [smem:$0x3FDB];
	s0 =	simm.s32 @p2 $0x1  }
0x17: {  	s4 =	simm.s32 $0x1BF5;
	[smem:$0x3FB0] =	sst s0  }
0x18: {  	s0 =	sld [smem:$0x3F93];
	_ =	swait.ge [sflag:s4], $0x0  }
0x19: {  	s7 =	sld [smem:$0x3F94]  }
0x1a: {  	s8 =	sadd.s32 $0xFFFFE003, lr  }
0x1b: {  	s9 =	sadd.s32 $0xFFFFFEF7, lr;
	s5 =	simm.s32 $0xFFFFFFFF;
	p2 =	slt.u32 s8, $0xFFFFF086  }
0x1c: {  	p1 =	slt.u32 s9, $0xF7A;
	s5 =	simm.s32 @!p2 $0x0  }
0x1d: {  	s5 =	simm.s32 @p1 $0x1;
	p0 =	seq.s32 s7, s2  }
0x1e: {  	s7 =	smul.u32 @!p0 $0xF7A, s2;
	p2 =	seq.s32 @!p0 s5, $0x0  }
0x1f: {  	s9 =	smul.u32 $0xF7A, s1;
	s8 =	simm.s32 @!p0 $0x1BF5;
	p2 =	por !p2, p0  }
0x20: {  	[sflag:s8] =	ssyncset.s32 @!p0 $0xFFFFF086;
	s6 =	sadd.s32 @!p0 s3, s7;
	s7 =	simm.s32 @!p0 $0x108  }
0x21: {  	s3 =	sadd.s32 s3, s9;
	s6 =	sadd.s32 @!p0 $0x88, s6;
	s7 =	simm.s32 @p2 $0x1082  }
0x22: {  	[simem:s7], [sflag:s8] =	dma.local @!p0 [hbm:s6], $0xF7A  }
0x23: {  	s9 =	sor.u32 $0xD0000000, s2;
	s6 =	simm.s32 $0x108;
	_ =	swait.ge @!p0 [sflag:s8], $0x0  }
0x24: {  	s3 =	sadd.s32 $0x88, s3;
	s6 =	simm.s32 @!p1 $0x1082;
	[sflag:s4] =	ssyncset.s32 $0xFFFFF086  }
0x25: {  	[simem:s6], [sflag:s4] =	dma.local [hbm:s3], $0xF7A  }
0x26: {  	[smem:$0x3F94] =	sst s1;
	(tag) =	ssettag s2;
	_ =	strace s9  }
0x27: {  	s1 =	sld [smem:$0x3FA4]  }
0x28: {  	s2 =	sld [smem:$0x3FA5]  }
0x29: {  	s4 =	sld [smem:$0x3FA7]  }
0x2a: {  	p0 =	seq.s32 s5, $0x0;
	s5 =	sld [smem:$0x3FA8]  }
0x2b: {  	s6 =	sld [smem:$0x3FA9]  }
0x2c: {  	s7 =	sld [smem:$0x3FAA]  }
0x2d: {  	s3 =	simm.s32 $0x108;
	s8 =	sld [smem:$0x3FAB]  }
0x2e: {  	s3 =	simm.s32 @!p0 $0x1082;
	s9 =	sld [smem:$0x3FAC]  }
0x2f: {  	lr =	sadd.s32 s0, s3;
	s0 =	sld [smem:$0x3FA3]  }
0x30: {  	s3 =	sld [smem:$0x3FA6]  }
0x31: {  	[smem:$0x3FAF] =	sst s10  }
0x32: {  	s10 =	sld [smem:$0x3FAD];
	_ =	sdelay $0x3  }
0x33: {  	p0 =	seq.s32 s10, $0x1;
	s10 =	sld [smem:$0x3FAF];
	_ =	sdelay $0x3  }
0x34: {  	[smem:$0x3FAF] =	sst s10  }
0x35: {  	s10 =	sld [smem:$0x3FAE];
	_ =	sdelay $0x3  }
0x36: {  	p1 =	seq.s32 s10, $0x1;
	s10 =	sld [smem:$0x3FAF];
	_ =	sdelay $0x3  }
0x37: {  	[smem:$0x3FAF] =	sst s10  }
0x38: {  	s10 =	sld [smem:$0x3FB0]  }
0x39: {  	_ = 	snop;
	(pc) =	sbr.ind lr, $3  }
0x3a: {  	_ = 	snop  }
0x3b: {  	_ = 	snop  }
0x3c: {  	p2 =	seq.s32 s10, $0x1;
	s10 =	sld [smem:$0x3FAF]  }
0x3d: {  	_ =	shalt  }
0x3e: {  	_ =	shalt  }
0x3f: {  	_ =	shalt  }
0x40: {  	_ =	shalt  }
0x41: {  	_ =	shalt  }
0x42: {  	_ =	shalt  }
0x43: {  	_ =	shalt  }
0x44: {  	_ =	shalt  }
0x45: {  	_ =	shalt  }
0x46: {  	_ =	shalt  }
0x47: {  	_ =	shalt  }
0x48: {  	_ =	shalt  }
0x49: {  	_ =	shalt  }
0x4a: {  	_ =	shalt  }
0x4b: {  	_ =	shalt  }
0x4c: {  	_ =	shalt  }
0x4d: {  	_ =	shalt  }
0x4e: {  	_ =	shalt  }
0x4f: {  	_ =	shalt  }
0x50: {  	_ =	shalt  }
0x51: {  	_ =	shalt  }
0x52: {  	_ =	shalt  }
0x53: {  	_ =	shalt  }
0x54: {  	_ =	shalt  }
0x55: {  	_ =	shalt  }
0x56: {  	_ =	shalt  }
0x57: {  	_ =	shalt  }
0x58: {  	_ =	shalt  }
0x59: {  	_ =	shalt  }
0x5a: {  	_ =	shalt  }
0x5b: {  	_ =	shalt  }
0x5c: {  	_ =	shalt  }
0x5d: {  	_ =	shalt  }
0x5e: {  	_ =	shalt  }
0x5f: {  	_ =	shalt  }
0x60: {  	_ =	shalt  }
0x61: {  	_ =	shalt  }
0x62: {  	_ =	shalt  }
0x63: {  	_ =	shalt  }
0x64: {  	_ =	shalt  }
0x65: {  	_ =	shalt  }
0x66: {  	_ =	shalt  }
0x67: {  	_ =	shalt  }
0x68: {  	_ =	shalt  }
0x69: {  	_ =	shalt  }
0x6a: {  	_ =	shalt  }
0x6b: {  	_ =	shalt  }
0x6c: {  	_ =	shalt  }
0x6d: {  	_ =	shalt  }
0x6e: {  	_ =	shalt  }
0x6f: {  	_ =	shalt  }
0x70: {  	_ =	shalt  }
0x71: {  	_ =	shalt  }
0x72: {  	_ =	shalt  }
0x73: {  	_ =	shalt  }
0x74: {  	_ =	shalt  }
0x75: {  	_ =	shalt  }
0x76: {  	_ =	shalt  }
0x77: {  	_ =	shalt  }
0x78: {  	_ =	shalt  }
0x79: {  	_ =	shalt  }
0x7a: {  	_ =	shalt  }
0x7b: {  	_ =	shalt  }
0x7c: {  	_ =	shalt  }
0x7d: {  	_ =	shalt  }
0x7e: {  	_ =	shalt  }
0x7f: {  	_ =	shalt  }
0x80: {  	_ =	shalt  }
0x81: {  	_ =	shalt  }
0x82: {  	_ =	shalt  }
0x83: {  	_ =	shalt  }
0x84: {  	_ =	shalt  }
0x85: {  	_ =	shalt  }
0x86: {  	_ =	shalt  }
0x87: {  	_ =	shalt  }
.Lfunc_end0:
.L_simem_size_0:
called_computation_lowered:
.L_overlay_start_0:
0x88: {  	s2 =	sld [smem:$0x3FD9]  }
0x89: {  	s3 =	sld [smem:$0x3FFE];
	_ =	sdelay $0x1  }
0x8a: {  	s1 =	srdreg.scid  }
0x8b: {  	s0 =	sand.u32 $0x1, s1  }
0x8c: {  	s16 =	sshll.u32 s0, $0xA;
	s2 =	sadd.s32 s3, s2  }
0x8d: {  	s2 =	sadd.s32 s2, s16  }
0x8e: {  	[smem:$0x3FBB] =	sst s2  }
0x8f: {  	_ = 	snop  }
0x90: {  	(tm) =	ssettm $0x1  }
0x91: {  	s17 =	sld [smem:$0x3FFB];
	_ =	sdelay $0x3  }
0x92: {  	_ =	strace s17  }
0x93: {  	s2 =	sld [smem:$0x3FFC];
	_ =	sdelay $0x3  }
0x94: {  	_ =	strace s2  }
0x95: {  	s2 =	sld [smem:$0x3FFD];
	_ =	sdelay $0x3  }
0x96: {  	_ =	strace s2  }
0x97: {  	_ =	strace $0x8FFFFFFF  }
0x98: {  	s18 =	sld [smem:$0x3FDB];
	_ =	sdelay $0x1  }
0x99: {  	s19 =	simm.s32 $_scs_section_size  }
0x9a: {  	s4 =	simm.s32 $_size__tile_overlayer_lowered;
	s5 =	simm.s32 $_tile_overlayer_lowered  }
0x9b: {  	s22 =	simm.s32 $0x1BFF;
	s21 =	sshll.u32 s5, $0x1;
	s2 =	sadd.s32 s19, s18  }
0x9c: {  	s6 =	simm.s32 $0x0;
	s20 =	sshll.u32 s4, $0x1;
	s4 =	sadd.s32 s21, s2  }
0x9d: {  	[timem:s6], [sflag:s22] =	dma.local [hbm:s4], s20  }
0x9e: {  	_ =	swait.ge [sflag:s22], s20  }
0x9f: {  	s3 =	ssub.s32 $0x0, s20;
	[sflag:s22] =	ssyncset.done $0x0  }
0xa0: {  	[sflag:s22] =	ssyncadd.s32 s3;
	_ =	sdelay $0x1  }
0xa1: {  	s23 =	simm.s32 $0x1B8B  }
0xa2: {  	_ =	swait.ge [sflag:s23], $0x1  }
0xa3: {  	[sflag:s23] =	ssyncset.done $0x0  }
0xa4: {  	s25 =	simm.s32 $0x1B8E;
	s24 =	sld [smem:$0x3FFE];
	[sflag:s23] =	ssyncadd.s32 $0xFFFFFFFF  }
0xa5: {  	s26 =	simm.s32 $execute0_lowered;
	[smem:$0x3FD2] =	sst s25  }
0xa6: {  	s4 =	sshll.u32 s26, $0x1;
	_ =	strace $0x80000046;
	[dreg:$0x1] =	wrdreg $0xFFFFFFFF  }
0xa7: {  	s28 =	simm.s32 $_size_execute0_lowered;
	s2 =	sadd.s32 s2, s4;
	[dreg:$0x0] =	wrdreg $0x0  }
0xa8: {  	s4 =	sshll.u32 s28, $0x1;
	[dreg:$0x2] =	wrdreg s2  }
0xa9: {  	[dreg:$0x3] =	wrdreg s4  }
0xaa: {  	[dreg:$0x4] =	wrdreg $0xC0  }
0xab: {  	_ =	task [dreg:s6], $0x5FFFF  }
0xac: {  	[dreg:$0x1] =	wrdreg $0xFFFFFFFF  }
0xad: {  	[dreg:$0x0] =	wrdreg $0x60  }
0xae: {  	[dreg:$0x2] =	wrdreg s24  }
0xaf: {  	[dreg:$0x3] =	wrdreg $0x37800  }
0xb0: {  	[dreg:$0x4] =	wrdreg $0x9  }
0xb1: {  	_ =	task.clear_ibuf [dreg:s6], $0x5FFFF;
	_ =	strace $0x90000046  }
0xb2: {  	s29 =	simm.s32 $0x9;
	_ =	strace $0x80000048  }
0xb3: {  	_ =	swait.ge [sflag:s29], $0x1  }
0xb4: {  	[sflag:s29] =	ssyncadd.s32 $0xFFFFFFFF  }
0xb5: {  	_ =	strace $0x90000048  }
0xb6: {  	_ =	sfence  }
0xb7: {  	s30 =	sld [smem:$0x0];
	_ =	sdelay $0x2  }
0xb8: {  	s31 =	sshll.u32 s1, $0xD;
	s1 =	sshrl.u32 s1, $0x2  }
0xb9: {  	s3 =	sand.u32 $0x4000, s31;
	s1 =	sadd.s32 s1, s30  }
0xba: {  	s0 =	sor.u32 s3, s0;
	s1 =	sshll.u32 s1, $0x11  }
0xbb: {  	s0 =	sor.u32 s1, s0  }
0xbc: {  	s0 =	sadd.s32 $0x8F2B, s0  }
0xbd: {  	[sflag:s0] =	ssyncadd.remote.s32 $0x1  }
0xbe: {  	_ =	sfence.sel $0xFFFF  }
0xbf: {  	[dreg:$0x0] =	wrdreg $0xFFFFFFFF;
	(pc) =	sbr.abs _section_cstart, $3  }
0xc0: {  	[dreg:$0x1] =	wrdreg $0xFFFFFFFF  }
0xc1: {  	_ =	task.clear_ibuf [dreg:s6], $0x2FFFF;
	_ =	strace $0x9FFFFFFF  }
0xc2: {  	(tm) =	ssettm $0x7FFFFFFF  }
0xc3: {  	_ =	shalt  }
tec
execute0_lowered:
.L_overlay_start_1:
0x0: {  	(tag) =	ssettag $0x1  }
0x1: {  	s5 =	rddreg [dreg:$0x0]  }
0x2: {  	s0 =	srdreg.scid;
	s2 =	rddreg [dreg:$0x1]  }
0x3: {  	s3 =	simm.s32 $0x0;
	s4 =	sand.u32 $0x1, s0;
	s0 =	stileid.u32  }
0x4: {  	s13 =	simm.s32 $0x1;
	s14 =	simm.s32 $0x80;
	s7 =	smul.u32 $0x2780, s0  }
0x5: {  	s15 =	simm.s32 $0x2780;
	[smem:$0x7FF] =	sst s3;
	s8 =	smul.u32 $0x27800, s4  }
0x6: {  	s1 =	sshll.u32 s4, $0x4;
	s9 =	smul.u32 $0x9E00, s0;
	s4 =	ssub.s32 $0x2, s4  }
0x7: {  	s16 =	sshll.u32 s0, $0x6;
	s1 =	sor.u32 s0, s1;
	s30 =	sshrl.u32 s4, $0x1  }
0x8: {  	s16 =	sor.u32 $0x1C01, s16;
	s6 =	smul.u32 $0x4F0, s1;
	s1 =	rddreg [dreg:$0x2]  }
0x9: {  	_ =	strace $0x80000047;
	s29 =	sadd.s32 s7, s8;
	s9 =	sshrl.u32 s9, $0x2  }
0xa: {  	s12 =	ssub.s32 s4, s30;
	s4 =	sadd.s32 s7, s2;
	s31 =	sadd.s32 s9, s2  }
0xb: {  	s17 =	sshrl.u32 s4, $0x3;
	s10 =	sadd.s32 s6, s5;
	s6 =	sshrl.u32 s29, $0x3  }
0xc: {  	s7 =	sadd.s32 $0x1800, s31;
	s8 =	sadd.s32 $0x2000, s31;
	s11 =	sadd.s32 s6, s5  }
0xd: {  	vm0 =	vcmask $0x300;
	v0 =	vimm.f32 $0.0e+00;
	s5 =	sadd.s32 $0x800, s31;
	s6 =	sadd.s32 $0x1000, s31;
	s9 =	sadd.s32 $0x2800, s10  }
0xe: {  	v1 =	vsel vm0, $0x3F800000, v0;
	s10 =	sadd.s32 $0xC600, s11;
	s11 =	smax.u32 s12, $0x1;
	s12 =	simm.s32 $0x2F80  }
.LBB2_1:
0xf: {  	s18 =	simm.s32 $0x40;
	s19 =	simm.s32 $0x0  }
.LBB2_2:
0x10: {  	p0 =	sne.s32 s18, $0x1FC0;
	[tilespmem:s19+$0x2780] =	vst v1;
	s20 =	smov.u32 s18;
	s18 =	sadd.s32 $0x40, s18  }
.Ltmp0:
0x11: {  	[tilespmem:s19+$0x2F80] =	vst v0;
	(pc) =	sbr.rel @p0 .LBB2_2-.Ltmp0, $2  }
0x12: {  	_ =	sdelay $0x2  }
0x13: {  	s19 =	sshra.s32 s20, $0x2  }
0x14: {  	[tilespmem:s19+$0x2780] =	vst v1  }
0x15: {  	[tilespmem:s19+$0x2F80] =	vst v0  }
0x16: {  	[spmem:s4] =	stream.linear.scatter [tilespmem:s12], [sflag:$0x1], $0x800, $0x38;
	[tilespmem:$0x5F00] =	vst v63  }
0x17: {  	_ =	swait.ge [sflag:s13], $0x800  }
0x18: {  	[sflag:s13] =	ssyncset.done $0x0  }
0x19: {  	[sflag:s13] =	ssyncadd.s32 $0xFFFFF800  }
0x1a: {  	[spmem:s5] =	stream.linear.scatter [tilespmem:s12], [sflag:$0x1], $0x800, $0x38;
	[tilespmem:$0x5F00] =	vst v63  }
0x1b: {  	_ =	swait.ge [sflag:s13], $0x800  }
0x1c: {  	[sflag:s13] =	ssyncset.done $0x0  }
0x1d: {  	[sflag:s13] =	ssyncadd.s32 $0xFFFFF800  }
0x1e: {  	[spmem:s6] =	stream.linear.scatter [tilespmem:s12], [sflag:$0x1], $0x800, $0x38;
	[tilespmem:$0x5F00] =	vst v63  }
0x1f: {  	_ =	swait.ge [sflag:s13], $0x800  }
0x20: {  	[sflag:s13] =	ssyncset.done $0x0  }
0x21: {  	[sflag:s13] =	ssyncadd.s32 $0xFFFFF800  }
0x22: {  	[spmem:s7] =	stream.linear.scatter [tilespmem:s12], [sflag:$0x1], $0x800, $0x38;
	[tilespmem:$0x5F00] =	vst v63  }
0x23: {  	_ =	swait.ge [sflag:s13], $0x800  }
0x24: {  	[sflag:s13] =	ssyncset.done $0x0  }
0x25: {  	[sflag:s13] =	ssyncadd.s32 $0xFFFFF800  }
0x26: {  	[spmem:s8] =	stream.linear.scatter [tilespmem:s12], [sflag:$0x1], $0x780, $0x38;
	[tilespmem:$0x5F00] =	vst v63  }
0x27: {  	_ =	swait.ge [sflag:s13], $0x780  }
0x28: {  	[sflag:s13] =	ssyncset.done $0x0  }
0x29: {  	s18 =	simm.s32 $0x0;
	[sflag:s13] =	ssyncadd.s32 $0xFFFFF880  }
0x2a: {  	[tilespmem:s18], [sflag:$0x1] =	stream.linear.gather [hbm4b:s9+s18], $0x2780, $0x38;
	[tilespmem:$0x5F00] =	vst v63  }
0x2b: {  	_ =	swait.ge [sflag:s13], $0x2780  }
0x2c: {  	[sflag:s13] =	ssyncset.done $0x0  }
0x2d: {  	[sflag:s13] =	ssyncadd.s32 $0xFFFFD880  }
0x2e: {  	s31 =	simm.s32 $0x0;
	[bflag:$0x0] =	sbarrier.arrive $0xFFFF  }
0x2f: {  	[spmem:s2] =	stream.indirect.scatter.add.f32 [tilespmem:s15], [sflag:$0x1], $0x10, s31, s14, $0xb8;
	[tilespmem:$0x5F00] =	vst v63  }
0x30: {  	_ =	swait.ge [sflag:s13], $0x800  }
0x31: {  	s18 =	simm.s32 $0x200;
	[sflag:s13] =	ssyncset.done $0x0  }
.LBB2_4:
0x32: {  	s19 =	sshra.s32 s18, $0x2;
	[sflag:s13] =	ssyncadd.s32 $0xFFFFF800;
	p0 =	sne.s32 s18, $0x9C00  }
0x33: {  	[spmem:s2] =	stream.indirect.scatter.add.f32 [tilespmem:s15], [sflag:$0x1], $0x10, s19, s14, $0xb8;
	[tilespmem:$0x5F00] =	vst v63  }
.Ltmp1:
0x34: {  	_ = 	snop;
	(pc) =	sbr.rel @p0 .LBB2_4-.Ltmp1, $4  }
0x35: {  	_ = 	snop  }
0x36: {  	s18 =	sadd.s32 $0x200, s18  }
0x37: {  	_ =	swait.ge [sflag:s13], $0x800  }
0x38: {  	[sflag:s13] =	ssyncset.done $0x0  }
0x39: {  	s3 =	sadd.s32 $0x1, s3  }
0x3a: {  	[sflag:s13] =	ssyncadd.s32 $0xFFFFF800;
	p0 =	sne.s32 s3, s11  }
.Ltmp2:
0x3b: {  	[bflag:$0x0] =	sbarrier.arrive $0xFFFF;
	(pc) =	sbr.rel @p0 .LBB2_1-.Ltmp2, $4  }
0x3c: {  	[hbm:s10], [sflag:s16] =	dma.local [spmem:s17], $0x4F0  }
0x3d: {  	_ =	swait.ge [sflag:s13], $0x4F0  }
0x3e: {  	[sflag:s13] =	ssyncset.done $0x0  }
0x3f: {  	[sflag:s13] =	ssyncadd.s32 $0xFFFFFB10  }
0x40: {  	_ =	sfence.sel $0x180000  }
0x41: {  	[bflag:$0x0] =	sbarrier.arrive $0xFFFF  }
0x42: {  	p0 =	sne.s32 s0, $0x0;
	_ =	strace $0x90000047  }
0x43: {  	s0 =	sadd.s32 @!p0 $0x100000, s1;
	[bflag:$0x2] =	sbarrier.arrive $0xFFFF  }
0x44: {  	[sflag:s0] =	ssyncadd.tile.s32 @!p0 $0x1;
	_ =	shalt  }
.Lfunc_end2:
_tile_overlayer_lowered:
.L_overlay_start_2:
0x45: {  	(tag) =	ssettag $0x2  }
0x46: {  	s0 =	rddreg [dreg:$0x0];
	s2 =	stileid.u32  }
0x47: {  	s1 =	rddreg [dreg:$0x1];
	p0 =	sne.s32 s2, $0x0  }
0x48: {  	s3 =	rddreg [dreg:$0x2];
	[bflag:$0x3] =	sbarrier.arrive $0xFFFF;
	s2 =	simm.s32 @!p0 $0x1C01  }
0x49: {  	[timem:s3], [sflag:s2] =	dma.local @!p0 [hbm:s0], s1  }
0x4a: {  	s0 =	simm.s32 @!p0 $0x1  }
0x4b: {  	_ =	swait.ge @!p0 [sflag:s0], s1  }
0x4c: {  	s1 =	ssub.s32 @!p0 $0x0, s1;
	[sflag:s0] =	ssyncset.done @!p0 $0x0  }
0x4d: {  	[sflag:s0] =	ssyncadd.s32 @!p0 s1  }
0x4e: {  	[bflag:$0x3] =	sbarrier.arrive $0xFFFF  }
0x4f: {  	_ =	shalt  }

// kernel: kernel.13.cloned.1.call-start
scs
__scs_entry_jumppad:
0x0: {  	(pc) =	sbr.rel $0x88, $3  }
0x1: {  	(tag) =	ssettag $0x0;
	lr =	simm.s32 $0x1  }
0x2: {  	[smem:$0x3F94] =	sst lr;
	_ =	strace $0xD0000000  }
0x3: {  	_ = 	snop  }
0x4: {  	_ = 	snop  }
0x5: {  	_ = 	snop  }
0x6: {  	_ = 	snop  }
0x7: {  	_ = 	snop  }
__scs_overlays_trampoline_lowered:
0x8: {  	[smem:$0x3FA3] =	sst s0  }
0x9: {  	[smem:$0x3FA4] =	sst s1  }
0xa: {  	[smem:$0x3FA5] =	sst s2  }
0xb: {  	[smem:$0x3FA6] =	sst s3  }
0xc: {  	[smem:$0x3FA7] =	sst s4  }
0xd: {  	[smem:$0x3FA8] =	sst s5  }
0xe: {  	[smem:$0x3FA9] =	sst s6  }
0xf: {  	[smem:$0x3FAA] =	sst s7  }
0x10: {  	[smem:$0x3FAB] =	sst s8  }
0x11: {  	[smem:$0x3FAC] =	sst s9;
	s0 =	simm.s32 @!p0 $0x0  }
0x12: {  	s1 =	sld [smem:$0x3F92];
	s0 =	simm.s32 @p0 $0x1  }
0x13: {  	[smem:$0x3FAD] =	sst s0;
	s0 =	simm.s32 @!p1 $0x0  }
0x14: {  	s2 =	sld [smem:$0x3F91];
	s0 =	simm.s32 @p1 $0x1  }
0x15: {  	[smem:$0x3FAE] =	sst s0;
	s0 =	simm.s32 @!p2 $0x0  }
0x16: {  	s3 =	sld [smem:$0x3FDB];
	s0 =	simm.s32 @p2 $0x1  }
0x17: {  	s4 =	simm.s32 $0x1BF5;
	[smem:$0x3FB0] =	sst s0  }
0x18: {  	s0 =	sld [smem:$0x3F93];
	_ =	swait.ge [sflag:s4], $0x0  }
0x19: {  	s7 =	sld [smem:$0x3F94]  }
0x1a: {  	s8 =	sadd.s32 $0xFFFFE003, lr  }
0x1b: {  	s9 =	sadd.s32 $0xFFFFFEF7, lr;
	s5 =	simm.s32 $0xFFFFFFFF;
	p2 =	slt.u32 s8, $0xFFFFF086  }
0x1c: {  	p1 =	slt.u32 s9, $0xF7A;
	s5 =	simm.s32 @!p2 $0x0  }
0x1d: {  	s5 =	simm.s32 @p1 $0x1;
	p0 =	seq.s32 s7, s2  }
0x1e: {  	s7 =	smul.u32 @!p0 $0xF7A, s2;
	p2 =	seq.s32 @!p0 s5, $0x0  }
0x1f: {  	s9 =	smul.u32 $0xF7A, s1;
	s8 =	simm.s32 @!p0 $0x1BF5;
	p2 =	por !p2, p0  }
0x20: {  	[sflag:s8] =	ssyncset.s32 @!p0 $0xFFFFF086;
	s6 =	sadd.s32 @!p0 s3, s7;
	s7 =	simm.s32 @!p0 $0x108  }
0x21: {  	s3 =	sadd.s32 s3, s9;
	s6 =	sadd.s32 @!p0 $0x88, s6;
	s7 =	simm.s32 @p2 $0x1082  }
0x22: {  	[simem:s7], [sflag:s8] =	dma.local @!p0 [hbm:s6], $0xF7A  }
0x23: {  	s9 =	sor.u32 $0xD0000000, s2;
	s6 =	simm.s32 $0x108;
	_ =	swait.ge @!p0 [sflag:s8], $0x0  }
0x24: {  	s3 =	sadd.s32 $0x88, s3;
	s6 =	simm.s32 @!p1 $0x1082;
	[sflag:s4] =	ssyncset.s32 $0xFFFFF086  }
0x25: {  	[simem:s6], [sflag:s4] =	dma.local [hbm:s3], $0xF7A  }
0x26: {  	[smem:$0x3F94] =	sst s1;
	(tag) =	ssettag s2;
	_ =	strace s9  }
0x27: {  	s1 =	sld [smem:$0x3FA4]  }
0x28: {  	s2 =	sld [smem:$0x3FA5]  }
0x29: {  	s4 =	sld [smem:$0x3FA7]  }
0x2a: {  	p0 =	seq.s32 s5, $0x0;
	s5 =	sld [smem:$0x3FA8]  }
0x2b: {  	s6 =	sld [smem:$0x3FA9]  }
0x2c: {  	s7 =	sld [smem:$0x3FAA]  }
0x2d: {  	s3 =	simm.s32 $0x108;
	s8 =	sld [smem:$0x3FAB]  }
0x2e: {  	s3 =	simm.s32 @!p0 $0x1082;
	s9 =	sld [smem:$0x3FAC]  }
0x2f: {  	lr =	sadd.s32 s0, s3;
	s0 =	sld [smem:$0x3FA3]  }
0x30: {  	s3 =	sld [smem:$0x3FA6]  }
0x31: {  	[smem:$0x3FAF] =	sst s10  }
0x32: {  	s10 =	sld [smem:$0x3FAD];
	_ =	sdelay $0x3  }
0x33: {  	p0 =	seq.s32 s10, $0x1;
	s10 =	sld [smem:$0x3FAF];
	_ =	sdelay $0x3  }
0x34: {  	[smem:$0x3FAF] =	sst s10  }
0x35: {  	s10 =	sld [smem:$0x3FAE];
	_ =	sdelay $0x3  }
0x36: {  	p1 =	seq.s32 s10, $0x1;
	s10 =	sld [smem:$0x3FAF];
	_ =	sdelay $0x3  }
0x37: {  	[smem:$0x3FAF] =	sst s10  }
0x38: {  	s10 =	sld [smem:$0x3FB0]  }
0x39: {  	_ = 	snop;
	(pc) =	sbr.ind lr, $3  }
0x3a: {  	_ = 	snop  }
0x3b: {  	_ = 	snop  }
0x3c: {  	p2 =	seq.s32 s10, $0x1;
	s10 =	sld [smem:$0x3FAF]  }
0x3d: {  	_ =	shalt  }
0x3e: {  	_ =	shalt  }
0x3f: {  	_ =	shalt  }
0x40: {  	_ =	shalt  }
0x41: {  	_ =	shalt  }
0x42: {  	_ =	shalt  }
0x43: {  	_ =	shalt  }
0x44: {  	_ =	shalt  }
0x45: {  	_ =	shalt  }
0x46: {  	_ =	shalt  }
0x47: {  	_ =	shalt  }
0x48: {  	_ =	shalt  }
0x49: {  	_ =	shalt  }
0x4a: {  	_ =	shalt  }
0x4b: {  	_ =	shalt  }
0x4c: {  	_ =	shalt  }
0x4d: {  	_ =	shalt  }
0x4e: {  	_ =	shalt  }
0x4f: {  	_ =	shalt  }
0x50: {  	_ =	shalt  }
0x51: {  	_ =	shalt  }
0x52: {  	_ =	shalt  }
0x53: {  	_ =	shalt  }
0x54: {  	_ =	shalt  }
0x55: {  	_ =	shalt  }
0x56: {  	_ =	shalt  }
0x57: {  	_ =	shalt  }
0x58: {  	_ =	shalt  }
0x59: {  	_ =	shalt  }
0x5a: {  	_ =	shalt  }
0x5b: {  	_ =	shalt  }
0x5c: {  	_ =	shalt  }
0x5d: {  	_ =	shalt  }
0x5e: {  	_ =	shalt  }
0x5f: {  	_ =	shalt  }
0x60: {  	_ =	shalt  }
0x61: {  	_ =	shalt  }
0x62: {  	_ =	shalt  }
0x63: {  	_ =	shalt  }
0x64: {  	_ =	shalt  }
0x65: {  	_ =	shalt  }
0x66: {  	_ =	shalt  }
0x67: {  	_ =	shalt  }
0x68: {  	_ =	shalt  }
0x69: {  	_ =	shalt  }
0x6a: {  	_ =	shalt  }
0x6b: {  	_ =	shalt  }
0x6c: {  	_ =	shalt  }
0x6d: {  	_ =	shalt  }
0x6e: {  	_ =	shalt  }
0x6f: {  	_ =	shalt  }
0x70: {  	_ =	shalt  }
0x71: {  	_ =	shalt  }
0x72: {  	_ =	shalt  }
0x73: {  	_ =	shalt  }
0x74: {  	_ =	shalt  }
0x75: {  	_ =	shalt  }
0x76: {  	_ =	shalt  }
0x77: {  	_ =	shalt  }
0x78: {  	_ =	shalt  }
0x79: {  	_ =	shalt  }
0x7a: {  	_ =	shalt  }
0x7b: {  	_ =	shalt  }
0x7c: {  	_ =	shalt  }
0x7d: {  	_ =	shalt  }
0x7e: {  	_ =	shalt  }
0x7f: {  	_ =	shalt  }
0x80: {  	_ =	shalt  }
0x81: {  	_ =	shalt  }
0x82: {  	_ =	shalt  }
0x83: {  	_ =	shalt  }
0x84: {  	_ =	shalt  }
0x85: {  	_ =	shalt  }
0x86: {  	_ =	shalt  }
0x87: {  	_ =	shalt  }
.Lfunc_end0:
.L_simem_size_0:
called_computation.1_lowered:
.L_overlay_start_0:
0x88: {  	s2 =	sld [smem:$0x3FD9]  }
0x89: {  	s3 =	sld [smem:$0x3FFE];
	_ =	sdelay $0x1  }
0x8a: {  	s1 =	srdreg.scid  }
0x8b: {  	s0 =	sand.u32 $0x1, s1  }
0x8c: {  	s16 =	sshll.u32 s0, $0xA;
	s2 =	sadd.s32 s3, s2  }
0x8d: {  	s2 =	sadd.s32 s2, s16  }
0x8e: {  	[smem:$0x3FBB] =	sst s2  }
0x8f: {  	_ = 	snop  }
0x90: {  	(tm) =	ssettm $0x1  }
0x91: {  	s17 =	sld [smem:$0x3FFB];
	_ =	sdelay $0x3  }
0x92: {  	_ =	strace s17  }
0x93: {  	s2 =	sld [smem:$0x3FFC];
	_ =	sdelay $0x3  }
0x94: {  	_ =	strace s2  }
0x95: {  	s2 =	sld [smem:$0x3FFD];
	_ =	sdelay $0x3  }
0x96: {  	_ =	strace s2  }
0x97: {  	_ =	strace $0x8FFFFFFF  }
0x98: {  	s18 =	sld [smem:$0x3FDB];
	_ =	sdelay $0x1  }
0x99: {  	s19 =	simm.s32 $_scs_section_size  }
0x9a: {  	s4 =	simm.s32 $_size__tile_overlayer_lowered;
	s5 =	simm.s32 $_tile_overlayer_lowered  }
0x9b: {  	s22 =	simm.s32 $0x1BFF;
	s21 =	sshll.u32 s5, $0x1;
	s2 =	sadd.s32 s19, s18  }
0x9c: {  	s6 =	simm.s32 $0x0;
	s20 =	sshll.u32 s4, $0x1;
	s4 =	sadd.s32 s21, s2  }
0x9d: {  	[timem:s6], [sflag:s22] =	dma.local [hbm:s4], s20  }
0x9e: {  	_ =	swait.ge [sflag:s22], s20  }
0x9f: {  	s3 =	ssub.s32 $0x0, s20;
	[sflag:s22] =	ssyncset.done $0x0  }
0xa0: {  	[sflag:s22] =	ssyncadd.s32 s3;
	_ =	sdelay $0x1  }
0xa1: {  	s23 =	simm.s32 $0x1B8B  }
0xa2: {  	_ =	swait.ge [sflag:s23], $0x1  }
0xa3: {  	[sflag:s23] =	ssyncset.done $0x0  }
0xa4: {  	s25 =	simm.s32 $0x1B8E;
	s24 =	sld [smem:$0x3FFE];
	[sflag:s23] =	ssyncadd.s32 $0xFFFFFFFF  }
0xa5: {  	s26 =	simm.s32 $execute0_lowered;
	[smem:$0x3FD2] =	sst s25  }
0xa6: {  	s4 =	sshll.u32 s26, $0x1;
	_ =	strace $0x80000049;
	[dreg:$0x1] =	wrdreg $0xFFFFFFFF  }
0xa7: {  	s28 =	simm.s32 $_size_execute0_lowered;
	s2 =	sadd.s32 s2, s4;
	[dreg:$0x0] =	wrdreg $0x0  }
0xa8: {  	s4 =	sshll.u32 s28, $0x1;
	[dreg:$0x2] =	wrdreg s2  }
0xa9: {  	[dreg:$0x3] =	wrdreg s4  }
0xaa: {  	[dreg:$0x4] =	wrdreg $0xC0  }
0xab: {  	_ =	task [dreg:s6], $0x5FFFF  }
0xac: {  	[dreg:$0x1] =	wrdreg $0xFFFFFFFF  }
0xad: {  	[dreg:$0x0] =	wrdreg $0x60  }
0xae: {  	[dreg:$0x2] =	wrdreg s24  }
0xaf: {  	[dreg:$0x3] =	wrdreg $0x5F000  }
0xb0: {  	[dreg:$0x4] =	wrdreg $0x9  }
0xb1: {  	_ =	task.clear_ibuf [dreg:s6], $0x5FFFF;
	_ =	strace $0x90000049  }
0xb2: {  	s29 =	simm.s32 $0x9;
	_ =	strace $0x8000004B  }
0xb3: {  	_ =	swait.ge [sflag:s29], $0x1  }
0xb4: {  	[sflag:s29] =	ssyncadd.s32 $0xFFFFFFFF  }
0xb5: {  	_ =	strace $0x9000004B  }
0xb6: {  	_ =	sfence  }
0xb7: {  	s30 =	sld [smem:$0x0];
	_ =	sdelay $0x2  }
0xb8: {  	s31 =	sshll.u32 s1, $0xD;
	s1 =	sshrl.u32 s1, $0x2  }
0xb9: {  	s3 =	sand.u32 $0x4000, s31;
	s1 =	sadd.s32 s1, s30  }
0xba: {  	s0 =	sor.u32 s3, s0;
	s1 =	sshll.u32 s1, $0x11  }
0xbb: {  	s0 =	sor.u32 s1, s0  }
0xbc: {  	s0 =	sadd.s32 $0x8F2B, s0  }
0xbd: {  	[sflag:s0] =	ssyncadd.remote.s32 $0x1  }
0xbe: {  	_ =	sfence.sel $0xFFFF  }
0xbf: {  	[dreg:$0x0] =	wrdreg $0xFFFFFFFF;
	(pc) =	sbr.abs _section_cstart, $3  }
0xc0: {  	[dreg:$0x1] =	wrdreg $0xFFFFFFFF  }
0xc1: {  	_ =	task.clear_ibuf [dreg:s6], $0x2FFFF;
	_ =	strace $0x9FFFFFFF  }
0xc2: {  	(tm) =	ssettm $0x7FFFFFFF  }
0xc3: {  	_ =	shalt  }
tec
execute0_lowered:
.L_overlay_start_1:
0x0: {  	(tag) =	ssettag $0x1  }
0x1: {  	s0 =	srdreg.scid;
	s6 =	rddreg [dreg:$0x0]  }
0x2: {  	s2 =	rddreg [dreg:$0x1];
	s3 =	simm.s32 $0x0;
	s14 =	simm.s32 $0x4F00  }
0x3: {  	s15 =	simm.s32 $0x2;
	s5 =	sand.u32 $0x1, s0;
	s0 =	stileid.u32  }
0x4: {  	s16 =	simm.s32 $0x2780;
	s17 =	simm.s32 $0x80;
	s7 =	smul.u32 $0x4F00, s0  }
0x5: {  	s18 =	simm.s32 $0x1;
	[smem:$0x7FF] =	sst s3;
	s8 =	smul.u32 $0x4F000, s5  }
0x6: {  	s1 =	sshll.u32 s5, $0x4;
	s9 =	smul.u32 $0x13C00, s0;
	s5 =	ssub.s32 $0x2, s5  }
0x7: {  	s19 =	sshll.u32 s0, $0x6;
	s1 =	sor.u32 s0, s1;
	s30 =	sshrl.u32 s5, $0x1  }
0x8: {  	s19 =	sor.u32 $0x1C02, s19;
	s4 =	smul.u32 $0x4F0, s1;
	s1 =	rddreg [dreg:$0x2]  }
0x9: {  	_ =	strace $0x8000004A;
	s8 =	sadd.s32 s7, s8;
	s31 =	sshrl.u32 s9, $0x2  }
0xa: {  	s13 =	ssub.s32 s5, s30;
	s5 =	sadd.s32 s7, s2;
	s8 =	sshrl.u32 s8, $0x3  }
0xb: {  	s9 =	sadd.s32 s31, s2;
	s13 =	smax.u32 s13, $0x1;
	s11 =	sadd.s32 s4, s6  }
0xc: {  	s4 =	sadd.s32 $0xC600, s6;
	s12 =	sadd.s32 s8, s6;
	s6 =	sadd.s32 $0x1000, s9  }
0xd: {  	s7 =	sadd.s32 $0x2000, s9;
	s8 =	sadd.s32 $0x3000, s9;
	s9 =	sadd.s32 $0x4000, s9  }
0xe: {  	v0 =	vimm.f32 $0.0e+00;
	s10 =	sadd.s32 $0x16400, s11;
	s11 =	sadd.s32 $0x2800, s11;
	s12 =	sadd.s32 $0x20200, s12  }
.LBB2_1:
0xf: {  	s20 =	simm.s32 $0x80;
	s21 =	simm.s32 $0x0  }
.LBB2_2:
0x10: {  	p0 =	sne.s32 s20, $0x3F80;
	[tilespmem:s21+$0x4F00] =	vst v0;
	s22 =	smov.u32 s20;
	s20 =	sadd.s32 $0x80, s20  }
.Ltmp0:
0x11: {  	[tilespmem:s21+$0x4F10] =	vst v0;
	(pc) =	sbr.rel @p0 .LBB2_2-.Ltmp0, $2  }
0x12: {  	_ =	sdelay $0x2  }
0x13: {  	s21 =	sshra.s32 s22, $0x2  }
0x14: {  	[tilespmem:s21+$0x4F00] =	vst v0  }
0x15: {  	[tilespmem:s21+$0x4F10] =	vst v0  }
0x16: {  	[spmem:s5] =	stream.linear.scatter [tilespmem:s14], [sflag:$0x2], $0x1000, $0x38;
	[tilespmem:$0xAE00] =	vst v63  }
0x17: {  	_ =	swait.ge [sflag:s15], $0x1000  }
0x18: {  	[sflag:s15] =	ssyncset.done $0x0  }
0x19: {  	[sflag:s15] =	ssyncadd.s32 $0xFFFFF000  }
0x1a: {  	[spmem:s6] =	stream.linear.scatter [tilespmem:s14], [sflag:$0x2], $0x1000, $0x38;
	[tilespmem:$0xAE00] =	vst v63  }
0x1b: {  	_ =	swait.ge [sflag:s15], $0x1000  }
0x1c: {  	[sflag:s15] =	ssyncset.done $0x0  }
0x1d: {  	[sflag:s15] =	ssyncadd.s32 $0xFFFFF000  }
0x1e: {  	[spmem:s7] =	stream.linear.scatter [tilespmem:s14], [sflag:$0x2], $0x1000, $0x38;
	[tilespmem:$0xAE00] =	vst v63  }
0x1f: {  	_ =	swait.ge [sflag:s15], $0x1000  }
0x20: {  	[sflag:s15] =	ssyncset.done $0x0  }
0x21: {  	[sflag:s15] =	ssyncadd.s32 $0xFFFFF000  }
0x22: {  	[spmem:s8] =	stream.linear.scatter [tilespmem:s14], [sflag:$0x2], $0x1000, $0x38;
	[tilespmem:$0xAE00] =	vst v63  }
0x23: {  	_ =	swait.ge [sflag:s15], $0x1000  }
0x24: {  	[sflag:s15] =	ssyncset.done $0x0  }
0x25: {  	[sflag:s15] =	ssyncadd.s32 $0xFFFFF000  }
0x26: {  	[spmem:s9] =	stream.linear.scatter [tilespmem:s14], [sflag:$0x2], $0xF00, $0x38;
	[tilespmem:$0xAE00] =	vst v63  }
0x27: {  	_ =	swait.ge [sflag:s15], $0xF00  }
0x28: {  	[sflag:s15] =	ssyncset.done $0x0  }
0x29: {  	s20 =	simm.s32 $0x0;
	[sflag:s15] =	ssyncadd.s32 $0xFFFFF100  }
0x2a: {  	[tilespmem:s20], [sflag:$0x2] =	stream.linear.gather [hbm4b:s10+s20], $0x2780, $0x38;
	[tilespmem:$0xAE00] =	vst v63  }
0x2b: {  	_ =	swait.ge [sflag:s15], $0x2780  }
0x2c: {  	[sflag:s15] =	ssyncset.done $0x0  }
0x2d: {  	[sflag:s15] =	ssyncadd.s32 $0xFFFFD880  }
0x2e: {  	[tilespmem:s16], [sflag:$0x2] =	stream.linear.gather [hbm4b:s11+s20], $0x2780, $0x38;
	[tilespmem:$0xAE00] =	vst v63  }
0x2f: {  	_ =	swait.ge [sflag:s15], $0x2780  }
0x30: {  	[sflag:s15] =	ssyncset.done $0x0  }
0x31: {  	[sflag:s15] =	ssyncadd.s32 $0xFFFFD880  }
0x32: {  	s30 =	simm.s32 $0x0;
	[bflag:$0x0] =	sbarrier.arrive $0xFFFF  }
0x33: {  	[tilespmem:s14], [sflag:$0x1] =	stream.indirect.gather [hbm4b:s4+s17], $0x20, s30, s17, $0xb8;
	[tilespmem:$0xAE00] =	vst v63  }
0x34: {  	_ =	swait.ge [sflag:s18], $0x1000  }
0x35: {  	[sflag:s18] =	ssyncset.done $0x0  }
0x36: {  	s31 =	simm.s32 $0x2780;
	[sflag:s18] =	ssyncadd.s32 $0xFFFFF000  }
0x37: {  	[spmem:s2] =	stream.indirect.scatter.add.f32 [tilespmem:s14], [sflag:$0x2], $0x20, s31, s17, $0xb8;
	[tilespmem:$0xAE00] =	vst v63  }
0x38: {  	_ =	swait.ge [sflag:s15], $0x1000  }
0x39: {  	s21 =	simm.s32 $0x400;
	s20 =	simm.s32 $0x200;
	[sflag:s15] =	ssyncset.done $0x0  }
.LBB2_4:
0x3a: {  	s22 =	sshra.s32 s20, $0x2  }
0x3b: {  	[sflag:s15] =	ssyncadd.s32 $0xFFFFF000;
	s20 =	smov.u32 s21;
	s23 =	sadd.s32 $0x200, s21  }
0x3c: {  	[tilespmem:s14], [sflag:$0x1] =	stream.indirect.gather [hbm4b:s4+s17], $0x20, s22, s17, $0xb8;
	[tilespmem:$0xAE00] =	vst v63  }
0x3d: {  	p0 =	sne.s32 s21, $0x9C00;
	_ =	swait.ge [sflag:s18], $0x1000  }
.Ltmp1:
0x3e: {  	[sflag:s18] =	ssyncset.done $0x0;
	(pc) =	sbr.rel @p0 .LBB2_4-.Ltmp1, $4  }
0x3f: {  	s21 =	sadd.s32 $0x2780, s22;
	[sflag:s18] =	ssyncadd.s32 $0xFFFFF000  }
0x40: {  	[spmem:s2] =	stream.indirect.scatter.add.f32 [tilespmem:s14], [sflag:$0x2], $0x20, s21, s17, $0xb8;
	[tilespmem:$0xAE00] =	vst v63  }
0x41: {  	_ =	swait.ge [sflag:s15], $0x1000  }
0x42: {  	s21 =	smov.u32 s23;
	[sflag:s15] =	ssyncset.done $0x0  }
0x43: {  	s20 =	sshra.s32 s20, $0x2;
	[sflag:s15] =	ssyncadd.s32 $0xFFFFF000  }
0x44: {  	[tilespmem:s14], [sflag:$0x1] =	stream.indirect.gather [hbm4b:s4+s17], $0x20, s20, s17, $0xb8;
	[tilespmem:$0xAE00] =	vst v63  }
0x45: {  	_ =	swait.ge [sflag:s18], $0x1000  }
0x46: {  	[sflag:s18] =	ssyncset.done $0x0  }
0x47: {  	s20 =	sadd.s32 $0x2780, s20;
	[sflag:s18] =	ssyncadd.s32 $0xFFFFF000  }
0x48: {  	[spmem:s2] =	stream.indirect.scatter.add.f32 [tilespmem:s14], [sflag:$0x2], $0x20, s20, s17, $0xb8;
	[tilespmem:$0xAE00] =	vst v63  }
0x49: {  	_ =	swait.ge [sflag:s15], $0x1000  }
0x4a: {  	s3 =	sadd.s32 $0x1, s3;
	[sflag:s15] =	ssyncset.done $0x0  }
0x4b: {  	p0 =	sne.s32 s3, s13;
	[sflag:s15] =	ssyncadd.s32 $0xFFFFF000  }
.Ltmp2:
0x4c: {  	s31 =	sshrl.u32 s5, $0x3;
	[bflag:$0x0] =	sbarrier.arrive $0xFFFF;
	(pc) =	sbr.rel @p0 .LBB2_1-.Ltmp2, $4  }
0x4d: {  	[hbm:s12], [sflag:s19] =	dma.local [spmem:s31], $0x9E0  }
0x4e: {  	_ =	swait.ge [sflag:s15], $0x9E0  }
0x4f: {  	[sflag:s15] =	ssyncset.done $0x0  }
0x50: {  	[sflag:s15] =	ssyncadd.s32 $0xFFFFF620  }
0x51: {  	_ =	sfence.sel $0x180000  }
0x52: {  	[bflag:$0x0] =	sbarrier.arrive $0xFFFF  }
0x53: {  	p0 =	sne.s32 s0, $0x0;
	_ =	strace $0x9000004A  }
0x54: {  	s0 =	sadd.s32 @!p0 $0x100000, s1;
	[bflag:$0x2] =	sbarrier.arrive $0xFFFF  }
0x55: {  	[sflag:s0] =	ssyncadd.tile.s32 @!p0 $0x1;
	_ =	shalt  }
.Lfunc_end2:
_tile_overlayer_lowered:
.L_overlay_start_2:
0x56: {  	(tag) =	ssettag $0x2  }
0x57: {  	s0 =	rddreg [dreg:$0x0];
	s2 =	stileid.u32  }
0x58: {  	s1 =	rddreg [dreg:$0x1];
	p0 =	sne.s32 s2, $0x0  }
0x59: {  	s3 =	rddreg [dreg:$0x2];
	[bflag:$0x3] =	sbarrier.arrive $0xFFFF;
	s2 =	simm.s32 @!p0 $0x1C02  }
0x5a: {  	[timem:s3], [sflag:s2] =	dma.local @!p0 [hbm:s0], s1  }
0x5b: {  	s0 =	simm.s32 @!p0 $0x2  }
0x5c: {  	_ =	swait.ge @!p0 [sflag:s0], s1  }
0x5d: {  	s1 =	ssub.s32 @!p0 $0x0, s1;
	[sflag:s0] =	ssyncset.done @!p0 $0x0  }
0x5e: {  	[sflag:s0] =	ssyncadd.s32 @!p0 s1  }
0x5f: {  	[bflag:$0x3] =	sbarrier.arrive $0xFFFF  }
0x60: {  	_ =	shalt  }

// kernel: kernel.16.cloned.1.call-start
scs
__scs_entry_jumppad:
0x0: {  	(pc) =	sbr.rel $0x88, $3  }
0x1: {  	(tag) =	ssettag $0x0;
	lr =	simm.s32 $0x1  }
0x2: {  	[smem:$0x3F94] =	sst lr;
	_ =	strace $0xD0000000  }
0x3: {  	_ = 	snop  }
0x4: {  	_ = 	snop  }
0x5: {  	_ = 	snop  }
0x6: {  	_ = 	snop  }
0x7: {  	_ = 	snop  }
__scs_overlays_trampoline_lowered:
0x8: {  	[smem:$0x3FA3] =	sst s0  }
0x9: {  	[smem:$0x3FA4] =	sst s1  }
0xa: {  	[smem:$0x3FA5] =	sst s2  }
0xb: {  	[smem:$0x3FA6] =	sst s3  }
0xc: {  	[smem:$0x3FA7] =	sst s4  }
0xd: {  	[smem:$0x3FA8] =	sst s5  }
0xe: {  	[smem:$0x3FA9] =	sst s6  }
0xf: {  	[smem:$0x3FAA] =	sst s7  }
0x10: {  	[smem:$0x3FAB] =	sst s8  }
0x11: {  	[smem:$0x3FAC] =	sst s9;
	s0 =	simm.s32 @!p0 $0x0  }
0x12: {  	s1 =	sld [smem:$0x3F92];
	s0 =	simm.s32 @p0 $0x1  }
0x13: {  	[smem:$0x3FAD] =	sst s0;
	s0 =	simm.s32 @!p1 $0x0  }
0x14: {  	s2 =	sld [smem:$0x3F91];
	s0 =	simm.s32 @p1 $0x1  }
0x15: {  	[smem:$0x3FAE] =	sst s0;
	s0 =	simm.s32 @!p2 $0x0  }
0x16: {  	s3 =	sld [smem:$0x3FDB];
	s0 =	simm.s32 @p2 $0x1  }
0x17: {  	s4 =	simm.s32 $0x1BF5;
	[smem:$0x3FB0] =	sst s0  }
0x18: {  	s0 =	sld [smem:$0x3F93];
	_ =	swait.ge [sflag:s4], $0x0  }
0x19: {  	s7 =	sld [smem:$0x3F94]  }
0x1a: {  	s8 =	sadd.s32 $0xFFFFE003, lr  }
0x1b: {  	s9 =	sadd.s32 $0xFFFFFEF7, lr;
	s5 =	simm.s32 $0xFFFFFFFF;
	p2 =	slt.u32 s8, $0xFFFFF086  }
0x1c: {  	p1 =	slt.u32 s9, $0xF7A;
	s5 =	simm.s32 @!p2 $0x0  }
0x1d: {  	s5 =	simm.s32 @p1 $0x1;
	p0 =	seq.s32 s7, s2  }
0x1e: {  	s7 =	smul.u32 @!p0 $0xF7A, s2;
	p2 =	seq.s32 @!p0 s5, $0x0  }
0x1f: {  	s9 =	smul.u32 $0xF7A, s1;
	s8 =	simm.s32 @!p0 $0x1BF5;
	p2 =	por !p2, p0  }
0x20: {  	[sflag:s8] =	ssyncset.s32 @!p0 $0xFFFFF086;
	s6 =	sadd.s32 @!p0 s3, s7;
	s7 =	simm.s32 @!p0 $0x108  }
0x21: {  	s3 =	sadd.s32 s3, s9;
	s6 =	sadd.s32 @!p0 $0x88, s6;
	s7 =	simm.s32 @p2 $0x1082  }
0x22: {  	[simem:s7], [sflag:s8] =	dma.local @!p0 [hbm:s6], $0xF7A  }
0x23: {  	s9 =	sor.u32 $0xD0000000, s2;
	s6 =	simm.s32 $0x108;
	_ =	swait.ge @!p0 [sflag:s8], $0x0  }
0x24: {  	s3 =	sadd.s32 $0x88, s3;
	s6 =	simm.s32 @!p1 $0x1082;
	[sflag:s4] =	ssyncset.s32 $0xFFFFF086  }
0x25: {  	[simem:s6], [sflag:s4] =	dma.local [hbm:s3], $0xF7A  }
0x26: {  	[smem:$0x3F94] =	sst s1;
	(tag) =	ssettag s2;
	_ =	strace s9  }
0x27: {  	s1 =	sld [smem:$0x3FA4]  }
0x28: {  	s2 =	sld [smem:$0x3FA5]  }
0x29: {  	s4 =	sld [smem:$0x3FA7]  }
0x2a: {  	p0 =	seq.s32 s5, $0x0;
	s5 =	sld [smem:$0x3FA8]  }
0x2b: {  	s6 =	sld [smem:$0x3FA9]  }
0x2c: {  	s7 =	sld [smem:$0x3FAA]  }
0x2d: {  	s3 =	simm.s32 $0x108;
	s8 =	sld [smem:$0x3FAB]  }
0x2e: {  	s3 =	simm.s32 @!p0 $0x1082;
	s9 =	sld [smem:$0x3FAC]  }
0x2f: {  	lr =	sadd.s32 s0, s3;
	s0 =	sld [smem:$0x3FA3]  }
0x30: {  	s3 =	sld [smem:$0x3FA6]  }
0x31: {  	[smem:$0x3FAF] =	sst s10  }
0x32: {  	s10 =	sld [smem:$0x3FAD];
	_ =	sdelay $0x3  }
0x33: {  	p0 =	seq.s32 s10, $0x1;
	s10 =	sld [smem:$0x3FAF];
	_ =	sdelay $0x3  }
0x34: {  	[smem:$0x3FAF] =	sst s10  }
0x35: {  	s10 =	sld [smem:$0x3FAE];
	_ =	sdelay $0x3  }
0x36: {  	p1 =	seq.s32 s10, $0x1;
	s10 =	sld [smem:$0x3FAF];
	_ =	sdelay $0x3  }
0x37: {  	[smem:$0x3FAF] =	sst s10  }
0x38: {  	s10 =	sld [smem:$0x3FB0]  }
0x39: {  	_ = 	snop;
	(pc) =	sbr.ind lr, $3  }
0x3a: {  	_ = 	snop  }
0x3b: {  	_ = 	snop  }
0x3c: {  	p2 =	seq.s32 s10, $0x1;
	s10 =	sld [smem:$0x3FAF]  }
0x3d: {  	_ =	shalt  }
0x3e: {  	_ =	shalt  }
0x3f: {  	_ =	shalt  }
0x40: {  	_ =	shalt  }
0x41: {  	_ =	shalt  }
0x42: {  	_ =	shalt  }
0x43: {  	_ =	shalt  }
0x44: {  	_ =	shalt  }
0x45: {  	_ =	shalt  }
0x46: {  	_ =	shalt  }
0x47: {  	_ =	shalt  }
0x48: {  	_ =	shalt  }
0x49: {  	_ =	shalt  }
0x4a: {  	_ =	shalt  }
0x4b: {  	_ =	shalt  }
0x4c: {  	_ =	shalt  }
0x4d: {  	_ =	shalt  }
0x4e: {  	_ =	shalt  }
0x4f: {  	_ =	shalt  }
0x50: {  	_ =	shalt  }
0x51: {  	_ =	shalt  }
0x52: {  	_ =	shalt  }
0x53: {  	_ =	shalt  }
0x54: {  	_ =	shalt  }
0x55: {  	_ =	shalt  }
0x56: {  	_ =	shalt  }
0x57: {  	_ =	shalt  }
0x58: {  	_ =	shalt  }
0x59: {  	_ =	shalt  }
0x5a: {  	_ =	shalt  }
0x5b: {  	_ =	shalt  }
0x5c: {  	_ =	shalt  }
0x5d: {  	_ =	shalt  }
0x5e: {  	_ =	shalt  }
0x5f: {  	_ =	shalt  }
0x60: {  	_ =	shalt  }
0x61: {  	_ =	shalt  }
0x62: {  	_ =	shalt  }
0x63: {  	_ =	shalt  }
0x64: {  	_ =	shalt  }
0x65: {  	_ =	shalt  }
0x66: {  	_ =	shalt  }
0x67: {  	_ =	shalt  }
0x68: {  	_ =	shalt  }
0x69: {  	_ =	shalt  }
0x6a: {  	_ =	shalt  }
0x6b: {  	_ =	shalt  }
0x6c: {  	_ =	shalt  }
0x6d: {  	_ =	shalt  }
0x6e: {  	_ =	shalt  }
0x6f: {  	_ =	shalt  }
0x70: {  	_ =	shalt  }
0x71: {  	_ =	shalt  }
0x72: {  	_ =	shalt  }
0x73: {  	_ =	shalt  }
0x74: {  	_ =	shalt  }
0x75: {  	_ =	shalt  }
0x76: {  	_ =	shalt  }
0x77: {  	_ =	shalt  }
0x78: {  	_ =	shalt  }
0x79: {  	_ =	shalt  }
0x7a: {  	_ =	shalt  }
0x7b: {  	_ =	shalt  }
0x7c: {  	_ =	shalt  }
0x7d: {  	_ =	shalt  }
0x7e: {  	_ =	shalt  }
0x7f: {  	_ =	shalt  }
0x80: {  	_ =	shalt  }
0x81: {  	_ =	shalt  }
0x82: {  	_ =	shalt  }
0x83: {  	_ =	shalt  }
0x84: {  	_ =	shalt  }
0x85: {  	_ =	shalt  }
0x86: {  	_ =	shalt  }
0x87: {  	_ =	shalt  }
.Lfunc_end0:
.L_simem_size_0:
called_computation.2_lowered:
.L_overlay_start_0:
0x88: {  	s2 =	sld [smem:$0x3FD9]  }
0x89: {  	s3 =	sld [smem:$0x3FFE];
	_ =	sdelay $0x1  }
0x8a: {  	s1 =	srdreg.scid  }
0x8b: {  	s0 =	sand.u32 $0x1, s1  }
0x8c: {  	s16 =	sshll.u32 s0, $0xA;
	s2 =	sadd.s32 s3, s2  }
0x8d: {  	s2 =	sadd.s32 s2, s16  }
0x8e: {  	[smem:$0x3FBB] =	sst s2  }
0x8f: {  	_ = 	snop  }
0x90: {  	(tm) =	ssettm $0x1  }
0x91: {  	s17 =	sld [smem:$0x3FFB];
	_ =	sdelay $0x3  }
0x92: {  	_ =	strace s17  }
0x93: {  	s2 =	sld [smem:$0x3FFC];
	_ =	sdelay $0x3  }
0x94: {  	_ =	strace s2  }
0x95: {  	s2 =	sld [smem:$0x3FFD];
	_ =	sdelay $0x3  }
0x96: {  	_ =	strace s2  }
0x97: {  	_ =	strace $0x8FFFFFFF  }
0x98: {  	s18 =	sld [smem:$0x3FDB];
	_ =	sdelay $0x1  }
0x99: {  	s19 =	simm.s32 $_scs_section_size  }
0x9a: {  	s4 =	simm.s32 $_size__tile_overlayer_lowered;
	s5 =	simm.s32 $_tile_overlayer_lowered  }
0x9b: {  	s22 =	simm.s32 $0x1BFF;
	s21 =	sshll.u32 s5, $0x1;
	s2 =	sadd.s32 s19, s18  }
0x9c: {  	s6 =	simm.s32 $0x0;
	s20 =	sshll.u32 s4, $0x1;
	s4 =	sadd.s32 s21, s2  }
0x9d: {  	[timem:s6], [sflag:s22] =	dma.local [hbm:s4], s20  }
0x9e: {  	_ =	swait.ge [sflag:s22], s20  }
0x9f: {  	s3 =	ssub.s32 $0x0, s20;
	[sflag:s22] =	ssyncset.done $0x0  }
0xa0: {  	[sflag:s22] =	ssyncadd.s32 s3;
	_ =	sdelay $0x1  }
0xa1: {  	s23 =	simm.s32 $0x1B8B  }
0xa2: {  	_ =	swait.ge [sflag:s23], $0x1  }
0xa3: {  	[sflag:s23] =	ssyncset.done $0x0  }
0xa4: {  	s25 =	simm.s32 $0x1B8E;
	s24 =	sld [smem:$0x3FFE];
	[sflag:s23] =	ssyncadd.s32 $0xFFFFFFFF  }
0xa5: {  	s26 =	simm.s32 $execute0_lowered;
	[smem:$0x3FD2] =	sst s25  }
0xa6: {  	s4 =	sshll.u32 s26, $0x1;
	_ =	strace $0x8000004C;
	[dreg:$0x1] =	wrdreg $0xFFFFFFFF  }
0xa7: {  	s28 =	simm.s32 $_size_execute0_lowered;
	s2 =	sadd.s32 s2, s4;
	[dreg:$0x0] =	wrdreg $0x0  }
0xa8: {  	s4 =	sshll.u32 s28, $0x1;
	[dreg:$0x2] =	wrdreg s2  }
0xa9: {  	[dreg:$0x3] =	wrdreg s4  }
0xaa: {  	[dreg:$0x4] =	wrdreg $0xC0  }
0xab: {  	_ =	task [dreg:s6], $0x5FFFF  }
0xac: {  	[dreg:$0x1] =	wrdreg $0xFFFFFFFF  }
0xad: {  	[dreg:$0x0] =	wrdreg $0x60  }
0xae: {  	[dreg:$0x2] =	wrdreg s24  }
0xaf: {  	[dreg:$0x3] =	wrdreg $0x5F000  }
0xb0: {  	[dreg:$0x4] =	wrdreg $0x9  }
0xb1: {  	_ =	task.clear_ibuf [dreg:s6], $0x5FFFF;
	_ =	strace $0x9000004C  }
0xb2: {  	s29 =	simm.s32 $0x9;
	_ =	strace $0x8000004E  }
0xb3: {  	_ =	swait.ge [sflag:s29], $0x1  }
0xb4: {  	[sflag:s29] =	ssyncadd.s32 $0xFFFFFFFF  }
0xb5: {  	_ =	strace $0x9000004E  }
0xb6: {  	_ =	sfence  }
0xb7: {  	s30 =	sld [smem:$0x0];
	_ =	sdelay $0x2  }
0xb8: {  	s31 =	sshll.u32 s1, $0xD;
	s1 =	sshrl.u32 s1, $0x2  }
0xb9: {  	s3 =	sand.u32 $0x4000, s31;
	s1 =	sadd.s32 s1, s30  }
0xba: {  	s0 =	sor.u32 s3, s0;
	s1 =	sshll.u32 s1, $0x11  }
0xbb: {  	s0 =	sor.u32 s1, s0  }
0xbc: {  	s0 =	sadd.s32 $0x8F2B, s0  }
0xbd: {  	[sflag:s0] =	ssyncadd.remote.s32 $0x1  }
0xbe: {  	_ =	sfence.sel $0xFFFF  }
0xbf: {  	[dreg:$0x0] =	wrdreg $0xFFFFFFFF;
	(pc) =	sbr.abs _section_cstart, $3  }
0xc0: {  	[dreg:$0x1] =	wrdreg $0xFFFFFFFF  }
0xc1: {  	_ =	task.clear_ibuf [dreg:s6], $0x2FFFF;
	_ =	strace $0x9FFFFFFF  }
0xc2: {  	(tm) =	ssettm $0x7FFFFFFF  }
0xc3: {  	_ =	shalt  }
tec
execute0_lowered:
.L_overlay_start_1:
0x0: {  	(tag) =	ssettag $0x1  }
0x1: {  	s0 =	srdreg.scid;
	s6 =	rddreg [dreg:$0x0]  }
0x2: {  	s2 =	rddreg [dreg:$0x1];
	s3 =	simm.s32 $0x0;
	s14 =	simm.s32 $0x4F00  }
0x3: {  	s15 =	simm.s32 $0x2;
	s5 =	sand.u32 $0x1, s0;
	s0 =	stileid.u32  }
0x4: {  	s16 =	simm.s32 $0x2780;
	s17 =	simm.s32 $0x80;
	s7 =	smul.u32 $0x4F00, s0  }
0x5: {  	s18 =	simm.s32 $0x1;
	[smem:$0x7FF] =	sst s3;
	s8 =	smul.u32 $0x4F000, s5  }
0x6: {  	s1 =	sshll.u32 s5, $0x4;
	s9 =	smul.u32 $0x13C00, s0;
	s5 =	ssub.s32 $0x2, s5  }
0x7: {  	s19 =	sshll.u32 s0, $0x6;
	s1 =	sor.u32 s0, s1;
	s30 =	sshrl.u32 s5, $0x1  }
0x8: {  	s19 =	sor.u32 $0x1C02, s19;
	s4 =	smul.u32 $0x4F0, s1;
	s1 =	rddreg [dreg:$0x2]  }
0x9: {  	_ =	strace $0x8000004D;
	s8 =	sadd.s32 s7, s8;
	s31 =	sshrl.u32 s9, $0x2  }
0xa: {  	s13 =	ssub.s32 s5, s30;
	s5 =	sadd.s32 s7, s2;
	s8 =	sshrl.u32 s8, $0x3  }
0xb: {  	s9 =	sadd.s32 s31, s2;
	s13 =	smax.u32 s13, $0x1;
	s11 =	sadd.s32 s4, s6  }
0xc: {  	s4 =	sadd.s32 $0xC600, s6;
	s12 =	sadd.s32 s8, s6;
	s6 =	sadd.s32 $0x1000, s9  }
0xd: {  	s7 =	sadd.s32 $0x2000, s9;
	s8 =	sadd.s32 $0x3000, s9;
	s9 =	sadd.s32 $0x4000, s9  }
0xe: {  	v0 =	vimm.f32 $0.0e+00;
	s10 =	sadd.s32 $0x16400, s11;
	s11 =	sadd.s32 $0x2800, s11;
	s12 =	sadd.s32 $0x20200, s12  }
.LBB2_1:
0xf: {  	s20 =	simm.s32 $0x80;
	s21 =	simm.s32 $0x0  }
.LBB2_2:
0x10: {  	p0 =	sne.s32 s20, $0x3F80;
	[tilespmem:s21+$0x4F00] =	vst v0;
	s22 =	smov.u32 s20;
	s20 =	sadd.s32 $0x80, s20  }
.Ltmp0:
0x11: {  	[tilespmem:s21+$0x4F10] =	vst v0;
	(pc) =	sbr.rel @p0 .LBB2_2-.Ltmp0, $2  }
0x12: {  	_ =	sdelay $0x2  }
0x13: {  	s21 =	sshra.s32 s22, $0x2  }
0x14: {  	[tilespmem:s21+$0x4F00] =	vst v0  }
0x15: {  	[tilespmem:s21+$0x4F10] =	vst v0  }
0x16: {  	[spmem:s5] =	stream.linear.scatter [tilespmem:s14], [sflag:$0x2], $0x1000, $0x38;
	[tilespmem:$0xAE00] =	vst v63  }
0x17: {  	_ =	swait.ge [sflag:s15], $0x1000  }
0x18: {  	[sflag:s15] =	ssyncset.done $0x0  }
0x19: {  	[sflag:s15] =	ssyncadd.s32 $0xFFFFF000  }
0x1a: {  	[spmem:s6] =	stream.linear.scatter [tilespmem:s14], [sflag:$0x2], $0x1000, $0x38;
	[tilespmem:$0xAE00] =	vst v63  }
0x1b: {  	_ =	swait.ge [sflag:s15], $0x1000  }
0x1c: {  	[sflag:s15] =	ssyncset.done $0x0  }
0x1d: {  	[sflag:s15] =	ssyncadd.s32 $0xFFFFF000  }
0x1e: {  	[spmem:s7] =	stream.linear.scatter [tilespmem:s14], [sflag:$0x2], $0x1000, $0x38;
	[tilespmem:$0xAE00] =	vst v63  }
0x1f: {  	_ =	swait.ge [sflag:s15], $0x1000  }
0x20: {  	[sflag:s15] =	ssyncset.done $0x0  }
0x21: {  	[sflag:s15] =	ssyncadd.s32 $0xFFFFF000  }
0x22: {  	[spmem:s8] =	stream.linear.scatter [tilespmem:s14], [sflag:$0x2], $0x1000, $0x38;
	[tilespmem:$0xAE00] =	vst v63  }
0x23: {  	_ =	swait.ge [sflag:s15], $0x1000  }
0x24: {  	[sflag:s15] =	ssyncset.done $0x0  }
0x25: {  	[sflag:s15] =	ssyncadd.s32 $0xFFFFF000  }
0x26: {  	[spmem:s9] =	stream.linear.scatter [tilespmem:s14], [sflag:$0x2], $0xF00, $0x38;
	[tilespmem:$0xAE00] =	vst v63  }
0x27: {  	_ =	swait.ge [sflag:s15], $0xF00  }
0x28: {  	[sflag:s15] =	ssyncset.done $0x0  }
0x29: {  	s20 =	simm.s32 $0x0;
	[sflag:s15] =	ssyncadd.s32 $0xFFFFF100  }
0x2a: {  	[tilespmem:s20], [sflag:$0x2] =	stream.linear.gather [hbm4b:s10+s20], $0x2780, $0x38;
	[tilespmem:$0xAE00] =	vst v63  }
0x2b: {  	_ =	swait.ge [sflag:s15], $0x2780  }
0x2c: {  	[sflag:s15] =	ssyncset.done $0x0  }
0x2d: {  	[sflag:s15] =	ssyncadd.s32 $0xFFFFD880  }
0x2e: {  	[tilespmem:s16], [sflag:$0x2] =	stream.linear.gather [hbm4b:s11+s20], $0x2780, $0x38;
	[tilespmem:$0xAE00] =	vst v63  }
0x2f: {  	_ =	swait.ge [sflag:s15], $0x2780  }
0x30: {  	[sflag:s15] =	ssyncset.done $0x0  }
0x31: {  	[sflag:s15] =	ssyncadd.s32 $0xFFFFD880  }
0x32: {  	s30 =	simm.s32 $0x0;
	[bflag:$0x0] =	sbarrier.arrive $0xFFFF  }
0x33: {  	[tilespmem:s14], [sflag:$0x1] =	stream.indirect.gather [hbm4b:s4+s17], $0x20, s30, s17, $0xb8;
	[tilespmem:$0xAE00] =	vst v63  }
0x34: {  	_ =	swait.ge [sflag:s18], $0x1000  }
0x35: {  	[sflag:s18] =	ssyncset.done $0x0  }
0x36: {  	s31 =	simm.s32 $0x2780;
	[sflag:s18] =	ssyncadd.s32 $0xFFFFF000  }
0x37: {  	[spmem:s2] =	stream.indirect.scatter.add.f32 [tilespmem:s14], [sflag:$0x2], $0x20, s31, s17, $0xb8;
	[tilespmem:$0xAE00] =	vst v63  }
0x38: {  	_ =	swait.ge [sflag:s15], $0x1000  }
0x39: {  	s21 =	simm.s32 $0x400;
	s20 =	simm.s32 $0x200;
	[sflag:s15] =	ssyncset.done $0x0  }
.LBB2_4:
0x3a: {  	s22 =	sshra.s32 s20, $0x2  }
0x3b: {  	[sflag:s15] =	ssyncadd.s32 $0xFFFFF000;
	s20 =	smov.u32 s21;
	s23 =	sadd.s32 $0x200, s21  }
0x3c: {  	[tilespmem:s14], [sflag:$0x1] =	stream.indirect.gather [hbm4b:s4+s17], $0x20, s22, s17, $0xb8;
	[tilespmem:$0xAE00] =	vst v63  }
0x3d: {  	p0 =	sne.s32 s21, $0x9C00;
	_ =	swait.ge [sflag:s18], $0x1000  }
.Ltmp1:
0x3e: {  	[sflag:s18] =	ssyncset.done $0x0;
	(pc) =	sbr.rel @p0 .LBB2_4-.Ltmp1, $4  }
0x3f: {  	s21 =	sadd.s32 $0x2780, s22;
	[sflag:s18] =	ssyncadd.s32 $0xFFFFF000  }
0x40: {  	[spmem:s2] =	stream.indirect.scatter.add.f32 [tilespmem:s14], [sflag:$0x2], $0x20, s21, s17, $0xb8;
	[tilespmem:$0xAE00] =	vst v63  }
0x41: {  	_ =	swait.ge [sflag:s15], $0x1000  }
0x42: {  	s21 =	smov.u32 s23;
	[sflag:s15] =	ssyncset.done $0x0  }
0x43: {  	s20 =	sshra.s32 s20, $0x2;
	[sflag:s15] =	ssyncadd.s32 $0xFFFFF000  }
0x44: {  	[tilespmem:s14], [sflag:$0x1] =	stream.indirect.gather [hbm4b:s4+s17], $0x20, s20, s17, $0xb8;
	[tilespmem:$0xAE00] =	vst v63  }
0x45: {  	_ =	swait.ge [sflag:s18], $0x1000  }
0x46: {  	[sflag:s18] =	ssyncset.done $0x0  }
0x47: {  	s20 =	sadd.s32 $0x2780, s20;
	[sflag:s18] =	ssyncadd.s32 $0xFFFFF000  }
0x48: {  	[spmem:s2] =	stream.indirect.scatter.add.f32 [tilespmem:s14], [sflag:$0x2], $0x20, s20, s17, $0xb8;
	[tilespmem:$0xAE00] =	vst v63  }
0x49: {  	_ =	swait.ge [sflag:s15], $0x1000  }
0x4a: {  	s3 =	sadd.s32 $0x1, s3;
	[sflag:s15] =	ssyncset.done $0x0  }
0x4b: {  	p0 =	sne.s32 s3, s13;
	[sflag:s15] =	ssyncadd.s32 $0xFFFFF000  }
.Ltmp2:
0x4c: {  	s31 =	sshrl.u32 s5, $0x3;
	[bflag:$0x0] =	sbarrier.arrive $0xFFFF;
	(pc) =	sbr.rel @p0 .LBB2_1-.Ltmp2, $4  }
0x4d: {  	[hbm:s12], [sflag:s19] =	dma.local [spmem:s31], $0x9E0  }
0x4e: {  	_ =	swait.ge [sflag:s15], $0x9E0  }
0x4f: {  	[sflag:s15] =	ssyncset.done $0x0  }
0x50: {  	[sflag:s15] =	ssyncadd.s32 $0xFFFFF620  }
0x51: {  	_ =	sfence.sel $0x180000  }
0x52: {  	[bflag:$0x0] =	sbarrier.arrive $0xFFFF  }
0x53: {  	p0 =	sne.s32 s0, $0x0;
	_ =	strace $0x9000004D  }
0x54: {  	s0 =	sadd.s32 @!p0 $0x100000, s1;
	[bflag:$0x2] =	sbarrier.arrive $0xFFFF  }
0x55: {  	[sflag:s0] =	ssyncadd.tile.s32 @!p0 $0x1;
	_ =	shalt  }
.Lfunc_end2:
_tile_overlayer_lowered:
.L_overlay_start_2:
0x56: {  	(tag) =	ssettag $0x2  }
0x57: {  	s0 =	rddreg [dreg:$0x0];
	s2 =	stileid.u32  }
0x58: {  	s1 =	rddreg [dreg:$0x1];
	p0 =	sne.s32 s2, $0x0  }
0x59: {  	s3 =	rddreg [dreg:$0x2];
	[bflag:$0x3] =	sbarrier.arrive $0xFFFF;
	s2 =	simm.s32 @!p0 $0x1C02  }
0x5a: {  	[timem:s3], [sflag:s2] =	dma.local @!p0 [hbm:s0], s1  }
0x5b: {  	s0 =	simm.s32 @!p0 $0x2  }
0x5c: {  	_ =	swait.ge @!p0 [sflag:s0], s1  }
0x5d: {  	s1 =	ssub.s32 @!p0 $0x0, s1;
	[sflag:s0] =	ssyncset.done @!p0 $0x0  }
0x5e: {  	[sflag:s0] =	ssyncadd.s32 @!p0 s1  }
0x5f: {  	[bflag:$0x3] =	sbarrier.arrive $0xFFFF  }
0x60: {  	_ =	shalt  }

// kernel: kernel.19.cloned.1.call-start
scs
__scs_entry_jumppad:
0x0: {  	(pc) =	sbr.rel $0x88, $3  }
0x1: {  	(tag) =	ssettag $0x0;
	lr =	simm.s32 $0x1  }
0x2: {  	[smem:$0x3F94] =	sst lr;
	_ =	strace $0xD0000000  }
0x3: {  	_ = 	snop  }
0x4: {  	_ = 	snop  }
0x5: {  	_ = 	snop  }
0x6: {  	_ = 	snop  }
0x7: {  	_ = 	snop  }
__scs_overlays_trampoline_lowered:
0x8: {  	[smem:$0x3FA3] =	sst s0  }
0x9: {  	[smem:$0x3FA4] =	sst s1  }
0xa: {  	[smem:$0x3FA5] =	sst s2  }
0xb: {  	[smem:$0x3FA6] =	sst s3  }
0xc: {  	[smem:$0x3FA7] =	sst s4  }
0xd: {  	[smem:$0x3FA8] =	sst s5  }
0xe: {  	[smem:$0x3FA9] =	sst s6  }
0xf: {  	[smem:$0x3FAA] =	sst s7  }
0x10: {  	[smem:$0x3FAB] =	sst s8  }
0x11: {  	[smem:$0x3FAC] =	sst s9;
	s0 =	simm.s32 @!p0 $0x0  }
0x12: {  	s1 =	sld [smem:$0x3F92];
	s0 =	simm.s32 @p0 $0x1  }
0x13: {  	[smem:$0x3FAD] =	sst s0;
	s0 =	simm.s32 @!p1 $0x0  }
0x14: {  	s2 =	sld [smem:$0x3F91];
	s0 =	simm.s32 @p1 $0x1  }
0x15: {  	[smem:$0x3FAE] =	sst s0;
	s0 =	simm.s32 @!p2 $0x0  }
0x16: {  	s3 =	sld [smem:$0x3FDB];
	s0 =	simm.s32 @p2 $0x1  }
0x17: {  	s4 =	simm.s32 $0x1BF5;
	[smem:$0x3FB0] =	sst s0  }
0x18: {  	s0 =	sld [smem:$0x3F93];
	_ =	swait.ge [sflag:s4], $0x0  }
0x19: {  	s7 =	sld [smem:$0x3F94]  }
0x1a: {  	s8 =	sadd.s32 $0xFFFFE003, lr  }
0x1b: {  	s9 =	sadd.s32 $0xFFFFFEF7, lr;
	s5 =	simm.s32 $0xFFFFFFFF;
	p2 =	slt.u32 s8, $0xFFFFF086  }
0x1c: {  	p1 =	slt.u32 s9, $0xF7A;
	s5 =	simm.s32 @!p2 $0x0  }
0x1d: {  	s5 =	simm.s32 @p1 $0x1;
	p0 =	seq.s32 s7, s2  }
0x1e: {  	s7 =	smul.u32 @!p0 $0xF7A, s2;
	p2 =	seq.s32 @!p0 s5, $0x0  }
0x1f: {  	s9 =	smul.u32 $0xF7A, s1;
	s8 =	simm.s32 @!p0 $0x1BF5;
	p2 =	por !p2, p0  }
0x20: {  	[sflag:s8] =	ssyncset.s32 @!p0 $0xFFFFF086;
	s6 =	sadd.s32 @!p0 s3, s7;
	s7 =	simm.s32 @!p0 $0x108  }
0x21: {  	s3 =	sadd.s32 s3, s9;
	s6 =	sadd.s32 @!p0 $0x88, s6;
	s7 =	simm.s32 @p2 $0x1082  }
0x22: {  	[simem:s7], [sflag:s8] =	dma.local @!p0 [hbm:s6], $0xF7A  }
0x23: {  	s9 =	sor.u32 $0xD0000000, s2;
	s6 =	simm.s32 $0x108;
	_ =	swait.ge @!p0 [sflag:s8], $0x0  }
0x24: {  	s3 =	sadd.s32 $0x88, s3;
	s6 =	simm.s32 @!p1 $0x1082;
	[sflag:s4] =	ssyncset.s32 $0xFFFFF086  }
0x25: {  	[simem:s6], [sflag:s4] =	dma.local [hbm:s3], $0xF7A  }
0x26: {  	[smem:$0x3F94] =	sst s1;
	(tag) =	ssettag s2;
	_ =	strace s9  }
0x27: {  	s1 =	sld [smem:$0x3FA4]  }
0x28: {  	s2 =	sld [smem:$0x3FA5]  }
0x29: {  	s4 =	sld [smem:$0x3FA7]  }
0x2a: {  	p0 =	seq.s32 s5, $0x0;
	s5 =	sld [smem:$0x3FA8]  }
0x2b: {  	s6 =	sld [smem:$0x3FA9]  }
0x2c: {  	s7 =	sld [smem:$0x3FAA]  }
0x2d: {  	s3 =	simm.s32 $0x108;
	s8 =	sld [smem:$0x3FAB]  }
0x2e: {  	s3 =	simm.s32 @!p0 $0x1082;
	s9 =	sld [smem:$0x3FAC]  }
0x2f: {  	lr =	sadd.s32 s0, s3;
	s0 =	sld [smem:$0x3FA3]  }
0x30: {  	s3 =	sld [smem:$0x3FA6]  }
0x31: {  	[smem:$0x3FAF] =	sst s10  }
0x32: {  	s10 =	sld [smem:$0x3FAD];
	_ =	sdelay $0x3  }
0x33: {  	p0 =	seq.s32 s10, $0x1;
	s10 =	sld [smem:$0x3FAF];
	_ =	sdelay $0x3  }
0x34: {  	[smem:$0x3FAF] =	sst s10  }
0x35: {  	s10 =	sld [smem:$0x3FAE];
	_ =	sdelay $0x3  }
0x36: {  	p1 =	seq.s32 s10, $0x1;
	s10 =	sld [smem:$0x3FAF];
	_ =	sdelay $0x3  }
0x37: {  	[smem:$0x3FAF] =	sst s10  }
0x38: {  	s10 =	sld [smem:$0x3FB0]  }
0x39: {  	_ = 	snop;
	(pc) =	sbr.ind lr, $3  }
0x3a: {  	_ = 	snop  }
0x3b: {  	_ = 	snop  }
0x3c: {  	p2 =	seq.s32 s10, $0x1;
	s10 =	sld [smem:$0x3FAF]  }
0x3d: {  	_ =	shalt  }
0x3e: {  	_ =	shalt  }
0x3f: {  	_ =	shalt  }
0x40: {  	_ =	shalt  }
0x41: {  	_ =	shalt  }
0x42: {  	_ =	shalt  }
0x43: {  	_ =	shalt  }
0x44: {  	_ =	shalt  }
0x45: {  	_ =	shalt  }
0x46: {  	_ =	shalt  }
0x47: {  	_ =	shalt  }
0x48: {  	_ =	shalt  }
0x49: {  	_ =	shalt  }
0x4a: {  	_ =	shalt  }
0x4b: {  	_ =	shalt  }
0x4c: {  	_ =	shalt  }
0x4d: {  	_ =	shalt  }
0x4e: {  	_ =	shalt  }
0x4f: {  	_ =	shalt  }
0x50: {  	_ =	shalt  }
0x51: {  	_ =	shalt  }
0x52: {  	_ =	shalt  }
0x53: {  	_ =	shalt  }
0x54: {  	_ =	shalt  }
0x55: {  	_ =	shalt  }
0x56: {  	_ =	shalt  }
0x57: {  	_ =	shalt  }
0x58: {  	_ =	shalt  }
0x59: {  	_ =	shalt  }
0x5a: {  	_ =	shalt  }
0x5b: {  	_ =	shalt  }
0x5c: {  	_ =	shalt  }
0x5d: {  	_ =	shalt  }
0x5e: {  	_ =	shalt  }
0x5f: {  	_ =	shalt  }
0x60: {  	_ =	shalt  }
0x61: {  	_ =	shalt  }
0x62: {  	_ =	shalt  }
0x63: {  	_ =	shalt  }
0x64: {  	_ =	shalt  }
0x65: {  	_ =	shalt  }
0x66: {  	_ =	shalt  }
0x67: {  	_ =	shalt  }
0x68: {  	_ =	shalt  }
0x69: {  	_ =	shalt  }
0x6a: {  	_ =	shalt  }
0x6b: {  	_ =	shalt  }
0x6c: {  	_ =	shalt  }
0x6d: {  	_ =	shalt  }
0x6e: {  	_ =	shalt  }
0x6f: {  	_ =	shalt  }
0x70: {  	_ =	shalt  }
0x71: {  	_ =	shalt  }
0x72: {  	_ =	shalt  }
0x73: {  	_ =	shalt  }
0x74: {  	_ =	shalt  }
0x75: {  	_ =	shalt  }
0x76: {  	_ =	shalt  }
0x77: {  	_ =	shalt  }
0x78: {  	_ =	shalt  }
0x79: {  	_ =	shalt  }
0x7a: {  	_ =	shalt  }
0x7b: {  	_ =	shalt  }
0x7c: {  	_ =	shalt  }
0x7d: {  	_ =	shalt  }
0x7e: {  	_ =	shalt  }
0x7f: {  	_ =	shalt  }
0x80: {  	_ =	shalt  }
0x81: {  	_ =	shalt  }
0x82: {  	_ =	shalt  }
0x83: {  	_ =	shalt  }
0x84: {  	_ =	shalt  }
0x85: {  	_ =	shalt  }
0x86: {  	_ =	shalt  }
0x87: {  	_ =	shalt  }
.Lfunc_end0:
.L_simem_size_0:
called_computation.3_lowered:
.L_overlay_start_0:
0x88: {  	s2 =	sld [smem:$0x3FD9]  }
0x89: {  	s3 =	sld [smem:$0x3FFE];
	_ =	sdelay $0x1  }
0x8a: {  	s1 =	srdreg.scid  }
0x8b: {  	s0 =	sand.u32 $0x1, s1  }
0x8c: {  	s16 =	sshll.u32 s0, $0xA;
	s2 =	sadd.s32 s3, s2  }
0x8d: {  	s2 =	sadd.s32 s2, s16  }
0x8e: {  	[smem:$0x3FBB] =	sst s2  }
0x8f: {  	_ = 	snop  }
0x90: {  	(tm) =	ssettm $0x1  }
0x91: {  	s17 =	sld [smem:$0x3FFB];
	_ =	sdelay $0x3  }
0x92: {  	_ =	strace s17  }
0x93: {  	s2 =	sld [smem:$0x3FFC];
	_ =	sdelay $0x3  }
0x94: {  	_ =	strace s2  }
0x95: {  	s2 =	sld [smem:$0x3FFD];
	_ =	sdelay $0x3  }
0x96: {  	_ =	strace s2  }
0x97: {  	_ =	strace $0x8FFFFFFF  }
0x98: {  	s18 =	sld [smem:$0x3FDB];
	_ =	sdelay $0x1  }
0x99: {  	s19 =	simm.s32 $_scs_section_size  }
0x9a: {  	s4 =	simm.s32 $_size__tile_overlayer_lowered;
	s5 =	simm.s32 $_tile_overlayer_lowered  }
0x9b: {  	s22 =	simm.s32 $0x1BFF;
	s21 =	sshll.u32 s5, $0x1;
	s2 =	sadd.s32 s19, s18  }
0x9c: {  	s6 =	simm.s32 $0x0;
	s20 =	sshll.u32 s4, $0x1;
	s4 =	sadd.s32 s21, s2  }
0x9d: {  	[timem:s6], [sflag:s22] =	dma.local [hbm:s4], s20  }
0x9e: {  	_ =	swait.ge [sflag:s22], s20  }
0x9f: {  	s3 =	ssub.s32 $0x0, s20;
	[sflag:s22] =	ssyncset.done $0x0  }
0xa0: {  	[sflag:s22] =	ssyncadd.s32 s3;
	_ =	sdelay $0x1  }
0xa1: {  	s23 =	simm.s32 $0x1B8B  }
0xa2: {  	_ =	swait.ge [sflag:s23], $0x1  }
0xa3: {  	[sflag:s23] =	ssyncset.done $0x0  }
0xa4: {  	s25 =	simm.s32 $0x1B8E;
	s24 =	sld [smem:$0x3FFE];
	[sflag:s23] =	ssyncadd.s32 $0xFFFFFFFF  }
0xa5: {  	s26 =	simm.s32 $execute0_lowered;
	[smem:$0x3FD2] =	sst s25  }
0xa6: {  	s4 =	sshll.u32 s26, $0x1;
	_ =	strace $0x8000004F;
	[dreg:$0x1] =	wrdreg $0xFFFFFFFF  }
0xa7: {  	s28 =	simm.s32 $_size_execute0_lowered;
	s2 =	sadd.s32 s2, s4;
	[dreg:$0x0] =	wrdreg $0x0  }
0xa8: {  	s4 =	sshll.u32 s28, $0x1;
	[dreg:$0x2] =	wrdreg s2  }
0xa9: {  	[dreg:$0x3] =	wrdreg s4  }
0xaa: {  	[dreg:$0x4] =	wrdreg $0xC0  }
0xab: {  	_ =	task [dreg:s6], $0x5FFFF  }
0xac: {  	[dreg:$0x1] =	wrdreg $0xFFFFFFFF  }
0xad: {  	[dreg:$0x0] =	wrdreg $0x60  }
0xae: {  	[dreg:$0x2] =	wrdreg s24  }
0xaf: {  	[dreg:$0x3] =	wrdreg $0x6F000  }
0xb0: {  	[dreg:$0x4] =	wrdreg $0x9  }
0xb1: {  	_ =	task.clear_ibuf [dreg:s6], $0x5FFFF;
	_ =	strace $0x9000004F  }
0xb2: {  	s29 =	simm.s32 $0x9;
	_ =	strace $0x80000051  }
0xb3: {  	_ =	swait.ge [sflag:s29], $0x1  }
0xb4: {  	[sflag:s29] =	ssyncadd.s32 $0xFFFFFFFF  }
0xb5: {  	_ =	strace $0x90000051  }
0xb6: {  	_ =	sfence  }
0xb7: {  	s30 =	sld [smem:$0x0];
	_ =	sdelay $0x2  }
0xb8: {  	s31 =	sshll.u32 s1, $0xD;
	s1 =	sshrl.u32 s1, $0x2  }
0xb9: {  	s3 =	sand.u32 $0x4000, s31;
	s1 =	sadd.s32 s1, s30  }
0xba: {  	s0 =	sor.u32 s3, s0;
	s1 =	sshll.u32 s1, $0x11  }
0xbb: {  	s0 =	sor.u32 s1, s0  }
0xbc: {  	s0 =	sadd.s32 $0x8F2B, s0  }
0xbd: {  	[sflag:s0] =	ssyncadd.remote.s32 $0x1  }
0xbe: {  	_ =	sfence.sel $0xFFFF  }
0xbf: {  	[dreg:$0x0] =	wrdreg $0xFFFFFFFF;
	(pc) =	sbr.abs _section_cstart, $3  }
0xc0: {  	[dreg:$0x1] =	wrdreg $0xFFFFFFFF  }
0xc1: {  	_ =	task.clear_ibuf [dreg:s6], $0x2FFFF;
	_ =	strace $0x9FFFFFFF  }
0xc2: {  	(tm) =	ssettm $0x7FFFFFFF  }
0xc3: {  	_ =	shalt  }
tec
execute0_lowered:
.L_overlay_start_1:
0x0: {  	(tag) =	ssettag $0x1  }
0x1: {  	s0 =	srdreg.scid;
	s6 =	rddreg [dreg:$0x0]  }
0x2: {  	s2 =	rddreg [dreg:$0x1];
	s3 =	simm.s32 $0x0;
	s14 =	simm.s32 $0x4F00  }
0x3: {  	s15 =	simm.s32 $0x2;
	s5 =	sand.u32 $0x1, s0;
	s0 =	stileid.u32  }
0x4: {  	s16 =	simm.s32 $0x2780;
	s17 =	simm.s32 $0x80;
	s7 =	smul.u32 $0x9E00, s0  }
0x5: {  	s18 =	simm.s32 $0x1;
	[smem:$0x7FF] =	sst s3;
	s8 =	smul.u32 $0x9E000, s5  }
0x6: {  	s1 =	sshll.u32 s5, $0x4;
	s9 =	smul.u32 $0x27800, s0;
	s5 =	ssub.s32 $0x2, s5  }
0x7: {  	s19 =	sshll.u32 s0, $0x6;
	s1 =	sor.u32 s0, s1;
	s30 =	sshrl.u32 s5, $0x1  }
0x8: {  	s19 =	sor.u32 $0x1C02, s19;
	s4 =	smul.u32 $0x4F0, s1;
	s1 =	rddreg [dreg:$0x2]  }
0x9: {  	_ =	strace $0x80000050;
	s8 =	sadd.s32 s7, s8;
	s31 =	sshrl.u32 s9, $0x2  }
0xa: {  	s13 =	ssub.s32 s5, s30;
	s5 =	sadd.s32 s7, s2;
	s8 =	sshrl.u32 s8, $0x3  }
0xb: {  	s9 =	sadd.s32 s31, s2;
	s13 =	smax.u32 s13, $0x1;
	s11 =	sadd.s32 s4, s6  }
0xc: {  	s4 =	sadd.s32 $0x20200, s6;
	s12 =	sadd.s32 s8, s6;
	s6 =	sadd.s32 $0x2000, s9  }
0xd: {  	s7 =	sadd.s32 $0x4000, s9;
	s8 =	sadd.s32 $0x6000, s9;
	s9 =	sadd.s32 $0x8000, s9  }
0xe: {  	v0 =	vimm.f32 $0.0e+00;
	s10 =	sadd.s32 $0x16400, s11;
	s11 =	sadd.s32 $0x2800, s11;
	s12 =	sadd.s32 $0x33E00, s12  }
.LBB2_1:
0xf: {  	s21 =	simm.s32 $0x100;
	s20 =	simm.s32 $0x0  }
.LBB2_2:
0x10: {  	p0 =	sne.s32 s21, $0x7F00;
	[tilespmem:s20+$0x4F30] =	vst v0;
	s22 =	smov.u32 s21;
	s21 =	sadd.s32 $0x100, s21  }
.Ltmp0:
0x11: {  	[tilespmem:s20+$0x4F20] =	vst v0;
	(pc) =	sbr.rel @p0 .LBB2_2-.Ltmp0, $3  }
0x12: {  	[tilespmem:s20+$0x4F00] =	vst v0  }
0x13: {  	[tilespmem:s20+$0x4F10] =	vst v0;
	_ =	sdelay $0x1  }
0x14: {  	s20 =	sshra.s32 s22, $0x2  }
0x15: {  	[tilespmem:s20+$0x4F30] =	vst v0  }
0x16: {  	[tilespmem:s20+$0x4F20] =	vst v0  }
0x17: {  	[tilespmem:s20+$0x4F00] =	vst v0  }
0x18: {  	[tilespmem:s20+$0x4F10] =	vst v0  }
0x19: {  	[spmem:s5] =	stream.linear.scatter [tilespmem:s14], [sflag:$0x2], $0x2000, $0x38;
	[tilespmem:$0x10D00] =	vst v63  }
0x1a: {  	_ =	swait.ge [sflag:s15], $0x2000  }
0x1b: {  	[sflag:s15] =	ssyncset.done $0x0  }
0x1c: {  	[sflag:s15] =	ssyncadd.s32 $0xFFFFE000  }
0x1d: {  	[spmem:s6] =	stream.linear.scatter [tilespmem:s14], [sflag:$0x2], $0x2000, $0x38;
	[tilespmem:$0x10D00] =	vst v63  }
0x1e: {  	_ =	swait.ge [sflag:s15], $0x2000  }
0x1f: {  	[sflag:s15] =	ssyncset.done $0x0  }
0x20: {  	[sflag:s15] =	ssyncadd.s32 $0xFFFFE000  }
0x21: {  	[spmem:s7] =	stream.linear.scatter [tilespmem:s14], [sflag:$0x2], $0x2000, $0x38;
	[tilespmem:$0x10D00] =	vst v63  }
0x22: {  	_ =	swait.ge [sflag:s15], $0x2000  }
0x23: {  	[sflag:s15] =	ssyncset.done $0x0  }
0x24: {  	[sflag:s15] =	ssyncadd.s32 $0xFFFFE000  }
0x25: {  	[spmem:s8] =	stream.linear.scatter [tilespmem:s14], [sflag:$0x2], $0x2000, $0x38;
	[tilespmem:$0x10D00] =	vst v63  }
0x26: {  	_ =	swait.ge [sflag:s15], $0x2000  }
0x27: {  	[sflag:s15] =	ssyncset.done $0x0  }
0x28: {  	[sflag:s15] =	ssyncadd.s32 $0xFFFFE000  }
0x29: {  	[spmem:s9] =	stream.linear.scatter [tilespmem:s14], [sflag:$0x2], $0x1E00, $0x38;
	[tilespmem:$0x10D00] =	vst v63  }
0x2a: {  	_ =	swait.ge [sflag:s15], $0x1E00  }
0x2b: {  	[sflag:s15] =	ssyncset.done $0x0  }
0x2c: {  	s29 =	simm.s32 $0x0;
	[sflag:s15] =	ssyncadd.s32 $0xFFFFE200  }
0x2d: {  	[tilespmem:s29], [sflag:$0x2] =	stream.linear.gather [hbm4b:s10+s29], $0x2780, $0x38;
	[tilespmem:$0x10D00] =	vst v63  }
0x2e: {  	_ =	swait.ge [sflag:s15], $0x2780  }
0x2f: {  	[sflag:s15] =	ssyncset.done $0x0  }
0x30: {  	[sflag:s15] =	ssyncadd.s32 $0xFFFFD880  }
0x31: {  	[tilespmem:s16], [sflag:$0x2] =	stream.linear.gather [hbm4b:s11+s29], $0x2780, $0x38;
	[tilespmem:$0x10D00] =	vst v63  }
0x32: {  	_ =	swait.ge [sflag:s15], $0x2780  }
0x33: {  	[sflag:s15] =	ssyncset.done $0x0  }
0x34: {  	[sflag:s15] =	ssyncadd.s32 $0xFFFFD880  }
0x35: {  	s30 =	simm.s32 $0x0;
	[bflag:$0x0] =	sbarrier.arrive $0xFFFF  }
0x36: {  	[tilespmem:s14], [sflag:$0x1] =	stream.indirect.gather [hbm4b:s4+s17], $0x40, s30, s17, $0xb8;
	[tilespmem:$0x10D00] =	vst v63  }
0x37: {  	_ =	swait.ge [sflag:s18], $0x2000  }
0x38: {  	[sflag:s18] =	ssyncset.done $0x0  }
0x39: {  	s31 =	simm.s32 $0x2780;
	[sflag:s18] =	ssyncadd.s32 $0xFFFFE000  }
0x3a: {  	[spmem:s2] =	stream.indirect.scatter.add.f32 [tilespmem:s14], [sflag:$0x2], $0x40, s31, s17, $0xb8;
	[tilespmem:$0x10D00] =	vst v63  }
0x3b: {  	_ =	swait.ge [sflag:s15], $0x2000  }
0x3c: {  	s20 =	simm.s32 $0x200;
	s21 =	simm.s32 $0x400;
	[sflag:s15] =	ssyncset.done $0x0  }
.LBB2_4:
0x3d: {  	s22 =	sshra.s32 s20, $0x2  }
0x3e: {  	[sflag:s15] =	ssyncadd.s32 $0xFFFFE000;
	s20 =	smov.u32 s21;
	s23 =	sadd.s32 $0x200, s21  }
0x3f: {  	[tilespmem:s14], [sflag:$0x1] =	stream.indirect.gather [hbm4b:s4+s17], $0x40, s22, s17, $0xb8;
	[tilespmem:$0x10D00] =	vst v63  }
0x40: {  	p0 =	sne.s32 s21, $0x9C00;
	_ =	swait.ge [sflag:s18], $0x2000  }
.Ltmp1:
0x41: {  	[sflag:s18] =	ssyncset.done $0x0;
	(pc) =	sbr.rel @p0 .LBB2_4-.Ltmp1, $4  }
0x42: {  	s21 =	sadd.s32 $0x2780, s22;
	[sflag:s18] =	ssyncadd.s32 $0xFFFFE000  }
0x43: {  	[spmem:s2] =	stream.indirect.scatter.add.f32 [tilespmem:s14], [sflag:$0x2], $0x40, s21, s17, $0xb8;
	[tilespmem:$0x10D00] =	vst v63  }
0x44: {  	_ =	swait.ge [sflag:s15], $0x2000  }
0x45: {  	s21 =	smov.u32 s23;
	[sflag:s15] =	ssyncset.done $0x0  }
0x46: {  	s20 =	sshra.s32 s20, $0x2;
	[sflag:s15] =	ssyncadd.s32 $0xFFFFE000  }
0x47: {  	[tilespmem:s14], [sflag:$0x1] =	stream.indirect.gather [hbm4b:s4+s17], $0x40, s20, s17, $0xb8;
	[tilespmem:$0x10D00] =	vst v63  }
0x48: {  	_ =	swait.ge [sflag:s18], $0x2000  }
0x49: {  	[sflag:s18] =	ssyncset.done $0x0  }
0x4a: {  	s20 =	sadd.s32 $0x2780, s20;
	[sflag:s18] =	ssyncadd.s32 $0xFFFFE000  }
0x4b: {  	[spmem:s2] =	stream.indirect.scatter.add.f32 [tilespmem:s14], [sflag:$0x2], $0x40, s20, s17, $0xb8;
	[tilespmem:$0x10D00] =	vst v63  }
0x4c: {  	_ =	swait.ge [sflag:s15], $0x2000  }
0x4d: {  	s3 =	sadd.s32 $0x1, s3;
	[sflag:s15] =	ssyncset.done $0x0  }
0x4e: {  	p0 =	sne.s32 s3, s13;
	[sflag:s15] =	ssyncadd.s32 $0xFFFFE000  }
.Ltmp2:
0x4f: {  	s31 =	sshrl.u32 s5, $0x3;
	[bflag:$0x0] =	sbarrier.arrive $0xFFFF;
	(pc) =	sbr.rel @p0 .LBB2_1-.Ltmp2, $4  }
0x50: {  	[hbm:s12], [sflag:s19] =	dma.local [spmem:s31], $0x13C0  }
0x51: {  	_ =	swait.ge [sflag:s15], $0x13C0  }
0x52: {  	[sflag:s15] =	ssyncset.done $0x0  }
0x53: {  	[sflag:s15] =	ssyncadd.s32 $0xFFFFEC40  }
0x54: {  	_ =	sfence.sel $0x180000  }
0x55: {  	[bflag:$0x0] =	sbarrier.arrive $0xFFFF  }
0x56: {  	p0 =	sne.s32 s0, $0x0;
	_ =	strace $0x90000050  }
0x57: {  	s0 =	sadd.s32 @!p0 $0x100000, s1;
	[bflag:$0x2] =	sbarrier.arrive $0xFFFF  }
0x58: {  	[sflag:s0] =	ssyncadd.tile.s32 @!p0 $0x1;
	_ =	shalt  }
.Lfunc_end2:
_tile_overlayer_lowered:
.L_overlay_start_2:
0x59: {  	(tag) =	ssettag $0x2  }
0x5a: {  	s0 =	rddreg [dreg:$0x0];
	s2 =	stileid.u32  }
0x5b: {  	s1 =	rddreg [dreg:$0x1];
	p0 =	sne.s32 s2, $0x0  }
0x5c: {  	s3 =	rddreg [dreg:$0x2];
	[bflag:$0x3] =	sbarrier.arrive $0xFFFF;
	s2 =	simm.s32 @!p0 $0x1C02  }
0x5d: {  	[timem:s3], [sflag:s2] =	dma.local @!p0 [hbm:s0], s1  }
0x5e: {  	s0 =	simm.s32 @!p0 $0x2  }
0x5f: {  	_ =	swait.ge @!p0 [sflag:s0], s1  }
0x60: {  	s1 =	ssub.s32 @!p0 $0x0, s1;
	[sflag:s0] =	ssyncset.done @!p0 $0x0  }
0x61: {  	[sflag:s0] =	ssyncadd.s32 @!p0 s1  }
0x62: {  	[bflag:$0x3] =	sbarrier.arrive $0xFFFF  }
0x63: {  	_ =	shalt  }

</sc_bundles>
